<compile_context>
chip_gen: v7x
topology: tpu7x:2x2x1
jax: 0.10.2.dev20260603
libtpu: 0.0.44.dev20260713+nightly
codegen_flags: <defaults>
</compile_context>

<pallas_src>
import functools

import jax
import jax.numpy as jnp
from jax import lax
from jax.experimental import pallas as pl
from jax.experimental.pallas import tpu as pltpu
from jax.experimental.pallas import tpu_sc as plsc

NUM_SLOTS = 20000


def _sc_body(M, L, ROWS, data_hbm, idx_hbm, table_s, table_t, data_v, idx_v):
    SENT = L
    ZFUSED = (L + 1) * 32 + (L + 1)
    NC = 2
    wid = lax.axis_index("s") * NC + lax.axis_index("c")
    base = wid * ROWS

    sent_vec = jnp.full((16,), SENT, jnp.int32)
    CH = M // 16

    def init(i, carry):
        table_s[pl.ds(i * 16, 16)] = sent_vec
        table_t[pl.ds(i * 16, 16)] = sent_vec
        return carry

    lax.fori_loop(0, NUM_SLOTS // 16, init, 0)

    def row_step(r, carry):
        row = base + r
        pltpu.sync_copy(data_hbm.at[row], data_v)

        def chunk(c):
            w = data_v[pl.ds(c * 16, 16)]
            return w >> 5, w & 31

        def passes(dirty_in):
            for c in range(2 * CH):
                tbl = table_s if c < CH else table_t
                k, p = chunk(c)
                g = plsc.load_gather(tbl, [k])
                plsc.store_scatter(tbl, [k], p, mask=p < g)

            dirty = jnp.zeros((16,), jnp.bool_)
            for c in range(2 * CH):
                own_t, cross_t = ((table_s, table_t) if c < CH
                                  else (table_t, table_s))
                k, p = chunk(c)
                own = plsc.load_gather(own_t, [k])
                cross = plsc.load_gather(cross_t, [k])
                dirty = dirty | (p < own)
                fused = jnp.where(p < SENT, own * 32 + cross, ZFUSED)
                idx_v[pl.ds(c * 16, 16)] = fused
            return jnp.any(dirty)

        lax.while_loop(lambda d: d, passes, jnp.bool_(True))

        for c in range(2 * CH):
            tbl = table_s if c < CH else table_t
            plsc.store_scatter(tbl, [chunk(c)[0]], sent_vec)

        pltpu.sync_copy(idx_v, idx_hbm.at[row])
        return carry

    lax.fori_loop(0, ROWS, row_step, 0)


def _tc_body(M, R, fused_ref, emb_ref, src_out_ref, tgt_out_ref):
    emb = emb_ref[...]
    fused = fused_ref[...][0]
    own = fused >> 5
    cross = (fused & 31) + 32
    jrow = lax.broadcasted_iota(jnp.int32, (64, R * 2 * M), 0)
    ohT = ((jrow == own) | (jrow == cross)).astype(jnp.float32)
    out = lax.dot_general(ohT, emb, (((0,), (0,)), ((), ())),
                          preferred_element_type=jnp.float32)
    for r in range(R):
        src_out_ref[r] = out[r * 2 * M:r * 2 * M + M, :]
        tgt_out_ref[r] = out[r * 2 * M + M:(r + 1) * 2 * M, :]


def kernel(src_walks, tgt_walks, src_lens, tgt_lens, own_emb, cross_emb):
    B, K, L = src_walks.shape
    M = K * L
    HALF = own_emb.shape[1]
    POS_DIM = HALF + cross_emb.shape[1]
    SENT = L
    NW = 32
    ROWS = B // NW

    src_walks = src_walks.astype(jnp.int32)
    tgt_walks = tgt_walks.astype(jnp.int32)
    pos_grid = jnp.arange(L, dtype=jnp.int32).reshape(1, 1, L)
    src_valid = (pos_grid < src_lens[..., None]) & (src_walks != 0)
    tgt_valid = (pos_grid < tgt_lens[..., None]) & (tgt_walks != 0)
    pos_flat = jnp.broadcast_to(
        jnp.tile(jnp.arange(L, dtype=jnp.int32), K).reshape(1, M), (B, M))

    cat_data = jnp.concatenate(
        [src_walks.reshape(B, M) * 32
         + jnp.where(src_valid.reshape(B, M), pos_flat, SENT),
         tgt_walks.reshape(B, M) * 32
         + jnp.where(tgt_valid.reshape(B, M), pos_flat, SENT)], axis=1)

    mesh = plsc.VectorSubcoreMesh(core_axis_name="c", subcore_axis_name="s")
    fused = pl.kernel(
        functools.partial(_sc_body, M, L, ROWS),
        mesh=mesh,
        compiler_params=pltpu.CompilerParams(
            needs_layout_passes=False, use_tc_tiling_on_sc=False),
        out_type=jax.ShapeDtypeStruct((B, 2 * M), jnp.int32),
        scratch_types=[
            pltpu.VMEM((NUM_SLOTS,), jnp.int32),
            pltpu.VMEM((NUM_SLOTS,), jnp.int32),
            pltpu.VMEM((2 * M,), jnp.int32),
            pltpu.VMEM((2 * M,), jnp.int32),
        ],
    )(cat_data)

    emb_mat = (jnp.zeros((64, POS_DIM), jnp.float32)
               .at[0:L + 1, 0:HALF].set(own_emb[:L + 1])
               .at[32:32 + L + 1, HALF:POS_DIM].set(cross_emb[:L + 1]))

    R = 8
    src_pos, tgt_pos = pl.pallas_call(
        functools.partial(_tc_body, M, R),
        grid=(B // R,),
        in_specs=[
            pl.BlockSpec((1, 1, R * 2 * M), lambda i: (i, 0, 0)),
            pl.BlockSpec((64, POS_DIM), lambda i: (0, 0)),
        ],
        out_specs=[
            pl.BlockSpec((R, M, POS_DIM), lambda i: (i, 0, 0)),
            pl.BlockSpec((R, M, POS_DIM), lambda i: (i, 0, 0)),
        ],
        out_shape=[
            jax.ShapeDtypeStruct((B, M, POS_DIM), jnp.float32),
            jax.ShapeDtypeStruct((B, M, POS_DIM), jnp.float32),
        ],
    )(fused.reshape(B // R, 1, R * 2 * M), emb_mat)

    return (src_pos.reshape(B, K, L, POS_DIM),
            tgt_pos.reshape(B, K, L, POS_DIM))

# --- scband reference (transcript-rebuilt; emitter-appended) ---
"""Pipeline reference for scband-walk-position-encoder-6665789243524 (READ-ONLY COPY).

The authoritative reference and input builder live on the scoring server;
editing this copy changes nothing except your own understanding.
"""

import jax, jax.numpy as jnp
import numpy as np

B, K, L = 1024, 16, 20
POS_DIM = 16
SENT = L
NUM_SLOTS = 20000
HALF = POS_DIM // 2


def setup_inputs(seed: int = 0) -> dict:
    key = jax.random.key(seed)
    ks = jax.random.split(key, 6)
    src_walks = jax.random.randint(ks[0], (B, K, L), 0, NUM_SLOTS)
    tgt_walks = jax.random.randint(ks[1], (B, K, L), 0, NUM_SLOTS)
    src_lens = jax.random.randint(ks[2], (B, K), 0, 21)
    tgt_lens = jax.random.randint(ks[3], (B, K), 0, 21)
    own_emb = jax.random.normal(ks[4], (L + 1, HALF), dtype=jnp.float32)
    cross_emb = jax.random.normal(ks[5], (L + 1, POS_DIM - HALF), dtype=jnp.float32)
    return {
        'src_walks': src_walks,
        'tgt_walks': tgt_walks,
        'src_lens': src_lens,
        'tgt_lens': tgt_lens,
        'own_emb': own_emb,
        'cross_emb': cross_emb,
    }


def _valid_mask(walks, lens):
    pos_grid = jnp.arange(L).reshape(1, 1, L)
    return (pos_grid < lens[..., None]) & (walks != 0)


def _saw_table(walks, valid):
    M = K * L
    flat = walks.reshape(B, M)
    pos = jnp.tile(jnp.arange(L), K).reshape(1, M)
    pos = jnp.broadcast_to(pos, (B, M))
    pos = jnp.where(valid.reshape(B, M), pos, SENT).astype(jnp.int32)
    table = jnp.full((B, NUM_SLOTS), SENT, dtype=jnp.int32)
    rows = jnp.arange(B)[:, None]
    table = table.at[rows, flat].min(pos)
    return table


def reference(src_walks, tgt_walks, src_lens, tgt_lens, own_emb, cross_emb):
    src_walks = src_walks.astype(jnp.int32)
    tgt_walks = tgt_walks.astype(jnp.int32)
    src_valid = _valid_mask(src_walks, src_lens)
    tgt_valid = _valid_mask(tgt_walks, tgt_lens)
    src_table = _saw_table(src_walks, src_valid)
    tgt_table = _saw_table(tgt_walks, tgt_valid)
    M = K * L
    rows = jnp.arange(B)[:, None]
    src_flat = src_walks.reshape(B, M)
    tgt_flat = tgt_walks.reshape(B, M)
    src_own = src_table[rows, src_flat].reshape(B, K, L)
    tgt_own = tgt_table[rows, tgt_flat].reshape(B, K, L)
    src_cross = tgt_table[rows, src_flat].reshape(B, K, L)
    tgt_cross = src_table[rows, tgt_flat].reshape(B, K, L)
    src_pos = jnp.concatenate([jnp.take(own_emb, src_own, axis=0), jnp.take(cross_emb, src_cross, axis=0)], axis=-1)
    tgt_pos = jnp.concatenate([jnp.take(own_emb, tgt_own, axis=0), jnp.take(cross_emb, tgt_cross, axis=0)], axis=-1)
    src_pos = src_pos * src_valid[..., None].astype(jnp.float32)
    tgt_pos = tgt_pos * tgt_valid[..., None].astype(jnp.float32)
    return (src_pos, tgt_pos)

if __name__ == "__main__":
    import jax
    _d = setup_inputs()
    print(jax.jit(kernel)(*tuple(_d.values())))

</pallas_src>

<mosaic_0001>
#map = affine_map<(d0, d1) -> (0, 0)>
module attributes {stable_mosaic.version = 14 : i64} {
  func.func @_sc_body(%arg0: i32, %arg1: i32, %arg2: memref<1024x640xi32, #tpu.memory_space<hbm>>, %arg3: memref<1024x640xi32, #tpu.memory_space<hbm>>, %arg4: memref<20000xi32, #tpu.memory_space<vmem>>, %arg5: memref<20000xi32, #tpu.memory_space<vmem>>, %arg6: memref<640xi32, #tpu.memory_space<vmem>>, %arg7: memref<640xi32, #tpu.memory_space<vmem>>) attributes {dimension_semantics = [#tpu.dimension_semantics<core_parallel>, #tpu.dimension_semantics<subcore_parallel>], iteration_bounds = array<i64: 2, 16>, scalar_prefetch = 0 : i64, scratch_operands = 4 : i64, tpu.core_type = #tpu.core_type<sc_vector_subcore>, window_params = [{transform_indices = #map}, {transform_indices = #map}]} {
    %mul3A = arith.constant 2 : i32
    %mul3A_0 = arith.muli %arg1, %mul3A : i32
    %add3A = arith.addi %mul3A_0, %arg0 : i32
    %mul3A_1 = arith.constant 32 : i32
    %mul3A_2 = arith.muli %add3A, %mul3A_1 : i32
    %broadcast_in_dim3A = arith.constant 20 : i32
    %broadcast_in_dim3A_3 = vector.broadcast %broadcast_in_dim3A : i32 to vector<16xi32>
    %scan3A = arith.constant 0 : i32
    %scan3A_4 = arith.constant 0 : i32
    %scan3A_5 = arith.constant 1250 : i32
    %scan3A_6 = arith.addi %scan3A_4, %scan3A_5 : i32
    %scan3A_7 = arith.constant 1 : i32
    scf.for %scan3A_15 = %scan3A_4 to %scan3A_6 step %scan3A_7  : i32 {
      %mul3A_16 = arith.constant 16 : i32
      %mul3A_17 = arith.muli %scan3A_15, %mul3A_16 : i32
      %swap3A = arith.index_cast %mul3A_17 : i32 to index
      %swap3A_18 = tpu.vector_load %arg4[%swap3A] {strides = array<i32>} : memref<20000xi32, #tpu.memory_space<vmem>>, vector<16xi32>,
      tpu.vector_store %arg4[%swap3A], %broadcast_in_dim3A_3 {strides = array<i32>} : memref<20000xi32, #tpu.memory_space<vmem>>, vector<16xi32>,
      %mul3A_19 = arith.constant 16 : i32
      %mul3A_20 = arith.muli %scan3A_15, %mul3A_19 : i32
      %swap3A_21 = arith.index_cast %mul3A_20 : i32 to index
      %swap3A_22 = tpu.vector_load %arg5[%swap3A_21] {strides = array<i32>} : memref<20000xi32, #tpu.memory_space<vmem>>, vector<16xi32>,
      tpu.vector_store %arg5[%swap3A_21], %broadcast_in_dim3A_3 {strides = array<i32>} : memref<20000xi32, #tpu.memory_space<vmem>>, vector<16xi32>,
    }
    %scan3A_8 = arith.constant 1250 : i32
    %scan3A_9 = arith.constant 0 : i32
    %scan3A_10 = arith.constant 0 : i32
    %scan3A_11 = arith.constant 32 : i32
    %scan3A_12 = arith.addi %scan3A_10, %scan3A_11 : i32
    %scan3A_13 = arith.constant 1 : i32
    scf.for %scan3A_15 = %scan3A_10 to %scan3A_12 step %scan3A_13  : i32 {
      %add3A_16 = arith.addi %mul3A_2, %scan3A_15 : i32
      "tpu.region"() ({
        %run_scoped3A = tpu.sem_alloc : memref<!tpu.dma_semaphore, #tpu.memory_space<semaphore_mem>>
        %dma_start3A = arith.constant 0 : i32
        %dma_start3A_335 = tpu.memref_slice %arg2[%add3A_16, %dma_start3A] : memref<1024x640xi32, #tpu.memory_space<hbm>> -> memref<1x640xi32, #tpu.memory_space<hbm>>
        %dma_start3A_336 = tpu.memref_squeeze %dma_start3A_335 : memref<1x640xi32, #tpu.memory_space<hbm>> -> memref<640xi32, #tpu.memory_space<hbm>>
        %dma_start3A_337 = arith.constant 0 : i32
        %dma_start3A_338 = tpu.memref_slice %arg2[%add3A_16, %dma_start3A_337] : memref<1024x640xi32, #tpu.memory_space<hbm>> -> memref<1x640xi32, #tpu.memory_space<hbm>>
        %dma_start3A_339 = tpu.memref_squeeze %dma_start3A_338 : memref<1x640xi32, #tpu.memory_space<hbm>> -> memref<640xi32, #tpu.memory_space<hbm>>
        tpu.enqueue_dma source(%dma_start3A_339 : memref<640xi32, #tpu.memory_space<hbm>>) target(%arg6 : memref<640xi32, #tpu.memory_space<vmem>>) target_semaphore(%run_scoped3A : memref<!tpu.dma_semaphore, #tpu.memory_space<semaphore_mem>>)
        %dma_wait3A = arith.constant 0 : i32
        %dma_wait3A_340 = tpu.memref_slice %arg2[%add3A_16, %dma_wait3A] : memref<1024x640xi32, #tpu.memory_space<hbm>> -> memref<1x640xi32, #tpu.memory_space<hbm>>
        %dma_wait3A_341 = tpu.memref_squeeze %dma_wait3A_340 : memref<1x640xi32, #tpu.memory_space<hbm>> -> memref<640xi32, #tpu.memory_space<hbm>>
        %dma_wait3A_342 = arith.constant 0 : i32
        %dma_wait3A_343 = tpu.memref_slice %arg2[%add3A_16, %dma_wait3A_342] : memref<1024x640xi32, #tpu.memory_space<hbm>> -> memref<1x640xi32, #tpu.memory_space<hbm>>
        %dma_wait3A_344 = tpu.memref_squeeze %dma_wait3A_343 : memref<1x640xi32, #tpu.memory_space<hbm>> -> memref<640xi32, #tpu.memory_space<hbm>>
        tpu.wait_dma2 semaphore(%run_scoped3A : memref<!tpu.dma_semaphore, #tpu.memory_space<semaphore_mem>>) src(%dma_wait3A_344 : memref<640xi32, #tpu.memory_space<hbm>>) dst(%arg6 : memref<640xi32, #tpu.memory_space<vmem>>)
        tpu.yield
      }) : () -> ()
      %while3A = arith.constant true
      %while3A_17 = scf.while (%while3A_335 = %while3A) : (i1) -> i1 {
        scf.condition(%while3A_335) %while3A_335 : i1
      } do {
      ^bb0(%while3A_335: i1):
        %get3A_336 = arith.constant 0 : index
        %get3A_337 = tpu.vector_load %arg6[%get3A_336] {strides = array<i32>} : memref<640xi32, #tpu.memory_space<vmem>>, vector<16xi32>,
        %shift_right_arithmetic3A_338 = arith.constant 5 : i32
        %shift_right_arithmetic3A_339 = vector.broadcast %shift_right_arithmetic3A_338 : i32 to vector<16xi32>
        %shift_right_arithmetic3A_340 = arith.shrsi %get3A_337, %shift_right_arithmetic3A_339 : vector<16xi32>
        %and3A_341 = arith.constant 31 : i32
        %and3A_342 = vector.broadcast %and3A_341 : i32 to vector<16xi32>
        %and3A_343 = arith.andi %get3A_337, %and3A_342 : vector<16xi32>
        %gather3A = tpu.vector_load_idx %arg4[%shift_right_arithmetic3A_340] : memref<20000xi32, #tpu.memory_space<vmem>>[vector<16xi32>], vector<16xi32>,
        %lt3A = arith.cmpi slt, %and3A_343, %gather3A : vector<16xi32>
        tpu.vector_store_idx %arg4[%shift_right_arithmetic3A_340], %and3A_343 masked %lt3A : memref<20000xi32, #tpu.memory_space<vmem>>[vector<16xi32>], vector<16xi32>, vector<16xi1>
        %get3A_344 = arith.constant 16 : index
        %get3A_345 = tpu.vector_load %arg6[%get3A_344] {strides = array<i32>} : memref<640xi32, #tpu.memory_space<vmem>>, vector<16xi32>,
        %shift_right_arithmetic3A_346 = arith.constant 5 : i32
        %shift_right_arithmetic3A_347 = vector.broadcast %shift_right_arithmetic3A_346 : i32 to vector<16xi32>
        %shift_right_arithmetic3A_348 = arith.shrsi %get3A_345, %shift_right_arithmetic3A_347 : vector<16xi32>
        %and3A_349 = arith.constant 31 : i32
        %and3A_350 = vector.broadcast %and3A_349 : i32 to vector<16xi32>
        %and3A_351 = arith.andi %get3A_345, %and3A_350 : vector<16xi32>
        %gather3A_352 = tpu.vector_load_idx %arg4[%shift_right_arithmetic3A_348] : memref<20000xi32, #tpu.memory_space<vmem>>[vector<16xi32>], vector<16xi32>,
        %lt3A_353 = arith.cmpi slt, %and3A_351, %gather3A_352 : vector<16xi32>
        tpu.vector_store_idx %arg4[%shift_right_arithmetic3A_348], %and3A_351 masked %lt3A_353 : memref<20000xi32, #tpu.memory_space<vmem>>[vector<16xi32>], vector<16xi32>, vector<16xi1>
        %get3A_354 = arith.constant 32 : index
        %get3A_355 = tpu.vector_load %arg6[%get3A_354] {strides = array<i32>} : memref<640xi32, #tpu.memory_space<vmem>>, vector<16xi32>,
        %shift_right_arithmetic3A_356 = arith.constant 5 : i32
        %shift_right_arithmetic3A_357 = vector.broadcast %shift_right_arithmetic3A_356 : i32 to vector<16xi32>
        %shift_right_arithmetic3A_358 = arith.shrsi %get3A_355, %shift_right_arithmetic3A_357 : vector<16xi32>
        %and3A_359 = arith.constant 31 : i32
        %and3A_360 = vector.broadcast %and3A_359 : i32 to vector<16xi32>
        %and3A_361 = arith.andi %get3A_355, %and3A_360 : vector<16xi32>
        %gather3A_362 = tpu.vector_load_idx %arg4[%shift_right_arithmetic3A_358] : memref<20000xi32, #tpu.memory_space<vmem>>[vector<16xi32>], vector<16xi32>,
        %lt3A_363 = arith.cmpi slt, %and3A_361, %gather3A_362 : vector<16xi32>
        tpu.vector_store_idx %arg4[%shift_right_arithmetic3A_358], %and3A_361 masked %lt3A_363 : memref<20000xi32, #tpu.memory_space<vmem>>[vector<16xi32>], vector<16xi32>, vector<16xi1>
        %get3A_364 = arith.constant 48 : index
        %get3A_365 = tpu.vector_load %arg6[%get3A_364] {strides = array<i32>} : memref<640xi32, #tpu.memory_space<vmem>>, vector<16xi32>,
        %shift_right_arithmetic3A_366 = arith.constant 5 : i32
        %shift_right_arithmetic3A_367 = vector.broadcast %shift_right_arithmetic3A_366 : i32 to vector<16xi32>
        %shift_right_arithmetic3A_368 = arith.shrsi %get3A_365, %shift_right_arithmetic3A_367 : vector<16xi32>
        %and3A_369 = arith.constant 31 : i32
        %and3A_370 = vector.broadcast %and3A_369 : i32 to vector<16xi32>
        %and3A_371 = arith.andi %get3A_365, %and3A_370 : vector<16xi32>
        %gather3A_372 = tpu.vector_load_idx %arg4[%shift_right_arithmetic3A_368] : memref<20000xi32, #tpu.memory_space<vmem>>[vector<16xi32>], vector<16xi32>,
        %lt3A_373 = arith.cmpi slt, %and3A_371, %gather3A_372 : vector<16xi32>
        tpu.vector_store_idx %arg4[%shift_right_arithmetic3A_368], %and3A_371 masked %lt3A_373 : memref<20000xi32, #tpu.memory_space<vmem>>[vector<16xi32>], vector<16xi32>, vector<16xi1>
        %get3A_374 = arith.constant 64 : index
        %get3A_375 = tpu.vector_load %arg6[%get3A_374] {strides = array<i32>} : memref<640xi32, #tpu.memory_space<vmem>>, vector<16xi32>,
        %shift_right_arithmetic3A_376 = arith.constant 5 : i32
        %shift_right_arithmetic3A_377 = vector.broadcast %shift_right_arithmetic3A_376 : i32 to vector<16xi32>
        %shift_right_arithmetic3A_378 = arith.shrsi %get3A_375, %shift_right_arithmetic3A_377 : vector<16xi32>
        %and3A_379 = arith.constant 31 : i32
        %and3A_380 = vector.broadcast %and3A_379 : i32 to vector<16xi32>
        %and3A_381 = arith.andi %get3A_375, %and3A_380 : vector<16xi32>
        %gather3A_382 = tpu.vector_load_idx %arg4[%shift_right_arithmetic3A_378] : memref<20000xi32, #tpu.memory_space<vmem>>[vector<16xi32>], vector<16xi32>,
        %lt3A_383 = arith.cmpi slt, %and3A_381, %gather3A_382 : vector<16xi32>
        tpu.vector_store_idx %arg4[%shift_right_arithmetic3A_378], %and3A_381 masked %lt3A_383 : memref<20000xi32, #tpu.memory_space<vmem>>[vector<16xi32>], vector<16xi32>, vector<16xi1>
        %get3A_384 = arith.constant 80 : index
        %get3A_385 = tpu.vector_load %arg6[%get3A_384] {strides = array<i32>} : memref<640xi32, #tpu.memory_space<vmem>>, vector<16xi32>,
        %shift_right_arithmetic3A_386 = arith.constant 5 : i32
        %shift_right_arithmetic3A_387 = vector.broadcast %shift_right_arithmetic3A_386 : i32 to vector<16xi32>
        %shift_right_arithmetic3A_388 = arith.shrsi %get3A_385, %shift_right_arithmetic3A_387 : vector<16xi32>
        %and3A_389 = arith.constant 31 : i32
        %and3A_390 = vector.broadcast %and3A_389 : i32 to vector<16xi32>
        %and3A_391 = arith.andi %get3A_385, %and3A_390 : vector<16xi32>
        %gather3A_392 = tpu.vector_load_idx %arg4[%shift_right_arithmetic3A_388] : memref<20000xi32, #tpu.memory_space<vmem>>[vector<16xi32>], vector<16xi32>,
        %lt3A_393 = arith.cmpi slt, %and3A_391, %gather3A_392 : vector<16xi32>
        tpu.vector_store_idx %arg4[%shift_right_arithmetic3A_388], %and3A_391 masked %lt3A_393 : memref<20000xi32, #tpu.memory_space<vmem>>[vector<16xi32>], vector<16xi32>, vector<16xi1>
        %get3A_394 = arith.constant 96 : index
        %get3A_395 = tpu.vector_load %arg6[%get3A_394] {strides = array<i32>} : memref<640xi32, #tpu.memory_space<vmem>>, vector<16xi32>,
        %shift_right_arithmetic3A_396 = arith.constant 5 : i32
        %shift_right_arithmetic3A_397 = vector.broadcast %shift_right_arithmetic3A_396 : i32 to vector<16xi32>
        %shift_right_arithmetic3A_398 = arith.shrsi %get3A_395, %shift_right_arithmetic3A_397 : vector<16xi32>
        %and3A_399 = arith.constant 31 : i32
        %and3A_400 = vector.broadcast %and3A_399 : i32 to vector<16xi32>
        %and3A_401 = arith.andi %get3A_395, %and3A_400 : vector<16xi32>
        %gather3A_402 = tpu.vector_load_idx %arg4[%shift_right_arithmetic3A_398] : memref<20000xi32, #tpu.memory_space<vmem>>[vector<16xi32>], vector<16xi32>,
        %lt3A_403 = arith.cmpi slt, %and3A_401, %gather3A_402 : vector<16xi32>
        tpu.vector_store_idx %arg4[%shift_right_arithmetic3A_398], %and3A_401 masked %lt3A_403 : memref<20000xi32, #tpu.memory_space<vmem>>[vector<16xi32>], vector<16xi32>, vector<16xi1>
        %get3A_404 = arith.constant 112 : index
        %get3A_405 = tpu.vector_load %arg6[%get3A_404] {strides = array<i32>} : memref<640xi32, #tpu.memory_space<vmem>>, vector<16xi32>,
        %shift_right_arithmetic3A_406 = arith.constant 5 : i32
        %shift_right_arithmetic3A_407 = vector.broadcast %shift_right_arithmetic3A_406 : i32 to vector<16xi32>
        %shift_right_arithmetic3A_408 = arith.shrsi %get3A_405, %shift_right_arithmetic3A_407 : vector<16xi32>
        %and3A_409 = arith.constant 31 : i32
        %and3A_410 = vector.broadcast %and3A_409 : i32 to vector<16xi32>
        %and3A_411 = arith.andi %get3A_405, %and3A_410 : vector<16xi32>
        %gather3A_412 = tpu.vector_load_idx %arg4[%shift_right_arithmetic3A_408] : memref<20000xi32, #tpu.memory_space<vmem>>[vector<16xi32>], vector<16xi32>,
        %lt3A_413 = arith.cmpi slt, %and3A_411, %gather3A_412 : vector<16xi32>
        tpu.vector_store_idx %arg4[%shift_right_arithmetic3A_408], %and3A_411 masked %lt3A_413 : memref<20000xi32, #tpu.memory_space<vmem>>[vector<16xi32>], vector<16xi32>, vector<16xi1>
        %get3A_414 = arith.constant 128 : index
        %get3A_415 = tpu.vector_load %arg6[%get3A_414] {strides = array<i32>} : memref<640xi32, #tpu.memory_space<vmem>>, vector<16xi32>,
        %shift_right_arithmetic3A_416 = arith.constant 5 : i32
        %shift_right_arithmetic3A_417 = vector.broadcast %shift_right_arithmetic3A_416 : i32 to vector<16xi32>
        %shift_right_arithmetic3A_418 = arith.shrsi %get3A_415, %shift_right_arithmetic3A_417 : vector<16xi32>
        %and3A_419 = arith.constant 31 : i32
        %and3A_420 = vector.broadcast %and3A_419 : i32 to vector<16xi32>
        %and3A_421 = arith.andi %get3A_415, %and3A_420 : vector<16xi32>
        %gather3A_422 = tpu.vector_load_idx %arg4[%shift_right_arithmetic3A_418] : memref<20000xi32, #tpu.memory_space<vmem>>[vector<16xi32>], vector<16xi32>,
        %lt3A_423 = arith.cmpi slt, %and3A_421, %gather3A_422 : vector<16xi32>
        tpu.vector_store_idx %arg4[%shift_right_arithmetic3A_418], %and3A_421 masked %lt3A_423 : memref<20000xi32, #tpu.memory_space<vmem>>[vector<16xi32>], vector<16xi32>, vector<16xi1>
        %get3A_424 = arith.constant 144 : index
        %get3A_425 = tpu.vector_load %arg6[%get3A_424] {strides = array<i32>} : memref<640xi32, #tpu.memory_space<vmem>>, vector<16xi32>,
        %shift_right_arithmetic3A_426 = arith.constant 5 : i32
        %shift_right_arithmetic3A_427 = vector.broadcast %shift_right_arithmetic3A_426 : i32 to vector<16xi32>
        %shift_right_arithmetic3A_428 = arith.shrsi %get3A_425, %shift_right_arithmetic3A_427 : vector<16xi32>
        %and3A_429 = arith.constant 31 : i32
        %and3A_430 = vector.broadcast %and3A_429 : i32 to vector<16xi32>
        %and3A_431 = arith.andi %get3A_425, %and3A_430 : vector<16xi32>
        %gather3A_432 = tpu.vector_load_idx %arg4[%shift_right_arithmetic3A_428] : memref<20000xi32, #tpu.memory_space<vmem>>[vector<16xi32>], vector<16xi32>,
        %lt3A_433 = arith.cmpi slt, %and3A_431, %gather3A_432 : vector<16xi32>
        tpu.vector_store_idx %arg4[%shift_right_arithmetic3A_428], %and3A_431 masked %lt3A_433 : memref<20000xi32, #tpu.memory_space<vmem>>[vector<16xi32>], vector<16xi32>, vector<16xi1>
        %get3A_434 = arith.constant 160 : index
        %get3A_435 = tpu.vector_load %arg6[%get3A_434] {strides = array<i32>} : memref<640xi32, #tpu.memory_space<vmem>>, vector<16xi32>,
        %shift_right_arithmetic3A_436 = arith.constant 5 : i32
        %shift_right_arithmetic3A_437 = vector.broadcast %shift_right_arithmetic3A_436 : i32 to vector<16xi32>
        %shift_right_arithmetic3A_438 = arith.shrsi %get3A_435, %shift_right_arithmetic3A_437 : vector<16xi32>
        %and3A_439 = arith.constant 31 : i32
        %and3A_440 = vector.broadcast %and3A_439 : i32 to vector<16xi32>
        %and3A_441 = arith.andi %get3A_435, %and3A_440 : vector<16xi32>
        %gather3A_442 = tpu.vector_load_idx %arg4[%shift_right_arithmetic3A_438] : memref<20000xi32, #tpu.memory_space<vmem>>[vector<16xi32>], vector<16xi32>,
        %lt3A_443 = arith.cmpi slt, %and3A_441, %gather3A_442 : vector<16xi32>
        tpu.vector_store_idx %arg4[%shift_right_arithmetic3A_438], %and3A_441 masked %lt3A_443 : memref<20000xi32, #tpu.memory_space<vmem>>[vector<16xi32>], vector<16xi32>, vector<16xi1>
        %get3A_444 = arith.constant 176 : index
        %get3A_445 = tpu.vector_load %arg6[%get3A_444] {strides = array<i32>} : memref<640xi32, #tpu.memory_space<vmem>>, vector<16xi32>,
        %shift_right_arithmetic3A_446 = arith.constant 5 : i32
        %shift_right_arithmetic3A_447 = vector.broadcast %shift_right_arithmetic3A_446 : i32 to vector<16xi32>
        %shift_right_arithmetic3A_448 = arith.shrsi %get3A_445, %shift_right_arithmetic3A_447 : vector<16xi32>
        %and3A_449 = arith.constant 31 : i32
        %and3A_450 = vector.broadcast %and3A_449 : i32 to vector<16xi32>
        %and3A_451 = arith.andi %get3A_445, %and3A_450 : vector<16xi32>
        %gather3A_452 = tpu.vector_load_idx %arg4[%shift_right_arithmetic3A_448] : memref<20000xi32, #tpu.memory_space<vmem>>[vector<16xi32>], vector<16xi32>,
        %lt3A_453 = arith.cmpi slt, %and3A_451, %gather3A_452 : vector<16xi32>
        tpu.vector_store_idx %arg4[%shift_right_arithmetic3A_448], %and3A_451 masked %lt3A_453 : memref<20000xi32, #tpu.memory_space<vmem>>[vector<16xi32>], vector<16xi32>, vector<16xi1>
        %get3A_454 = arith.constant 192 : index
        %get3A_455 = tpu.vector_load %arg6[%get3A_454] {strides = array<i32>} : memref<640xi32, #tpu.memory_space<vmem>>, vector<16xi32>,
        %shift_right_arithmetic3A_456 = arith.constant 5 : i32
        %shift_right_arithmetic3A_457 = vector.broadcast %shift_right_arithmetic3A_456 : i32 to vector<16xi32>
        %shift_right_arithmetic3A_458 = arith.shrsi %get3A_455, %shift_right_arithmetic3A_457 : vector<16xi32>
        %and3A_459 = arith.constant 31 : i32
        %and3A_460 = vector.broadcast %and3A_459 : i32 to vector<16xi32>
        %and3A_461 = arith.andi %get3A_455, %and3A_460 : vector<16xi32>
        %gather3A_462 = tpu.vector_load_idx %arg4[%shift_right_arithmetic3A_458] : memref<20000xi32, #tpu.memory_space<vmem>>[vector<16xi32>], vector<16xi32>,
        %lt3A_463 = arith.cmpi slt, %and3A_461, %gather3A_462 : vector<16xi32>
        tpu.vector_store_idx %arg4[%shift_right_arithmetic3A_458], %and3A_461 masked %lt3A_463 : memref<20000xi32, #tpu.memory_space<vmem>>[vector<16xi32>], vector<16xi32>, vector<16xi1>
        %get3A_464 = arith.constant 208 : index
        %get3A_465 = tpu.vector_load %arg6[%get3A_464] {strides = array<i32>} : memref<640xi32, #tpu.memory_space<vmem>>, vector<16xi32>,
        %shift_right_arithmetic3A_466 = arith.constant 5 : i32
        %shift_right_arithmetic3A_467 = vector.broadcast %shift_right_arithmetic3A_466 : i32 to vector<16xi32>
        %shift_right_arithmetic3A_468 = arith.shrsi %get3A_465, %shift_right_arithmetic3A_467 : vector<16xi32>
        %and3A_469 = arith.constant 31 : i32
        %and3A_470 = vector.broadcast %and3A_469 : i32 to vector<16xi32>
        %and3A_471 = arith.andi %get3A_465, %and3A_470 : vector<16xi32>
        %gather3A_472 = tpu.vector_load_idx %arg4[%shift_right_arithmetic3A_468] : memref<20000xi32, #tpu.memory_space<vmem>>[vector<16xi32>], vector<16xi32>,
        %lt3A_473 = arith.cmpi slt, %and3A_471, %gather3A_472 : vector<16xi32>
        tpu.vector_store_idx %arg4[%shift_right_arithmetic3A_468], %and3A_471 masked %lt3A_473 : memref<20000xi32, #tpu.memory_space<vmem>>[vector<16xi32>], vector<16xi32>, vector<16xi1>
        %get3A_474 = arith.constant 224 : index
        %get3A_475 = tpu.vector_load %arg6[%get3A_474] {strides = array<i32>} : memref<640xi32, #tpu.memory_space<vmem>>, vector<16xi32>,
        %shift_right_arithmetic3A_476 = arith.constant 5 : i32
        %shift_right_arithmetic3A_477 = vector.broadcast %shift_right_arithmetic3A_476 : i32 to vector<16xi32>
        %shift_right_arithmetic3A_478 = arith.shrsi %get3A_475, %shift_right_arithmetic3A_477 : vector<16xi32>
        %and3A_479 = arith.constant 31 : i32
        %and3A_480 = vector.broadcast %and3A_479 : i32 to vector<16xi32>
        %and3A_481 = arith.andi %get3A_475, %and3A_480 : vector<16xi32>
        %gather3A_482 = tpu.vector_load_idx %arg4[%shift_right_arithmetic3A_478] : memref<20000xi32, #tpu.memory_space<vmem>>[vector<16xi32>], vector<16xi32>,
        %lt3A_483 = arith.cmpi slt, %and3A_481, %gather3A_482 : vector<16xi32>
        tpu.vector_store_idx %arg4[%shift_right_arithmetic3A_478], %and3A_481 masked %lt3A_483 : memref<20000xi32, #tpu.memory_space<vmem>>[vector<16xi32>], vector<16xi32>, vector<16xi1>
        %get3A_484 = arith.constant 240 : index
        %get3A_485 = tpu.vector_load %arg6[%get3A_484] {strides = array<i32>} : memref<640xi32, #tpu.memory_space<vmem>>, vector<16xi32>,
        %shift_right_arithmetic3A_486 = arith.constant 5 : i32
        %shift_right_arithmetic3A_487 = vector.broadcast %shift_right_arithmetic3A_486 : i32 to vector<16xi32>
        %shift_right_arithmetic3A_488 = arith.shrsi %get3A_485, %shift_right_arithmetic3A_487 : vector<16xi32>
        %and3A_489 = arith.constant 31 : i32
        %and3A_490 = vector.broadcast %and3A_489 : i32 to vector<16xi32>
        %and3A_491 = arith.andi %get3A_485, %and3A_490 : vector<16xi32>
        %gather3A_492 = tpu.vector_load_idx %arg4[%shift_right_arithmetic3A_488] : memref<20000xi32, #tpu.memory_space<vmem>>[vector<16xi32>], vector<16xi32>,
        %lt3A_493 = arith.cmpi slt, %and3A_491, %gather3A_492 : vector<16xi32>
        tpu.vector_store_idx %arg4[%shift_right_arithmetic3A_488], %and3A_491 masked %lt3A_493 : memref<20000xi32, #tpu.memory_space<vmem>>[vector<16xi32>], vector<16xi32>, vector<16xi1>
        %get3A_494 = arith.constant 256 : index
        %get3A_495 = tpu.vector_load %arg6[%get3A_494] {strides = array<i32>} : memref<640xi32, #tpu.memory_space<vmem>>, vector<16xi32>,
        %shift_right_arithmetic3A_496 = arith.constant 5 : i32
        %shift_right_arithmetic3A_497 = vector.broadcast %shift_right_arithmetic3A_496 : i32 to vector<16xi32>
        %shift_right_arithmetic3A_498 = arith.shrsi %get3A_495, %shift_right_arithmetic3A_497 : vector<16xi32>
        %and3A_499 = arith.constant 31 : i32
        %and3A_500 = vector.broadcast %and3A_499 : i32 to vector<16xi32>
        %and3A_501 = arith.andi %get3A_495, %and3A_500 : vector<16xi32>
        %gather3A_502 = tpu.vector_load_idx %arg4[%shift_right_arithmetic3A_498] : memref<20000xi32, #tpu.memory_space<vmem>>[vector<16xi32>], vector<16xi32>,
        %lt3A_503 = arith.cmpi slt, %and3A_501, %gather3A_502 : vector<16xi32>
        tpu.vector_store_idx %arg4[%shift_right_arithmetic3A_498], %and3A_501 masked %lt3A_503 : memref<20000xi32, #tpu.memory_space<vmem>>[vector<16xi32>], vector<16xi32>, vector<16xi1>
        %get3A_504 = arith.constant 272 : index
        %get3A_505 = tpu.vector_load %arg6[%get3A_504] {strides = array<i32>} : memref<640xi32, #tpu.memory_space<vmem>>, vector<16xi32>,
        %shift_right_arithmetic3A_506 = arith.constant 5 : i32
        %shift_right_arithmetic3A_507 = vector.broadcast %shift_right_arithmetic3A_506 : i32 to vector<16xi32>
        %shift_right_arithmetic3A_508 = arith.shrsi %get3A_505, %shift_right_arithmetic3A_507 : vector<16xi32>
        %and3A_509 = arith.constant 31 : i32
        %and3A_510 = vector.broadcast %and3A_509 : i32 to vector<16xi32>
        %and3A_511 = arith.andi %get3A_505, %and3A_510 : vector<16xi32>
        %gather3A_512 = tpu.vector_load_idx %arg4[%shift_right_arithmetic3A_508] : memref<20000xi32, #tpu.memory_space<vmem>>[vector<16xi32>], vector<16xi32>,
        %lt3A_513 = arith.cmpi slt, %and3A_511, %gather3A_512 : vector<16xi32>
        tpu.vector_store_idx %arg4[%shift_right_arithmetic3A_508], %and3A_511 masked %lt3A_513 : memref<20000xi32, #tpu.memory_space<vmem>>[vector<16xi32>], vector<16xi32>, vector<16xi1>
        %get3A_514 = arith.constant 288 : index
        %get3A_515 = tpu.vector_load %arg6[%get3A_514] {strides = array<i32>} : memref<640xi32, #tpu.memory_space<vmem>>, vector<16xi32>,
        %shift_right_arithmetic3A_516 = arith.constant 5 : i32
        %shift_right_arithmetic3A_517 = vector.broadcast %shift_right_arithmetic3A_516 : i32 to vector<16xi32>
        %shift_right_arithmetic3A_518 = arith.shrsi %get3A_515, %shift_right_arithmetic3A_517 : vector<16xi32>
        %and3A_519 = arith.constant 31 : i32
        %and3A_520 = vector.broadcast %and3A_519 : i32 to vector<16xi32>
        %and3A_521 = arith.andi %get3A_515, %and3A_520 : vector<16xi32>
        %gather3A_522 = tpu.vector_load_idx %arg4[%shift_right_arithmetic3A_518] : memref<20000xi32, #tpu.memory_space<vmem>>[vector<16xi32>], vector<16xi32>,
        %lt3A_523 = arith.cmpi slt, %and3A_521, %gather3A_522 : vector<16xi32>
        tpu.vector_store_idx %arg4[%shift_right_arithmetic3A_518], %and3A_521 masked %lt3A_523 : memref<20000xi32, #tpu.memory_space<vmem>>[vector<16xi32>], vector<16xi32>, vector<16xi1>
        %get3A_524 = arith.constant 304 : index
        %get3A_525 = tpu.vector_load %arg6[%get3A_524] {strides = array<i32>} : memref<640xi32, #tpu.memory_space<vmem>>, vector<16xi32>,
        %shift_right_arithmetic3A_526 = arith.constant 5 : i32
        %shift_right_arithmetic3A_527 = vector.broadcast %shift_right_arithmetic3A_526 : i32 to vector<16xi32>
        %shift_right_arithmetic3A_528 = arith.shrsi %get3A_525, %shift_right_arithmetic3A_527 : vector<16xi32>
        %and3A_529 = arith.constant 31 : i32
        %and3A_530 = vector.broadcast %and3A_529 : i32 to vector<16xi32>
        %and3A_531 = arith.andi %get3A_525, %and3A_530 : vector<16xi32>
        %gather3A_532 = tpu.vector_load_idx %arg4[%shift_right_arithmetic3A_528] : memref<20000xi32, #tpu.memory_space<vmem>>[vector<16xi32>], vector<16xi32>,
        %lt3A_533 = arith.cmpi slt, %and3A_531, %gather3A_532 : vector<16xi32>
        tpu.vector_store_idx %arg4[%shift_right_arithmetic3A_528], %and3A_531 masked %lt3A_533 : memref<20000xi32, #tpu.memory_space<vmem>>[vector<16xi32>], vector<16xi32>, vector<16xi1>
        %get3A_534 = arith.constant 320 : index
        %get3A_535 = tpu.vector_load %arg6[%get3A_534] {strides = array<i32>} : memref<640xi32, #tpu.memory_space<vmem>>, vector<16xi32>,
        %shift_right_arithmetic3A_536 = arith.constant 5 : i32
        %shift_right_arithmetic3A_537 = vector.broadcast %shift_right_arithmetic3A_536 : i32 to vector<16xi32>
        %shift_right_arithmetic3A_538 = arith.shrsi %get3A_535, %shift_right_arithmetic3A_537 : vector<16xi32>
        %and3A_539 = arith.constant 31 : i32
        %and3A_540 = vector.broadcast %and3A_539 : i32 to vector<16xi32>
        %and3A_541 = arith.andi %get3A_535, %and3A_540 : vector<16xi32>
        %gather3A_542 = tpu.vector_load_idx %arg5[%shift_right_arithmetic3A_538] : memref<20000xi32, #tpu.memory_space<vmem>>[vector<16xi32>], vector<16xi32>,
        %lt3A_543 = arith.cmpi slt, %and3A_541, %gather3A_542 : vector<16xi32>
        tpu.vector_store_idx %arg5[%shift_right_arithmetic3A_538], %and3A_541 masked %lt3A_543 : memref<20000xi32, #tpu.memory_space<vmem>>[vector<16xi32>], vector<16xi32>, vector<16xi1>
        %get3A_544 = arith.constant 336 : index
        %get3A_545 = tpu.vector_load %arg6[%get3A_544] {strides = array<i32>} : memref<640xi32, #tpu.memory_space<vmem>>, vector<16xi32>,
        %shift_right_arithmetic3A_546 = arith.constant 5 : i32
        %shift_right_arithmetic3A_547 = vector.broadcast %shift_right_arithmetic3A_546 : i32 to vector<16xi32>
        %shift_right_arithmetic3A_548 = arith.shrsi %get3A_545, %shift_right_arithmetic3A_547 : vector<16xi32>
        %and3A_549 = arith.constant 31 : i32
        %and3A_550 = vector.broadcast %and3A_549 : i32 to vector<16xi32>
        %and3A_551 = arith.andi %get3A_545, %and3A_550 : vector<16xi32>
        %gather3A_552 = tpu.vector_load_idx %arg5[%shift_right_arithmetic3A_548] : memref<20000xi32, #tpu.memory_space<vmem>>[vector<16xi32>], vector<16xi32>,
        %lt3A_553 = arith.cmpi slt, %and3A_551, %gather3A_552 : vector<16xi32>
        tpu.vector_store_idx %arg5[%shift_right_arithmetic3A_548], %and3A_551 masked %lt3A_553 : memref<20000xi32, #tpu.memory_space<vmem>>[vector<16xi32>], vector<16xi32>, vector<16xi1>
        %get3A_554 = arith.constant 352 : index
        %get3A_555 = tpu.vector_load %arg6[%get3A_554] {strides = array<i32>} : memref<640xi32, #tpu.memory_space<vmem>>, vector<16xi32>,
        %shift_right_arithmetic3A_556 = arith.constant 5 : i32
        %shift_right_arithmetic3A_557 = vector.broadcast %shift_right_arithmetic3A_556 : i32 to vector<16xi32>
        %shift_right_arithmetic3A_558 = arith.shrsi %get3A_555, %shift_right_arithmetic3A_557 : vector<16xi32>
        %and3A_559 = arith.constant 31 : i32
        %and3A_560 = vector.broadcast %and3A_559 : i32 to vector<16xi32>
        %and3A_561 = arith.andi %get3A_555, %and3A_560 : vector<16xi32>
        %gather3A_562 = tpu.vector_load_idx %arg5[%shift_right_arithmetic3A_558] : memref<20000xi32, #tpu.memory_space<vmem>>[vector<16xi32>], vector<16xi32>,
        %lt3A_563 = arith.cmpi slt, %and3A_561, %gather3A_562 : vector<16xi32>
        tpu.vector_store_idx %arg5[%shift_right_arithmetic3A_558], %and3A_561 masked %lt3A_563 : memref<20000xi32, #tpu.memory_space<vmem>>[vector<16xi32>], vector<16xi32>, vector<16xi1>
        %get3A_564 = arith.constant 368 : index
        %get3A_565 = tpu.vector_load %arg6[%get3A_564] {strides = array<i32>} : memref<640xi32, #tpu.memory_space<vmem>>, vector<16xi32>,
        %shift_right_arithmetic3A_566 = arith.constant 5 : i32
        %shift_right_arithmetic3A_567 = vector.broadcast %shift_right_arithmetic3A_566 : i32 to vector<16xi32>
        %shift_right_arithmetic3A_568 = arith.shrsi %get3A_565, %shift_right_arithmetic3A_567 : vector<16xi32>
        %and3A_569 = arith.constant 31 : i32
        %and3A_570 = vector.broadcast %and3A_569 : i32 to vector<16xi32>
        %and3A_571 = arith.andi %get3A_565, %and3A_570 : vector<16xi32>
        %gather3A_572 = tpu.vector_load_idx %arg5[%shift_right_arithmetic3A_568] : memref<20000xi32, #tpu.memory_space<vmem>>[vector<16xi32>], vector<16xi32>,
        %lt3A_573 = arith.cmpi slt, %and3A_571, %gather3A_572 : vector<16xi32>
        tpu.vector_store_idx %arg5[%shift_right_arithmetic3A_568], %and3A_571 masked %lt3A_573 : memref<20000xi32, #tpu.memory_space<vmem>>[vector<16xi32>], vector<16xi32>, vector<16xi1>
        %get3A_574 = arith.constant 384 : index
        %get3A_575 = tpu.vector_load %arg6[%get3A_574] {strides = array<i32>} : memref<640xi32, #tpu.memory_space<vmem>>, vector<16xi32>,
        %shift_right_arithmetic3A_576 = arith.constant 5 : i32
        %shift_right_arithmetic3A_577 = vector.broadcast %shift_right_arithmetic3A_576 : i32 to vector<16xi32>
        %shift_right_arithmetic3A_578 = arith.shrsi %get3A_575, %shift_right_arithmetic3A_577 : vector<16xi32>
        %and3A_579 = arith.constant 31 : i32
        %and3A_580 = vector.broadcast %and3A_579 : i32 to vector<16xi32>
        %and3A_581 = arith.andi %get3A_575, %and3A_580 : vector<16xi32>
        %gather3A_582 = tpu.vector_load_idx %arg5[%shift_right_arithmetic3A_578] : memref<20000xi32, #tpu.memory_space<vmem>>[vector<16xi32>], vector<16xi32>,
        %lt3A_583 = arith.cmpi slt, %and3A_581, %gather3A_582 : vector<16xi32>
        tpu.vector_store_idx %arg5[%shift_right_arithmetic3A_578], %and3A_581 masked %lt3A_583 : memref<20000xi32, #tpu.memory_space<vmem>>[vector<16xi32>], vector<16xi32>, vector<16xi1>
        %get3A_584 = arith.constant 400 : index
        %get3A_585 = tpu.vector_load %arg6[%get3A_584] {strides = array<i32>} : memref<640xi32, #tpu.memory_space<vmem>>, vector<16xi32>,
        %shift_right_arithmetic3A_586 = arith.constant 5 : i32
        %shift_right_arithmetic3A_587 = vector.broadcast %shift_right_arithmetic3A_586 : i32 to vector<16xi32>
        %shift_right_arithmetic3A_588 = arith.shrsi %get3A_585, %shift_right_arithmetic3A_587 : vector<16xi32>
        %and3A_589 = arith.constant 31 : i32
        %and3A_590 = vector.broadcast %and3A_589 : i32 to vector<16xi32>
        %and3A_591 = arith.andi %get3A_585, %and3A_590 : vector<16xi32>
        %gather3A_592 = tpu.vector_load_idx %arg5[%shift_right_arithmetic3A_588] : memref<20000xi32, #tpu.memory_space<vmem>>[vector<16xi32>], vector<16xi32>,
        %lt3A_593 = arith.cmpi slt, %and3A_591, %gather3A_592 : vector<16xi32>
        tpu.vector_store_idx %arg5[%shift_right_arithmetic3A_588], %and3A_591 masked %lt3A_593 : memref<20000xi32, #tpu.memory_space<vmem>>[vector<16xi32>], vector<16xi32>, vector<16xi1>
        %get3A_594 = arith.constant 416 : index
        %get3A_595 = tpu.vector_load %arg6[%get3A_594] {strides = array<i32>} : memref<640xi32, #tpu.memory_space<vmem>>, vector<16xi32>,
        %shift_right_arithmetic3A_596 = arith.constant 5 : i32
        %shift_right_arithmetic3A_597 = vector.broadcast %shift_right_arithmetic3A_596 : i32 to vector<16xi32>
        %shift_right_arithmetic3A_598 = arith.shrsi %get3A_595, %shift_right_arithmetic3A_597 : vector<16xi32>
        %and3A_599 = arith.constant 31 : i32
        %and3A_600 = vector.broadcast %and3A_599 : i32 to vector<16xi32>
        %and3A_601 = arith.andi %get3A_595, %and3A_600 : vector<16xi32>
        %gather3A_602 = tpu.vector_load_idx %arg5[%shift_right_arithmetic3A_598] : memref<20000xi32, #tpu.memory_space<vmem>>[vector<16xi32>], vector<16xi32>,
        %lt3A_603 = arith.cmpi slt, %and3A_601, %gather3A_602 : vector<16xi32>
        tpu.vector_store_idx %arg5[%shift_right_arithmetic3A_598], %and3A_601 masked %lt3A_603 : memref<20000xi32, #tpu.memory_space<vmem>>[vector<16xi32>], vector<16xi32>, vector<16xi1>
        %get3A_604 = arith.constant 432 : index
        %get3A_605 = tpu.vector_load %arg6[%get3A_604] {strides = array<i32>} : memref<640xi32, #tpu.memory_space<vmem>>, vector<16xi32>,
        %shift_right_arithmetic3A_606 = arith.constant 5 : i32
        %shift_right_arithmetic3A_607 = vector.broadcast %shift_right_arithmetic3A_606 : i32 to vector<16xi32>
        %shift_right_arithmetic3A_608 = arith.shrsi %get3A_605, %shift_right_arithmetic3A_607 : vector<16xi32>
        %and3A_609 = arith.constant 31 : i32
        %and3A_610 = vector.broadcast %and3A_609 : i32 to vector<16xi32>
        %and3A_611 = arith.andi %get3A_605, %and3A_610 : vector<16xi32>
        %gather3A_612 = tpu.vector_load_idx %arg5[%shift_right_arithmetic3A_608] : memref<20000xi32, #tpu.memory_space<vmem>>[vector<16xi32>], vector<16xi32>,
        %lt3A_613 = arith.cmpi slt, %and3A_611, %gather3A_612 : vector<16xi32>
        tpu.vector_store_idx %arg5[%shift_right_arithmetic3A_608], %and3A_611 masked %lt3A_613 : memref<20000xi32, #tpu.memory_space<vmem>>[vector<16xi32>], vector<16xi32>, vector<16xi1>
        %get3A_614 = arith.constant 448 : index
        %get3A_615 = tpu.vector_load %arg6[%get3A_614] {strides = array<i32>} : memref<640xi32, #tpu.memory_space<vmem>>, vector<16xi32>,
        %shift_right_arithmetic3A_616 = arith.constant 5 : i32
        %shift_right_arithmetic3A_617 = vector.broadcast %shift_right_arithmetic3A_616 : i32 to vector<16xi32>
        %shift_right_arithmetic3A_618 = arith.shrsi %get3A_615, %shift_right_arithmetic3A_617 : vector<16xi32>
        %and3A_619 = arith.constant 31 : i32
        %and3A_620 = vector.broadcast %and3A_619 : i32 to vector<16xi32>
        %and3A_621 = arith.andi %get3A_615, %and3A_620 : vector<16xi32>
        %gather3A_622 = tpu.vector_load_idx %arg5[%shift_right_arithmetic3A_618] : memref<20000xi32, #tpu.memory_space<vmem>>[vector<16xi32>], vector<16xi32>,
        %lt3A_623 = arith.cmpi slt, %and3A_621, %gather3A_622 : vector<16xi32>
        tpu.vector_store_idx %arg5[%shift_right_arithmetic3A_618], %and3A_621 masked %lt3A_623 : memref<20000xi32, #tpu.memory_space<vmem>>[vector<16xi32>], vector<16xi32>, vector<16xi1>
        %get3A_624 = arith.constant 464 : index
        %get3A_625 = tpu.vector_load %arg6[%get3A_624] {strides = array<i32>} : memref<640xi32, #tpu.memory_space<vmem>>, vector<16xi32>,
        %shift_right_arithmetic3A_626 = arith.constant 5 : i32
        %shift_right_arithmetic3A_627 = vector.broadcast %shift_right_arithmetic3A_626 : i32 to vector<16xi32>
        %shift_right_arithmetic3A_628 = arith.shrsi %get3A_625, %shift_right_arithmetic3A_627 : vector<16xi32>
        %and3A_629 = arith.constant 31 : i32
        %and3A_630 = vector.broadcast %and3A_629 : i32 to vector<16xi32>
        %and3A_631 = arith.andi %get3A_625, %and3A_630 : vector<16xi32>
        %gather3A_632 = tpu.vector_load_idx %arg5[%shift_right_arithmetic3A_628] : memref<20000xi32, #tpu.memory_space<vmem>>[vector<16xi32>], vector<16xi32>,
        %lt3A_633 = arith.cmpi slt, %and3A_631, %gather3A_632 : vector<16xi32>
        tpu.vector_store_idx %arg5[%shift_right_arithmetic3A_628], %and3A_631 masked %lt3A_633 : memref<20000xi32, #tpu.memory_space<vmem>>[vector<16xi32>], vector<16xi32>, vector<16xi1>
        %get3A_634 = arith.constant 480 : index
        %get3A_635 = tpu.vector_load %arg6[%get3A_634] {strides = array<i32>} : memref<640xi32, #tpu.memory_space<vmem>>, vector<16xi32>,
        %shift_right_arithmetic3A_636 = arith.constant 5 : i32
        %shift_right_arithmetic3A_637 = vector.broadcast %shift_right_arithmetic3A_636 : i32 to vector<16xi32>
        %shift_right_arithmetic3A_638 = arith.shrsi %get3A_635, %shift_right_arithmetic3A_637 : vector<16xi32>
        %and3A_639 = arith.constant 31 : i32
        %and3A_640 = vector.broadcast %and3A_639 : i32 to vector<16xi32>
        %and3A_641 = arith.andi %get3A_635, %and3A_640 : vector<16xi32>
        %gather3A_642 = tpu.vector_load_idx %arg5[%shift_right_arithmetic3A_638] : memref<20000xi32, #tpu.memory_space<vmem>>[vector<16xi32>], vector<16xi32>,
        %lt3A_643 = arith.cmpi slt, %and3A_641, %gather3A_642 : vector<16xi32>
        tpu.vector_store_idx %arg5[%shift_right_arithmetic3A_638], %and3A_641 masked %lt3A_643 : memref<20000xi32, #tpu.memory_space<vmem>>[vector<16xi32>], vector<16xi32>, vector<16xi1>
        %get3A_644 = arith.constant 496 : index
        %get3A_645 = tpu.vector_load %arg6[%get3A_644] {strides = array<i32>} : memref<640xi32, #tpu.memory_space<vmem>>, vector<16xi32>,
        %shift_right_arithmetic3A_646 = arith.constant 5 : i32
        %shift_right_arithmetic3A_647 = vector.broadcast %shift_right_arithmetic3A_646 : i32 to vector<16xi32>
        %shift_right_arithmetic3A_648 = arith.shrsi %get3A_645, %shift_right_arithmetic3A_647 : vector<16xi32>
        %and3A_649 = arith.constant 31 : i32
        %and3A_650 = vector.broadcast %and3A_649 : i32 to vector<16xi32>
        %and3A_651 = arith.andi %get3A_645, %and3A_650 : vector<16xi32>
        %gather3A_652 = tpu.vector_load_idx %arg5[%shift_right_arithmetic3A_648] : memref<20000xi32, #tpu.memory_space<vmem>>[vector<16xi32>], vector<16xi32>,
        %lt3A_653 = arith.cmpi slt, %and3A_651, %gather3A_652 : vector<16xi32>
        tpu.vector_store_idx %arg5[%shift_right_arithmetic3A_648], %and3A_651 masked %lt3A_653 : memref<20000xi32, #tpu.memory_space<vmem>>[vector<16xi32>], vector<16xi32>, vector<16xi1>
        %get3A_654 = arith.constant 512 : index
        %get3A_655 = tpu.vector_load %arg6[%get3A_654] {strides = array<i32>} : memref<640xi32, #tpu.memory_space<vmem>>, vector<16xi32>,
        %shift_right_arithmetic3A_656 = arith.constant 5 : i32
        %shift_right_arithmetic3A_657 = vector.broadcast %shift_right_arithmetic3A_656 : i32 to vector<16xi32>
        %shift_right_arithmetic3A_658 = arith.shrsi %get3A_655, %shift_right_arithmetic3A_657 : vector<16xi32>
        %and3A_659 = arith.constant 31 : i32
        %and3A_660 = vector.broadcast %and3A_659 : i32 to vector<16xi32>
        %and3A_661 = arith.andi %get3A_655, %and3A_660 : vector<16xi32>
        %gather3A_662 = tpu.vector_load_idx %arg5[%shift_right_arithmetic3A_658] : memref<20000xi32, #tpu.memory_space<vmem>>[vector<16xi32>], vector<16xi32>,
        %lt3A_663 = arith.cmpi slt, %and3A_661, %gather3A_662 : vector<16xi32>
        tpu.vector_store_idx %arg5[%shift_right_arithmetic3A_658], %and3A_661 masked %lt3A_663 : memref<20000xi32, #tpu.memory_space<vmem>>[vector<16xi32>], vector<16xi32>, vector<16xi1>
        %get3A_664 = arith.constant 528 : index
        %get3A_665 = tpu.vector_load %arg6[%get3A_664] {strides = array<i32>} : memref<640xi32, #tpu.memory_space<vmem>>, vector<16xi32>,
        %shift_right_arithmetic3A_666 = arith.constant 5 : i32
        %shift_right_arithmetic3A_667 = vector.broadcast %shift_right_arithmetic3A_666 : i32 to vector<16xi32>
        %shift_right_arithmetic3A_668 = arith.shrsi %get3A_665, %shift_right_arithmetic3A_667 : vector<16xi32>
        %and3A_669 = arith.constant 31 : i32
        %and3A_670 = vector.broadcast %and3A_669 : i32 to vector<16xi32>
        %and3A_671 = arith.andi %get3A_665, %and3A_670 : vector<16xi32>
        %gather3A_672 = tpu.vector_load_idx %arg5[%shift_right_arithmetic3A_668] : memref<20000xi32, #tpu.memory_space<vmem>>[vector<16xi32>], vector<16xi32>,
        %lt3A_673 = arith.cmpi slt, %and3A_671, %gather3A_672 : vector<16xi32>
        tpu.vector_store_idx %arg5[%shift_right_arithmetic3A_668], %and3A_671 masked %lt3A_673 : memref<20000xi32, #tpu.memory_space<vmem>>[vector<16xi32>], vector<16xi32>, vector<16xi1>
        %get3A_674 = arith.constant 544 : index
        %get3A_675 = tpu.vector_load %arg6[%get3A_674] {strides = array<i32>} : memref<640xi32, #tpu.memory_space<vmem>>, vector<16xi32>,
        %shift_right_arithmetic3A_676 = arith.constant 5 : i32
        %shift_right_arithmetic3A_677 = vector.broadcast %shift_right_arithmetic3A_676 : i32 to vector<16xi32>
        %shift_right_arithmetic3A_678 = arith.shrsi %get3A_675, %shift_right_arithmetic3A_677 : vector<16xi32>
        %and3A_679 = arith.constant 31 : i32
        %and3A_680 = vector.broadcast %and3A_679 : i32 to vector<16xi32>
        %and3A_681 = arith.andi %get3A_675, %and3A_680 : vector<16xi32>
        %gather3A_682 = tpu.vector_load_idx %arg5[%shift_right_arithmetic3A_678] : memref<20000xi32, #tpu.memory_space<vmem>>[vector<16xi32>], vector<16xi32>,
        %lt3A_683 = arith.cmpi slt, %and3A_681, %gather3A_682 : vector<16xi32>
        tpu.vector_store_idx %arg5[%shift_right_arithmetic3A_678], %and3A_681 masked %lt3A_683 : memref<20000xi32, #tpu.memory_space<vmem>>[vector<16xi32>], vector<16xi32>, vector<16xi1>
        %get3A_684 = arith.constant 560 : index
        %get3A_685 = tpu.vector_load %arg6[%get3A_684] {strides = array<i32>} : memref<640xi32, #tpu.memory_space<vmem>>, vector<16xi32>,
        %shift_right_arithmetic3A_686 = arith.constant 5 : i32
        %shift_right_arithmetic3A_687 = vector.broadcast %shift_right_arithmetic3A_686 : i32 to vector<16xi32>
        %shift_right_arithmetic3A_688 = arith.shrsi %get3A_685, %shift_right_arithmetic3A_687 : vector<16xi32>
        %and3A_689 = arith.constant 31 : i32
        %and3A_690 = vector.broadcast %and3A_689 : i32 to vector<16xi32>
        %and3A_691 = arith.andi %get3A_685, %and3A_690 : vector<16xi32>
        %gather3A_692 = tpu.vector_load_idx %arg5[%shift_right_arithmetic3A_688] : memref<20000xi32, #tpu.memory_space<vmem>>[vector<16xi32>], vector<16xi32>,
        %lt3A_693 = arith.cmpi slt, %and3A_691, %gather3A_692 : vector<16xi32>
        tpu.vector_store_idx %arg5[%shift_right_arithmetic3A_688], %and3A_691 masked %lt3A_693 : memref<20000xi32, #tpu.memory_space<vmem>>[vector<16xi32>], vector<16xi32>, vector<16xi1>
        %get3A_694 = arith.constant 576 : index
        %get3A_695 = tpu.vector_load %arg6[%get3A_694] {strides = array<i32>} : memref<640xi32, #tpu.memory_space<vmem>>, vector<16xi32>,
        %shift_right_arithmetic3A_696 = arith.constant 5 : i32
        %shift_right_arithmetic3A_697 = vector.broadcast %shift_right_arithmetic3A_696 : i32 to vector<16xi32>
        %shift_right_arithmetic3A_698 = arith.shrsi %get3A_695, %shift_right_arithmetic3A_697 : vector<16xi32>
        %and3A_699 = arith.constant 31 : i32
        %and3A_700 = vector.broadcast %and3A_699 : i32 to vector<16xi32>
        %and3A_701 = arith.andi %get3A_695, %and3A_700 : vector<16xi32>
        %gather3A_702 = tpu.vector_load_idx %arg5[%shift_right_arithmetic3A_698] : memref<20000xi32, #tpu.memory_space<vmem>>[vector<16xi32>], vector<16xi32>,
        %lt3A_703 = arith.cmpi slt, %and3A_701, %gather3A_702 : vector<16xi32>
        tpu.vector_store_idx %arg5[%shift_right_arithmetic3A_698], %and3A_701 masked %lt3A_703 : memref<20000xi32, #tpu.memory_space<vmem>>[vector<16xi32>], vector<16xi32>, vector<16xi1>
        %get3A_704 = arith.constant 592 : index
        %get3A_705 = tpu.vector_load %arg6[%get3A_704] {strides = array<i32>} : memref<640xi32, #tpu.memory_space<vmem>>, vector<16xi32>,
        %shift_right_arithmetic3A_706 = arith.constant 5 : i32
        %shift_right_arithmetic3A_707 = vector.broadcast %shift_right_arithmetic3A_706 : i32 to vector<16xi32>
        %shift_right_arithmetic3A_708 = arith.shrsi %get3A_705, %shift_right_arithmetic3A_707 : vector<16xi32>
        %and3A_709 = arith.constant 31 : i32
        %and3A_710 = vector.broadcast %and3A_709 : i32 to vector<16xi32>
        %and3A_711 = arith.andi %get3A_705, %and3A_710 : vector<16xi32>
        %gather3A_712 = tpu.vector_load_idx %arg5[%shift_right_arithmetic3A_708] : memref<20000xi32, #tpu.memory_space<vmem>>[vector<16xi32>], vector<16xi32>,
        %lt3A_713 = arith.cmpi slt, %and3A_711, %gather3A_712 : vector<16xi32>
        tpu.vector_store_idx %arg5[%shift_right_arithmetic3A_708], %and3A_711 masked %lt3A_713 : memref<20000xi32, #tpu.memory_space<vmem>>[vector<16xi32>], vector<16xi32>, vector<16xi1>
        %get3A_714 = arith.constant 608 : index
        %get3A_715 = tpu.vector_load %arg6[%get3A_714] {strides = array<i32>} : memref<640xi32, #tpu.memory_space<vmem>>, vector<16xi32>,
        %shift_right_arithmetic3A_716 = arith.constant 5 : i32
        %shift_right_arithmetic3A_717 = vector.broadcast %shift_right_arithmetic3A_716 : i32 to vector<16xi32>
        %shift_right_arithmetic3A_718 = arith.shrsi %get3A_715, %shift_right_arithmetic3A_717 : vector<16xi32>
        %and3A_719 = arith.constant 31 : i32
        %and3A_720 = vector.broadcast %and3A_719 : i32 to vector<16xi32>
        %and3A_721 = arith.andi %get3A_715, %and3A_720 : vector<16xi32>
        %gather3A_722 = tpu.vector_load_idx %arg5[%shift_right_arithmetic3A_718] : memref<20000xi32, #tpu.memory_space<vmem>>[vector<16xi32>], vector<16xi32>,
        %lt3A_723 = arith.cmpi slt, %and3A_721, %gather3A_722 : vector<16xi32>
        tpu.vector_store_idx %arg5[%shift_right_arithmetic3A_718], %and3A_721 masked %lt3A_723 : memref<20000xi32, #tpu.memory_space<vmem>>[vector<16xi32>], vector<16xi32>, vector<16xi1>
        %get3A_724 = arith.constant 624 : index
        %get3A_725 = tpu.vector_load %arg6[%get3A_724] {strides = array<i32>} : memref<640xi32, #tpu.memory_space<vmem>>, vector<16xi32>,
        %shift_right_arithmetic3A_726 = arith.constant 5 : i32
        %shift_right_arithmetic3A_727 = vector.broadcast %shift_right_arithmetic3A_726 : i32 to vector<16xi32>
        %shift_right_arithmetic3A_728 = arith.shrsi %get3A_725, %shift_right_arithmetic3A_727 : vector<16xi32>
        %and3A_729 = arith.constant 31 : i32
        %and3A_730 = vector.broadcast %and3A_729 : i32 to vector<16xi32>
        %and3A_731 = arith.andi %get3A_725, %and3A_730 : vector<16xi32>
        %gather3A_732 = tpu.vector_load_idx %arg5[%shift_right_arithmetic3A_728] : memref<20000xi32, #tpu.memory_space<vmem>>[vector<16xi32>], vector<16xi32>,
        %lt3A_733 = arith.cmpi slt, %and3A_731, %gather3A_732 : vector<16xi32>
        tpu.vector_store_idx %arg5[%shift_right_arithmetic3A_728], %and3A_731 masked %lt3A_733 : memref<20000xi32, #tpu.memory_space<vmem>>[vector<16xi32>], vector<16xi32>, vector<16xi1>
        %broadcast_in_dim3A_734 = arith.constant false
        %broadcast_in_dim3A_735 = vector.broadcast %broadcast_in_dim3A_734 : i1 to vector<16xi1>
        %get3A_736 = arith.constant 0 : index
        %get3A_737 = tpu.vector_load %arg6[%get3A_736] {strides = array<i32>} : memref<640xi32, #tpu.memory_space<vmem>>, vector<16xi32>,
        %shift_right_arithmetic3A_738 = arith.constant 5 : i32
        %shift_right_arithmetic3A_739 = vector.broadcast %shift_right_arithmetic3A_738 : i32 to vector<16xi32>
        %shift_right_arithmetic3A_740 = arith.shrsi %get3A_737, %shift_right_arithmetic3A_739 : vector<16xi32>
        %and3A_741 = arith.constant 31 : i32
        %and3A_742 = vector.broadcast %and3A_741 : i32 to vector<16xi32>
        %and3A_743 = arith.andi %get3A_737, %and3A_742 : vector<16xi32>
        %gather3A_744 = tpu.vector_load_idx %arg4[%shift_right_arithmetic3A_740] : memref<20000xi32, #tpu.memory_space<vmem>>[vector<16xi32>], vector<16xi32>,
        %gather3A_745 = tpu.vector_load_idx %arg5[%shift_right_arithmetic3A_740] : memref<20000xi32, #tpu.memory_space<vmem>>[vector<16xi32>], vector<16xi32>,
        %lt3A_746 = arith.cmpi slt, %and3A_743, %gather3A_744 : vector<16xi32>
        %or3A = arith.ori %broadcast_in_dim3A_735, %lt3A_746 : vector<16xi1>
        %lt3A_747 = arith.constant 20 : i32
        %lt3A_748 = vector.broadcast %lt3A_747 : i32 to vector<16xi32>
        %lt3A_749 = arith.cmpi slt, %and3A_743, %lt3A_748 : vector<16xi32>
        %mul3A_750 = arith.constant 32 : i32
        %mul3A_751 = vector.broadcast %mul3A_750 : i32 to vector<16xi32>
        %mul3A_752 = arith.muli %gather3A_744, %mul3A_751 : vector<16xi32>
        %add3A_753 = arith.addi %mul3A_752, %gather3A_745 : vector<16xi32>
        %jit3A = arith.constant 693 : i32
        %broadcast_in_dim3A_754 = vector.broadcast %jit3A : i32 to vector<16xi32>
        %select_n3A = arith.select %lt3A_749, %add3A_753, %broadcast_in_dim3A_754 : vector<16xi1>, vector<16xi32>
        %swap3A = arith.constant 0 : index
        %swap3A_755 = tpu.vector_load %arg7[%swap3A] {strides = array<i32>} : memref<640xi32, #tpu.memory_space<vmem>>, vector<16xi32>,
        tpu.vector_store %arg7[%swap3A], %select_n3A {strides = array<i32>} : memref<640xi32, #tpu.memory_space<vmem>>, vector<16xi32>,
        %get3A_756 = arith.constant 16 : index
        %get3A_757 = tpu.vector_load %arg6[%get3A_756] {strides = array<i32>} : memref<640xi32, #tpu.memory_space<vmem>>, vector<16xi32>,
        %shift_right_arithmetic3A_758 = arith.constant 5 : i32
        %shift_right_arithmetic3A_759 = vector.broadcast %shift_right_arithmetic3A_758 : i32 to vector<16xi32>
        %shift_right_arithmetic3A_760 = arith.shrsi %get3A_757, %shift_right_arithmetic3A_759 : vector<16xi32>
        %and3A_761 = arith.constant 31 : i32
        %and3A_762 = vector.broadcast %and3A_761 : i32 to vector<16xi32>
        %and3A_763 = arith.andi %get3A_757, %and3A_762 : vector<16xi32>
        %gather3A_764 = tpu.vector_load_idx %arg4[%shift_right_arithmetic3A_760] : memref<20000xi32, #tpu.memory_space<vmem>>[vector<16xi32>], vector<16xi32>,
        %gather3A_765 = tpu.vector_load_idx %arg5[%shift_right_arithmetic3A_760] : memref<20000xi32, #tpu.memory_space<vmem>>[vector<16xi32>], vector<16xi32>,
        %lt3A_766 = arith.cmpi slt, %and3A_763, %gather3A_764 : vector<16xi32>
        %or3A_767 = arith.ori %or3A, %lt3A_766 : vector<16xi1>
        %lt3A_768 = arith.constant 20 : i32
        %lt3A_769 = vector.broadcast %lt3A_768 : i32 to vector<16xi32>
        %lt3A_770 = arith.cmpi slt, %and3A_763, %lt3A_769 : vector<16xi32>
        %mul3A_771 = arith.constant 32 : i32
        %mul3A_772 = vector.broadcast %mul3A_771 : i32 to vector<16xi32>
        %mul3A_773 = arith.muli %gather3A_764, %mul3A_772 : vector<16xi32>
        %add3A_774 = arith.addi %mul3A_773, %gather3A_765 : vector<16xi32>
        %jit3A_775 = arith.constant 693 : i32
        %broadcast_in_dim3A_776 = vector.broadcast %jit3A_775 : i32 to vector<16xi32>
        %select_n3A_777 = arith.select %lt3A_770, %add3A_774, %broadcast_in_dim3A_776 : vector<16xi1>, vector<16xi32>
        %swap3A_778 = arith.constant 16 : index
        %swap3A_779 = tpu.vector_load %arg7[%swap3A_778] {strides = array<i32>} : memref<640xi32, #tpu.memory_space<vmem>>, vector<16xi32>,
        tpu.vector_store %arg7[%swap3A_778], %select_n3A_777 {strides = array<i32>} : memref<640xi32, #tpu.memory_space<vmem>>, vector<16xi32>,
        %get3A_780 = arith.constant 32 : index
        %get3A_781 = tpu.vector_load %arg6[%get3A_780] {strides = array<i32>} : memref<640xi32, #tpu.memory_space<vmem>>, vector<16xi32>,
        %shift_right_arithmetic3A_782 = arith.constant 5 : i32
        %shift_right_arithmetic3A_783 = vector.broadcast %shift_right_arithmetic3A_782 : i32 to vector<16xi32>
        %shift_right_arithmetic3A_784 = arith.shrsi %get3A_781, %shift_right_arithmetic3A_783 : vector<16xi32>
        %and3A_785 = arith.constant 31 : i32
        %and3A_786 = vector.broadcast %and3A_785 : i32 to vector<16xi32>
        %and3A_787 = arith.andi %get3A_781, %and3A_786 : vector<16xi32>
        %gather3A_788 = tpu.vector_load_idx %arg4[%shift_right_arithmetic3A_784] : memref<20000xi32, #tpu.memory_space<vmem>>[vector<16xi32>], vector<16xi32>,
        %gather3A_789 = tpu.vector_load_idx %arg5[%shift_right_arithmetic3A_784] : memref<20000xi32, #tpu.memory_space<vmem>>[vector<16xi32>], vector<16xi32>,
        %lt3A_790 = arith.cmpi slt, %and3A_787, %gather3A_788 : vector<16xi32>
        %or3A_791 = arith.ori %or3A_767, %lt3A_790 : vector<16xi1>
        %lt3A_792 = arith.constant 20 : i32
        %lt3A_793 = vector.broadcast %lt3A_792 : i32 to vector<16xi32>
        %lt3A_794 = arith.cmpi slt, %and3A_787, %lt3A_793 : vector<16xi32>
        %mul3A_795 = arith.constant 32 : i32
        %mul3A_796 = vector.broadcast %mul3A_795 : i32 to vector<16xi32>
        %mul3A_797 = arith.muli %gather3A_788, %mul3A_796 : vector<16xi32>
        %add3A_798 = arith.addi %mul3A_797, %gather3A_789 : vector<16xi32>
        %jit3A_799 = arith.constant 693 : i32
        %broadcast_in_dim3A_800 = vector.broadcast %jit3A_799 : i32 to vector<16xi32>
        %select_n3A_801 = arith.select %lt3A_794, %add3A_798, %broadcast_in_dim3A_800 : vector<16xi1>, vector<16xi32>
        %swap3A_802 = arith.constant 32 : index
        %swap3A_803 = tpu.vector_load %arg7[%swap3A_802] {strides = array<i32>} : memref<640xi32, #tpu.memory_space<vmem>>, vector<16xi32>,
        tpu.vector_store %arg7[%swap3A_802], %select_n3A_801 {strides = array<i32>} : memref<640xi32, #tpu.memory_space<vmem>>, vector<16xi32>,
        %get3A_804 = arith.constant 48 : index
        %get3A_805 = tpu.vector_load %arg6[%get3A_804] {strides = array<i32>} : memref<640xi32, #tpu.memory_space<vmem>>, vector<16xi32>,
        %shift_right_arithmetic3A_806 = arith.constant 5 : i32
        %shift_right_arithmetic3A_807 = vector.broadcast %shift_right_arithmetic3A_806 : i32 to vector<16xi32>
        %shift_right_arithmetic3A_808 = arith.shrsi %get3A_805, %shift_right_arithmetic3A_807 : vector<16xi32>
        %and3A_809 = arith.constant 31 : i32
        %and3A_810 = vector.broadcast %and3A_809 : i32 to vector<16xi32>
        %and3A_811 = arith.andi %get3A_805, %and3A_810 : vector<16xi32>
        %gather3A_812 = tpu.vector_load_idx %arg4[%shift_right_arithmetic3A_808] : memref<20000xi32, #tpu.memory_space<vmem>>[vector<16xi32>], vector<16xi32>,
        %gather3A_813 = tpu.vector_load_idx %arg5[%shift_right_arithmetic3A_808] : memref<20000xi32, #tpu.memory_space<vmem>>[vector<16xi32>], vector<16xi32>,
        %lt3A_814 = arith.cmpi slt, %and3A_811, %gather3A_812 : vector<16xi32>
        %or3A_815 = arith.ori %or3A_791, %lt3A_814 : vector<16xi1>
        %lt3A_816 = arith.constant 20 : i32
        %lt3A_817 = vector.broadcast %lt3A_816 : i32 to vector<16xi32>
        %lt3A_818 = arith.cmpi slt, %and3A_811, %lt3A_817 : vector<16xi32>
        %mul3A_819 = arith.constant 32 : i32
        %mul3A_820 = vector.broadcast %mul3A_819 : i32 to vector<16xi32>
        %mul3A_821 = arith.muli %gather3A_812, %mul3A_820 : vector<16xi32>
        %add3A_822 = arith.addi %mul3A_821, %gather3A_813 : vector<16xi32>
        %jit3A_823 = arith.constant 693 : i32
        %broadcast_in_dim3A_824 = vector.broadcast %jit3A_823 : i32 to vector<16xi32>
        %select_n3A_825 = arith.select %lt3A_818, %add3A_822, %broadcast_in_dim3A_824 : vector<16xi1>, vector<16xi32>
        %swap3A_826 = arith.constant 48 : index
        %swap3A_827 = tpu.vector_load %arg7[%swap3A_826] {strides = array<i32>} : memref<640xi32, #tpu.memory_space<vmem>>, vector<16xi32>,
        tpu.vector_store %arg7[%swap3A_826], %select_n3A_825 {strides = array<i32>} : memref<640xi32, #tpu.memory_space<vmem>>, vector<16xi32>,
        %get3A_828 = arith.constant 64 : index
        %get3A_829 = tpu.vector_load %arg6[%get3A_828] {strides = array<i32>} : memref<640xi32, #tpu.memory_space<vmem>>, vector<16xi32>,
        %shift_right_arithmetic3A_830 = arith.constant 5 : i32
        %shift_right_arithmetic3A_831 = vector.broadcast %shift_right_arithmetic3A_830 : i32 to vector<16xi32>
        %shift_right_arithmetic3A_832 = arith.shrsi %get3A_829, %shift_right_arithmetic3A_831 : vector<16xi32>
        %and3A_833 = arith.constant 31 : i32
        %and3A_834 = vector.broadcast %and3A_833 : i32 to vector<16xi32>
        %and3A_835 = arith.andi %get3A_829, %and3A_834 : vector<16xi32>
        %gather3A_836 = tpu.vector_load_idx %arg4[%shift_right_arithmetic3A_832] : memref<20000xi32, #tpu.memory_space<vmem>>[vector<16xi32>], vector<16xi32>,
        %gather3A_837 = tpu.vector_load_idx %arg5[%shift_right_arithmetic3A_832] : memref<20000xi32, #tpu.memory_space<vmem>>[vector<16xi32>], vector<16xi32>,
        %lt3A_838 = arith.cmpi slt, %and3A_835, %gather3A_836 : vector<16xi32>
        %or3A_839 = arith.ori %or3A_815, %lt3A_838 : vector<16xi1>
        %lt3A_840 = arith.constant 20 : i32
        %lt3A_841 = vector.broadcast %lt3A_840 : i32 to vector<16xi32>
        %lt3A_842 = arith.cmpi slt, %and3A_835, %lt3A_841 : vector<16xi32>
        %mul3A_843 = arith.constant 32 : i32
        %mul3A_844 = vector.broadcast %mul3A_843 : i32 to vector<16xi32>
        %mul3A_845 = arith.muli %gather3A_836, %mul3A_844 : vector<16xi32>
        %add3A_846 = arith.addi %mul3A_845, %gather3A_837 : vector<16xi32>
        %jit3A_847 = arith.constant 693 : i32
        %broadcast_in_dim3A_848 = vector.broadcast %jit3A_847 : i32 to vector<16xi32>
        %select_n3A_849 = arith.select %lt3A_842, %add3A_846, %broadcast_in_dim3A_848 : vector<16xi1>, vector<16xi32>
        %swap3A_850 = arith.constant 64 : index
        %swap3A_851 = tpu.vector_load %arg7[%swap3A_850] {strides = array<i32>} : memref<640xi32, #tpu.memory_space<vmem>>, vector<16xi32>,
        tpu.vector_store %arg7[%swap3A_850], %select_n3A_849 {strides = array<i32>} : memref<640xi32, #tpu.memory_space<vmem>>, vector<16xi32>,
        %get3A_852 = arith.constant 80 : index
        %get3A_853 = tpu.vector_load %arg6[%get3A_852] {strides = array<i32>} : memref<640xi32, #tpu.memory_space<vmem>>, vector<16xi32>,
        %shift_right_arithmetic3A_854 = arith.constant 5 : i32
        %shift_right_arithmetic3A_855 = vector.broadcast %shift_right_arithmetic3A_854 : i32 to vector<16xi32>
        %shift_right_arithmetic3A_856 = arith.shrsi %get3A_853, %shift_right_arithmetic3A_855 : vector<16xi32>
        %and3A_857 = arith.constant 31 : i32
        %and3A_858 = vector.broadcast %and3A_857 : i32 to vector<16xi32>
        %and3A_859 = arith.andi %get3A_853, %and3A_858 : vector<16xi32>
        %gather3A_860 = tpu.vector_load_idx %arg4[%shift_right_arithmetic3A_856] : memref<20000xi32, #tpu.memory_space<vmem>>[vector<16xi32>], vector<16xi32>,
        %gather3A_861 = tpu.vector_load_idx %arg5[%shift_right_arithmetic3A_856] : memref<20000xi32, #tpu.memory_space<vmem>>[vector<16xi32>], vector<16xi32>,
        %lt3A_862 = arith.cmpi slt, %and3A_859, %gather3A_860 : vector<16xi32>
        %or3A_863 = arith.ori %or3A_839, %lt3A_862 : vector<16xi1>
        %lt3A_864 = arith.constant 20 : i32
        %lt3A_865 = vector.broadcast %lt3A_864 : i32 to vector<16xi32>
        %lt3A_866 = arith.cmpi slt, %and3A_859, %lt3A_865 : vector<16xi32>
        %mul3A_867 = arith.constant 32 : i32
        %mul3A_868 = vector.broadcast %mul3A_867 : i32 to vector<16xi32>
        %mul3A_869 = arith.muli %gather3A_860, %mul3A_868 : vector<16xi32>
        %add3A_870 = arith.addi %mul3A_869, %gather3A_861 : vector<16xi32>
        %jit3A_871 = arith.constant 693 : i32
        %broadcast_in_dim3A_872 = vector.broadcast %jit3A_871 : i32 to vector<16xi32>
        %select_n3A_873 = arith.select %lt3A_866, %add3A_870, %broadcast_in_dim3A_872 : vector<16xi1>, vector<16xi32>
        %swap3A_874 = arith.constant 80 : index
        %swap3A_875 = tpu.vector_load %arg7[%swap3A_874] {strides = array<i32>} : memref<640xi32, #tpu.memory_space<vmem>>, vector<16xi32>,
        tpu.vector_store %arg7[%swap3A_874], %select_n3A_873 {strides = array<i32>} : memref<640xi32, #tpu.memory_space<vmem>>, vector<16xi32>,
        %get3A_876 = arith.constant 96 : index
        %get3A_877 = tpu.vector_load %arg6[%get3A_876] {strides = array<i32>} : memref<640xi32, #tpu.memory_space<vmem>>, vector<16xi32>,
        %shift_right_arithmetic3A_878 = arith.constant 5 : i32
        %shift_right_arithmetic3A_879 = vector.broadcast %shift_right_arithmetic3A_878 : i32 to vector<16xi32>
        %shift_right_arithmetic3A_880 = arith.shrsi %get3A_877, %shift_right_arithmetic3A_879 : vector<16xi32>
        %and3A_881 = arith.constant 31 : i32
        %and3A_882 = vector.broadcast %and3A_881 : i32 to vector<16xi32>
        %and3A_883 = arith.andi %get3A_877, %and3A_882 : vector<16xi32>
        %gather3A_884 = tpu.vector_load_idx %arg4[%shift_right_arithmetic3A_880] : memref<20000xi32, #tpu.memory_space<vmem>>[vector<16xi32>], vector<16xi32>,
        %gather3A_885 = tpu.vector_load_idx %arg5[%shift_right_arithmetic3A_880] : memref<20000xi32, #tpu.memory_space<vmem>>[vector<16xi32>], vector<16xi32>,
        %lt3A_886 = arith.cmpi slt, %and3A_883, %gather3A_884 : vector<16xi32>
        %or3A_887 = arith.ori %or3A_863, %lt3A_886 : vector<16xi1>
        %lt3A_888 = arith.constant 20 : i32
        %lt3A_889 = vector.broadcast %lt3A_888 : i32 to vector<16xi32>
        %lt3A_890 = arith.cmpi slt, %and3A_883, %lt3A_889 : vector<16xi32>
        %mul3A_891 = arith.constant 32 : i32
        %mul3A_892 = vector.broadcast %mul3A_891 : i32 to vector<16xi32>
        %mul3A_893 = arith.muli %gather3A_884, %mul3A_892 : vector<16xi32>
        %add3A_894 = arith.addi %mul3A_893, %gather3A_885 : vector<16xi32>
        %jit3A_895 = arith.constant 693 : i32
        %broadcast_in_dim3A_896 = vector.broadcast %jit3A_895 : i32 to vector<16xi32>
        %select_n3A_897 = arith.select %lt3A_890, %add3A_894, %broadcast_in_dim3A_896 : vector<16xi1>, vector<16xi32>
        %swap3A_898 = arith.constant 96 : index
        %swap3A_899 = tpu.vector_load %arg7[%swap3A_898] {strides = array<i32>} : memref<640xi32, #tpu.memory_space<vmem>>, vector<16xi32>,
        tpu.vector_store %arg7[%swap3A_898], %select_n3A_897 {strides = array<i32>} : memref<640xi32, #tpu.memory_space<vmem>>, vector<16xi32>,
        %get3A_900 = arith.constant 112 : index
        %get3A_901 = tpu.vector_load %arg6[%get3A_900] {strides = array<i32>} : memref<640xi32, #tpu.memory_space<vmem>>, vector<16xi32>,
        %shift_right_arithmetic3A_902 = arith.constant 5 : i32
        %shift_right_arithmetic3A_903 = vector.broadcast %shift_right_arithmetic3A_902 : i32 to vector<16xi32>
        %shift_right_arithmetic3A_904 = arith.shrsi %get3A_901, %shift_right_arithmetic3A_903 : vector<16xi32>
        %and3A_905 = arith.constant 31 : i32
        %and3A_906 = vector.broadcast %and3A_905 : i32 to vector<16xi32>
        %and3A_907 = arith.andi %get3A_901, %and3A_906 : vector<16xi32>
        %gather3A_908 = tpu.vector_load_idx %arg4[%shift_right_arithmetic3A_904] : memref<20000xi32, #tpu.memory_space<vmem>>[vector<16xi32>], vector<16xi32>,
        %gather3A_909 = tpu.vector_load_idx %arg5[%shift_right_arithmetic3A_904] : memref<20000xi32, #tpu.memory_space<vmem>>[vector<16xi32>], vector<16xi32>,
        %lt3A_910 = arith.cmpi slt, %and3A_907, %gather3A_908 : vector<16xi32>
        %or3A_911 = arith.ori %or3A_887, %lt3A_910 : vector<16xi1>
        %lt3A_912 = arith.constant 20 : i32
        %lt3A_913 = vector.broadcast %lt3A_912 : i32 to vector<16xi32>
        %lt3A_914 = arith.cmpi slt, %and3A_907, %lt3A_913 : vector<16xi32>
        %mul3A_915 = arith.constant 32 : i32
        %mul3A_916 = vector.broadcast %mul3A_915 : i32 to vector<16xi32>
        %mul3A_917 = arith.muli %gather3A_908, %mul3A_916 : vector<16xi32>
        %add3A_918 = arith.addi %mul3A_917, %gather3A_909 : vector<16xi32>
        %jit3A_919 = arith.constant 693 : i32
        %broadcast_in_dim3A_920 = vector.broadcast %jit3A_919 : i32 to vector<16xi32>
        %select_n3A_921 = arith.select %lt3A_914, %add3A_918, %broadcast_in_dim3A_920 : vector<16xi1>, vector<16xi32>
        %swap3A_922 = arith.constant 112 : index
        %swap3A_923 = tpu.vector_load %arg7[%swap3A_922] {strides = array<i32>} : memref<640xi32, #tpu.memory_space<vmem>>, vector<16xi32>,
        tpu.vector_store %arg7[%swap3A_922], %select_n3A_921 {strides = array<i32>} : memref<640xi32, #tpu.memory_space<vmem>>, vector<16xi32>,
        %get3A_924 = arith.constant 128 : index
        %get3A_925 = tpu.vector_load %arg6[%get3A_924] {strides = array<i32>} : memref<640xi32, #tpu.memory_space<vmem>>, vector<16xi32>,
        %shift_right_arithmetic3A_926 = arith.constant 5 : i32
        %shift_right_arithmetic3A_927 = vector.broadcast %shift_right_arithmetic3A_926 : i32 to vector<16xi32>
        %shift_right_arithmetic3A_928 = arith.shrsi %get3A_925, %shift_right_arithmetic3A_927 : vector<16xi32>
        %and3A_929 = arith.constant 31 : i32
        %and3A_930 = vector.broadcast %and3A_929 : i32 to vector<16xi32>
        %and3A_931 = arith.andi %get3A_925, %and3A_930 : vector<16xi32>
        %gather3A_932 = tpu.vector_load_idx %arg4[%shift_right_arithmetic3A_928] : memref<20000xi32, #tpu.memory_space<vmem>>[vector<16xi32>], vector<16xi32>,
        %gather3A_933 = tpu.vector_load_idx %arg5[%shift_right_arithmetic3A_928] : memref<20000xi32, #tpu.memory_space<vmem>>[vector<16xi32>], vector<16xi32>,
        %lt3A_934 = arith.cmpi slt, %and3A_931, %gather3A_932 : vector<16xi32>
        %or3A_935 = arith.ori %or3A_911, %lt3A_934 : vector<16xi1>
        %lt3A_936 = arith.constant 20 : i32
        %lt3A_937 = vector.broadcast %lt3A_936 : i32 to vector<16xi32>
        %lt3A_938 = arith.cmpi slt, %and3A_931, %lt3A_937 : vector<16xi32>
        %mul3A_939 = arith.constant 32 : i32
        %mul3A_940 = vector.broadcast %mul3A_939 : i32 to vector<16xi32>
        %mul3A_941 = arith.muli %gather3A_932, %mul3A_940 : vector<16xi32>
        %add3A_942 = arith.addi %mul3A_941, %gather3A_933 : vector<16xi32>
        %jit3A_943 = arith.constant 693 : i32
        %broadcast_in_dim3A_944 = vector.broadcast %jit3A_943 : i32 to vector<16xi32>
        %select_n3A_945 = arith.select %lt3A_938, %add3A_942, %broadcast_in_dim3A_944 : vector<16xi1>, vector<16xi32>
        %swap3A_946 = arith.constant 128 : index
        %swap3A_947 = tpu.vector_load %arg7[%swap3A_946] {strides = array<i32>} : memref<640xi32, #tpu.memory_space<vmem>>, vector<16xi32>,
        tpu.vector_store %arg7[%swap3A_946], %select_n3A_945 {strides = array<i32>} : memref<640xi32, #tpu.memory_space<vmem>>, vector<16xi32>,
        %get3A_948 = arith.constant 144 : index
        %get3A_949 = tpu.vector_load %arg6[%get3A_948] {strides = array<i32>} : memref<640xi32, #tpu.memory_space<vmem>>, vector<16xi32>,
        %shift_right_arithmetic3A_950 = arith.constant 5 : i32
        %shift_right_arithmetic3A_951 = vector.broadcast %shift_right_arithmetic3A_950 : i32 to vector<16xi32>
        %shift_right_arithmetic3A_952 = arith.shrsi %get3A_949, %shift_right_arithmetic3A_951 : vector<16xi32>
        %and3A_953 = arith.constant 31 : i32
        %and3A_954 = vector.broadcast %and3A_953 : i32 to vector<16xi32>
        %and3A_955 = arith.andi %get3A_949, %and3A_954 : vector<16xi32>
        %gather3A_956 = tpu.vector_load_idx %arg4[%shift_right_arithmetic3A_952] : memref<20000xi32, #tpu.memory_space<vmem>>[vector<16xi32>], vector<16xi32>,
        %gather3A_957 = tpu.vector_load_idx %arg5[%shift_right_arithmetic3A_952] : memref<20000xi32, #tpu.memory_space<vmem>>[vector<16xi32>], vector<16xi32>,
        %lt3A_958 = arith.cmpi slt, %and3A_955, %gather3A_956 : vector<16xi32>
        %or3A_959 = arith.ori %or3A_935, %lt3A_958 : vector<16xi1>
        %lt3A_960 = arith.constant 20 : i32
        %lt3A_961 = vector.broadcast %lt3A_960 : i32 to vector<16xi32>
        %lt3A_962 = arith.cmpi slt, %and3A_955, %lt3A_961 : vector<16xi32>
        %mul3A_963 = arith.constant 32 : i32
        %mul3A_964 = vector.broadcast %mul3A_963 : i32 to vector<16xi32>
        %mul3A_965 = arith.muli %gather3A_956, %mul3A_964 : vector<16xi32>
        %add3A_966 = arith.addi %mul3A_965, %gather3A_957 : vector<16xi32>
        %jit3A_967 = arith.constant 693 : i32
        %broadcast_in_dim3A_968 = vector.broadcast %jit3A_967 : i32 to vector<16xi32>
        %select_n3A_969 = arith.select %lt3A_962, %add3A_966, %broadcast_in_dim3A_968 : vector<16xi1>, vector<16xi32>
        %swap3A_970 = arith.constant 144 : index
        %swap3A_971 = tpu.vector_load %arg7[%swap3A_970] {strides = array<i32>} : memref<640xi32, #tpu.memory_space<vmem>>, vector<16xi32>,
        tpu.vector_store %arg7[%swap3A_970], %select_n3A_969 {strides = array<i32>} : memref<640xi32, #tpu.memory_space<vmem>>, vector<16xi32>,
        %get3A_972 = arith.constant 160 : index
        %get3A_973 = tpu.vector_load %arg6[%get3A_972] {strides = array<i32>} : memref<640xi32, #tpu.memory_space<vmem>>, vector<16xi32>,
        %shift_right_arithmetic3A_974 = arith.constant 5 : i32
        %shift_right_arithmetic3A_975 = vector.broadcast %shift_right_arithmetic3A_974 : i32 to vector<16xi32>
        %shift_right_arithmetic3A_976 = arith.shrsi %get3A_973, %shift_right_arithmetic3A_975 : vector<16xi32>
        %and3A_977 = arith.constant 31 : i32
        %and3A_978 = vector.broadcast %and3A_977 : i32 to vector<16xi32>
        %and3A_979 = arith.andi %get3A_973, %and3A_978 : vector<16xi32>
        %gather3A_980 = tpu.vector_load_idx %arg4[%shift_right_arithmetic3A_976] : memref<20000xi32, #tpu.memory_space<vmem>>[vector<16xi32>], vector<16xi32>,
        %gather3A_981 = tpu.vector_load_idx %arg5[%shift_right_arithmetic3A_976] : memref<20000xi32, #tpu.memory_space<vmem>>[vector<16xi32>], vector<16xi32>,
        %lt3A_982 = arith.cmpi slt, %and3A_979, %gather3A_980 : vector<16xi32>
        %or3A_983 = arith.ori %or3A_959, %lt3A_982 : vector<16xi1>
        %lt3A_984 = arith.constant 20 : i32
        %lt3A_985 = vector.broadcast %lt3A_984 : i32 to vector<16xi32>
        %lt3A_986 = arith.cmpi slt, %and3A_979, %lt3A_985 : vector<16xi32>
        %mul3A_987 = arith.constant 32 : i32
        %mul3A_988 = vector.broadcast %mul3A_987 : i32 to vector<16xi32>
        %mul3A_989 = arith.muli %gather3A_980, %mul3A_988 : vector<16xi32>
        %add3A_990 = arith.addi %mul3A_989, %gather3A_981 : vector<16xi32>
        %jit3A_991 = arith.constant 693 : i32
        %broadcast_in_dim3A_992 = vector.broadcast %jit3A_991 : i32 to vector<16xi32>
        %select_n3A_993 = arith.select %lt3A_986, %add3A_990, %broadcast_in_dim3A_992 : vector<16xi1>, vector<16xi32>
        %swap3A_994 = arith.constant 160 : index
        %swap3A_995 = tpu.vector_load %arg7[%swap3A_994] {strides = array<i32>} : memref<640xi32, #tpu.memory_space<vmem>>, vector<16xi32>,
        tpu.vector_store %arg7[%swap3A_994], %select_n3A_993 {strides = array<i32>} : memref<640xi32, #tpu.memory_space<vmem>>, vector<16xi32>,
        %get3A_996 = arith.constant 176 : index
        %get3A_997 = tpu.vector_load %arg6[%get3A_996] {strides = array<i32>} : memref<640xi32, #tpu.memory_space<vmem>>, vector<16xi32>,
        %shift_right_arithmetic3A_998 = arith.constant 5 : i32
        %shift_right_arithmetic3A_999 = vector.broadcast %shift_right_arithmetic3A_998 : i32 to vector<16xi32>
        %shift_right_arithmetic3A_1000 = arith.shrsi %get3A_997, %shift_right_arithmetic3A_999 : vector<16xi32>
        %and3A_1001 = arith.constant 31 : i32
        %and3A_1002 = vector.broadcast %and3A_1001 : i32 to vector<16xi32>
        %and3A_1003 = arith.andi %get3A_997, %and3A_1002 : vector<16xi32>
        %gather3A_1004 = tpu.vector_load_idx %arg4[%shift_right_arithmetic3A_1000] : memref<20000xi32, #tpu.memory_space<vmem>>[vector<16xi32>], vector<16xi32>,
        %gather3A_1005 = tpu.vector_load_idx %arg5[%shift_right_arithmetic3A_1000] : memref<20000xi32, #tpu.memory_space<vmem>>[vector<16xi32>], vector<16xi32>,
        %lt3A_1006 = arith.cmpi slt, %and3A_1003, %gather3A_1004 : vector<16xi32>
        %or3A_1007 = arith.ori %or3A_983, %lt3A_1006 : vector<16xi1>
        %lt3A_1008 = arith.constant 20 : i32
        %lt3A_1009 = vector.broadcast %lt3A_1008 : i32 to vector<16xi32>
        %lt3A_1010 = arith.cmpi slt, %and3A_1003, %lt3A_1009 : vector<16xi32>
        %mul3A_1011 = arith.constant 32 : i32
        %mul3A_1012 = vector.broadcast %mul3A_1011 : i32 to vector<16xi32>
        %mul3A_1013 = arith.muli %gather3A_1004, %mul3A_1012 : vector<16xi32>
        %add3A_1014 = arith.addi %mul3A_1013, %gather3A_1005 : vector<16xi32>
        %jit3A_1015 = arith.constant 693 : i32
        %broadcast_in_dim3A_1016 = vector.broadcast %jit3A_1015 : i32 to vector<16xi32>
        %select_n3A_1017 = arith.select %lt3A_1010, %add3A_1014, %broadcast_in_dim3A_1016 : vector<16xi1>, vector<16xi32>
        %swap3A_1018 = arith.constant 176 : index
        %swap3A_1019 = tpu.vector_load %arg7[%swap3A_1018] {strides = array<i32>} : memref<640xi32, #tpu.memory_space<vmem>>, vector<16xi32>,
        tpu.vector_store %arg7[%swap3A_1018], %select_n3A_1017 {strides = array<i32>} : memref<640xi32, #tpu.memory_space<vmem>>, vector<16xi32>,
        %get3A_1020 = arith.constant 192 : index
        %get3A_1021 = tpu.vector_load %arg6[%get3A_1020] {strides = array<i32>} : memref<640xi32, #tpu.memory_space<vmem>>, vector<16xi32>,
        %shift_right_arithmetic3A_1022 = arith.constant 5 : i32
        %shift_right_arithmetic3A_1023 = vector.broadcast %shift_right_arithmetic3A_1022 : i32 to vector<16xi32>
        %shift_right_arithmetic3A_1024 = arith.shrsi %get3A_1021, %shift_right_arithmetic3A_1023 : vector<16xi32>
        %and3A_1025 = arith.constant 31 : i32
        %and3A_1026 = vector.broadcast %and3A_1025 : i32 to vector<16xi32>
        %and3A_1027 = arith.andi %get3A_1021, %and3A_1026 : vector<16xi32>
        %gather3A_1028 = tpu.vector_load_idx %arg4[%shift_right_arithmetic3A_1024] : memref<20000xi32, #tpu.memory_space<vmem>>[vector<16xi32>], vector<16xi32>,
        %gather3A_1029 = tpu.vector_load_idx %arg5[%shift_right_arithmetic3A_1024] : memref<20000xi32, #tpu.memory_space<vmem>>[vector<16xi32>], vector<16xi32>,
        %lt3A_1030 = arith.cmpi slt, %and3A_1027, %gather3A_1028 : vector<16xi32>
        %or3A_1031 = arith.ori %or3A_1007, %lt3A_1030 : vector<16xi1>
        %lt3A_1032 = arith.constant 20 : i32
        %lt3A_1033 = vector.broadcast %lt3A_1032 : i32 to vector<16xi32>
        %lt3A_1034 = arith.cmpi slt, %and3A_1027, %lt3A_1033 : vector<16xi32>
        %mul3A_1035 = arith.constant 32 : i32
        %mul3A_1036 = vector.broadcast %mul3A_1035 : i32 to vector<16xi32>
        %mul3A_1037 = arith.muli %gather3A_1028, %mul3A_1036 : vector<16xi32>
        %add3A_1038 = arith.addi %mul3A_1037, %gather3A_1029 : vector<16xi32>
        %jit3A_1039 = arith.constant 693 : i32
        %broadcast_in_dim3A_1040 = vector.broadcast %jit3A_1039 : i32 to vector<16xi32>
        %select_n3A_1041 = arith.select %lt3A_1034, %add3A_1038, %broadcast_in_dim3A_1040 : vector<16xi1>, vector<16xi32>
        %swap3A_1042 = arith.constant 192 : index
        %swap3A_1043 = tpu.vector_load %arg7[%swap3A_1042] {strides = array<i32>} : memref<640xi32, #tpu.memory_space<vmem>>, vector<16xi32>,
        tpu.vector_store %arg7[%swap3A_1042], %select_n3A_1041 {strides = array<i32>} : memref<640xi32, #tpu.memory_space<vmem>>, vector<16xi32>,
        %get3A_1044 = arith.constant 208 : index
        %get3A_1045 = tpu.vector_load %arg6[%get3A_1044] {strides = array<i32>} : memref<640xi32, #tpu.memory_space<vmem>>, vector<16xi32>,
        %shift_right_arithmetic3A_1046 = arith.constant 5 : i32
        %shift_right_arithmetic3A_1047 = vector.broadcast %shift_right_arithmetic3A_1046 : i32 to vector<16xi32>
        %shift_right_arithmetic3A_1048 = arith.shrsi %get3A_1045, %shift_right_arithmetic3A_1047 : vector<16xi32>
        %and3A_1049 = arith.constant 31 : i32
        %and3A_1050 = vector.broadcast %and3A_1049 : i32 to vector<16xi32>
        %and3A_1051 = arith.andi %get3A_1045, %and3A_1050 : vector<16xi32>
        %gather3A_1052 = tpu.vector_load_idx %arg4[%shift_right_arithmetic3A_1048] : memref<20000xi32, #tpu.memory_space<vmem>>[vector<16xi32>], vector<16xi32>,
        %gather3A_1053 = tpu.vector_load_idx %arg5[%shift_right_arithmetic3A_1048] : memref<20000xi32, #tpu.memory_space<vmem>>[vector<16xi32>], vector<16xi32>,
        %lt3A_1054 = arith.cmpi slt, %and3A_1051, %gather3A_1052 : vector<16xi32>
        %or3A_1055 = arith.ori %or3A_1031, %lt3A_1054 : vector<16xi1>
        %lt3A_1056 = arith.constant 20 : i32
        %lt3A_1057 = vector.broadcast %lt3A_1056 : i32 to vector<16xi32>
        %lt3A_1058 = arith.cmpi slt, %and3A_1051, %lt3A_1057 : vector<16xi32>
        %mul3A_1059 = arith.constant 32 : i32
        %mul3A_1060 = vector.broadcast %mul3A_1059 : i32 to vector<16xi32>
        %mul3A_1061 = arith.muli %gather3A_1052, %mul3A_1060 : vector<16xi32>
        %add3A_1062 = arith.addi %mul3A_1061, %gather3A_1053 : vector<16xi32>
        %jit3A_1063 = arith.constant 693 : i32
        %broadcast_in_dim3A_1064 = vector.broadcast %jit3A_1063 : i32 to vector<16xi32>
        %select_n3A_1065 = arith.select %lt3A_1058, %add3A_1062, %broadcast_in_dim3A_1064 : vector<16xi1>, vector<16xi32>
        %swap3A_1066 = arith.constant 208 : index
        %swap3A_1067 = tpu.vector_load %arg7[%swap3A_1066] {strides = array<i32>} : memref<640xi32, #tpu.memory_space<vmem>>, vector<16xi32>,
        tpu.vector_store %arg7[%swap3A_1066], %select_n3A_1065 {strides = array<i32>} : memref<640xi32, #tpu.memory_space<vmem>>, vector<16xi32>,
        %get3A_1068 = arith.constant 224 : index
        %get3A_1069 = tpu.vector_load %arg6[%get3A_1068] {strides = array<i32>} : memref<640xi32, #tpu.memory_space<vmem>>, vector<16xi32>,
        %shift_right_arithmetic3A_1070 = arith.constant 5 : i32
        %shift_right_arithmetic3A_1071 = vector.broadcast %shift_right_arithmetic3A_1070 : i32 to vector<16xi32>
        %shift_right_arithmetic3A_1072 = arith.shrsi %get3A_1069, %shift_right_arithmetic3A_1071 : vector<16xi32>
        %and3A_1073 = arith.constant 31 : i32
        %and3A_1074 = vector.broadcast %and3A_1073 : i32 to vector<16xi32>
        %and3A_1075 = arith.andi %get3A_1069, %and3A_1074 : vector<16xi32>
        %gather3A_1076 = tpu.vector_load_idx %arg4[%shift_right_arithmetic3A_1072] : memref<20000xi32, #tpu.memory_space<vmem>>[vector<16xi32>], vector<16xi32>,
        %gather3A_1077 = tpu.vector_load_idx %arg5[%shift_right_arithmetic3A_1072] : memref<20000xi32, #tpu.memory_space<vmem>>[vector<16xi32>], vector<16xi32>,
        %lt3A_1078 = arith.cmpi slt, %and3A_1075, %gather3A_1076 : vector<16xi32>
        %or3A_1079 = arith.ori %or3A_1055, %lt3A_1078 : vector<16xi1>
        %lt3A_1080 = arith.constant 20 : i32
        %lt3A_1081 = vector.broadcast %lt3A_1080 : i32 to vector<16xi32>
        %lt3A_1082 = arith.cmpi slt, %and3A_1075, %lt3A_1081 : vector<16xi32>
        %mul3A_1083 = arith.constant 32 : i32
        %mul3A_1084 = vector.broadcast %mul3A_1083 : i32 to vector<16xi32>
        %mul3A_1085 = arith.muli %gather3A_1076, %mul3A_1084 : vector<16xi32>
        %add3A_1086 = arith.addi %mul3A_1085, %gather3A_1077 : vector<16xi32>
        %jit3A_1087 = arith.constant 693 : i32
        %broadcast_in_dim3A_1088 = vector.broadcast %jit3A_1087 : i32 to vector<16xi32>
        %select_n3A_1089 = arith.select %lt3A_1082, %add3A_1086, %broadcast_in_dim3A_1088 : vector<16xi1>, vector<16xi32>
        %swap3A_1090 = arith.constant 224 : index
        %swap3A_1091 = tpu.vector_load %arg7[%swap3A_1090] {strides = array<i32>} : memref<640xi32, #tpu.memory_space<vmem>>, vector<16xi32>,
        tpu.vector_store %arg7[%swap3A_1090], %select_n3A_1089 {strides = array<i32>} : memref<640xi32, #tpu.memory_space<vmem>>, vector<16xi32>,
        %get3A_1092 = arith.constant 240 : index
        %get3A_1093 = tpu.vector_load %arg6[%get3A_1092] {strides = array<i32>} : memref<640xi32, #tpu.memory_space<vmem>>, vector<16xi32>,
        %shift_right_arithmetic3A_1094 = arith.constant 5 : i32
        %shift_right_arithmetic3A_1095 = vector.broadcast %shift_right_arithmetic3A_1094 : i32 to vector<16xi32>
        %shift_right_arithmetic3A_1096 = arith.shrsi %get3A_1093, %shift_right_arithmetic3A_1095 : vector<16xi32>
        %and3A_1097 = arith.constant 31 : i32
        %and3A_1098 = vector.broadcast %and3A_1097 : i32 to vector<16xi32>
        %and3A_1099 = arith.andi %get3A_1093, %and3A_1098 : vector<16xi32>
        %gather3A_1100 = tpu.vector_load_idx %arg4[%shift_right_arithmetic3A_1096] : memref<20000xi32, #tpu.memory_space<vmem>>[vector<16xi32>], vector<16xi32>,
        %gather3A_1101 = tpu.vector_load_idx %arg5[%shift_right_arithmetic3A_1096] : memref<20000xi32, #tpu.memory_space<vmem>>[vector<16xi32>], vector<16xi32>,
        %lt3A_1102 = arith.cmpi slt, %and3A_1099, %gather3A_1100 : vector<16xi32>
        %or3A_1103 = arith.ori %or3A_1079, %lt3A_1102 : vector<16xi1>
        %lt3A_1104 = arith.constant 20 : i32
        %lt3A_1105 = vector.broadcast %lt3A_1104 : i32 to vector<16xi32>
        %lt3A_1106 = arith.cmpi slt, %and3A_1099, %lt3A_1105 : vector<16xi32>
        %mul3A_1107 = arith.constant 32 : i32
        %mul3A_1108 = vector.broadcast %mul3A_1107 : i32 to vector<16xi32>
        %mul3A_1109 = arith.muli %gather3A_1100, %mul3A_1108 : vector<16xi32>
        %add3A_1110 = arith.addi %mul3A_1109, %gather3A_1101 : vector<16xi32>
        %jit3A_1111 = arith.constant 693 : i32
        %broadcast_in_dim3A_1112 = vector.broadcast %jit3A_1111 : i32 to vector<16xi32>
        %select_n3A_1113 = arith.select %lt3A_1106, %add3A_1110, %broadcast_in_dim3A_1112 : vector<16xi1>, vector<16xi32>
        %swap3A_1114 = arith.constant 240 : index
        %swap3A_1115 = tpu.vector_load %arg7[%swap3A_1114] {strides = array<i32>} : memref<640xi32, #tpu.memory_space<vmem>>, vector<16xi32>,
        tpu.vector_store %arg7[%swap3A_1114], %select_n3A_1113 {strides = array<i32>} : memref<640xi32, #tpu.memory_space<vmem>>, vector<16xi32>,
        %get3A_1116 = arith.constant 256 : index
        %get3A_1117 = tpu.vector_load %arg6[%get3A_1116] {strides = array<i32>} : memref<640xi32, #tpu.memory_space<vmem>>, vector<16xi32>,
        %shift_right_arithmetic3A_1118 = arith.constant 5 : i32
        %shift_right_arithmetic3A_1119 = vector.broadcast %shift_right_arithmetic3A_1118 : i32 to vector<16xi32>
        %shift_right_arithmetic3A_1120 = arith.shrsi %get3A_1117, %shift_right_arithmetic3A_1119 : vector<16xi32>
        %and3A_1121 = arith.constant 31 : i32
        %and3A_1122 = vector.broadcast %and3A_1121 : i32 to vector<16xi32>
        %and3A_1123 = arith.andi %get3A_1117, %and3A_1122 : vector<16xi32>
        %gather3A_1124 = tpu.vector_load_idx %arg4[%shift_right_arithmetic3A_1120] : memref<20000xi32, #tpu.memory_space<vmem>>[vector<16xi32>], vector<16xi32>,
        %gather3A_1125 = tpu.vector_load_idx %arg5[%shift_right_arithmetic3A_1120] : memref<20000xi32, #tpu.memory_space<vmem>>[vector<16xi32>], vector<16xi32>,
        %lt3A_1126 = arith.cmpi slt, %and3A_1123, %gather3A_1124 : vector<16xi32>
        %or3A_1127 = arith.ori %or3A_1103, %lt3A_1126 : vector<16xi1>
        %lt3A_1128 = arith.constant 20 : i32
        %lt3A_1129 = vector.broadcast %lt3A_1128 : i32 to vector<16xi32>
        %lt3A_1130 = arith.cmpi slt, %and3A_1123, %lt3A_1129 : vector<16xi32>
        %mul3A_1131 = arith.constant 32 : i32
        %mul3A_1132 = vector.broadcast %mul3A_1131 : i32 to vector<16xi32>
        %mul3A_1133 = arith.muli %gather3A_1124, %mul3A_1132 : vector<16xi32>
        %add3A_1134 = arith.addi %mul3A_1133, %gather3A_1125 : vector<16xi32>
        %jit3A_1135 = arith.constant 693 : i32
        %broadcast_in_dim3A_1136 = vector.broadcast %jit3A_1135 : i32 to vector<16xi32>
        %select_n3A_1137 = arith.select %lt3A_1130, %add3A_1134, %broadcast_in_dim3A_1136 : vector<16xi1>, vector<16xi32>
        %swap3A_1138 = arith.constant 256 : index
        %swap3A_1139 = tpu.vector_load %arg7[%swap3A_1138] {strides = array<i32>} : memref<640xi32, #tpu.memory_space<vmem>>, vector<16xi32>,
        tpu.vector_store %arg7[%swap3A_1138], %select_n3A_1137 {strides = array<i32>} : memref<640xi32, #tpu.memory_space<vmem>>, vector<16xi32>,
        %get3A_1140 = arith.constant 272 : index
        %get3A_1141 = tpu.vector_load %arg6[%get3A_1140] {strides = array<i32>} : memref<640xi32, #tpu.memory_space<vmem>>, vector<16xi32>,
        %shift_right_arithmetic3A_1142 = arith.constant 5 : i32
        %shift_right_arithmetic3A_1143 = vector.broadcast %shift_right_arithmetic3A_1142 : i32 to vector<16xi32>
        %shift_right_arithmetic3A_1144 = arith.shrsi %get3A_1141, %shift_right_arithmetic3A_1143 : vector<16xi32>
        %and3A_1145 = arith.constant 31 : i32
        %and3A_1146 = vector.broadcast %and3A_1145 : i32 to vector<16xi32>
        %and3A_1147 = arith.andi %get3A_1141, %and3A_1146 : vector<16xi32>
        %gather3A_1148 = tpu.vector_load_idx %arg4[%shift_right_arithmetic3A_1144] : memref<20000xi32, #tpu.memory_space<vmem>>[vector<16xi32>], vector<16xi32>,
        %gather3A_1149 = tpu.vector_load_idx %arg5[%shift_right_arithmetic3A_1144] : memref<20000xi32, #tpu.memory_space<vmem>>[vector<16xi32>], vector<16xi32>,
        %lt3A_1150 = arith.cmpi slt, %and3A_1147, %gather3A_1148 : vector<16xi32>
        %or3A_1151 = arith.ori %or3A_1127, %lt3A_1150 : vector<16xi1>
        %lt3A_1152 = arith.constant 20 : i32
        %lt3A_1153 = vector.broadcast %lt3A_1152 : i32 to vector<16xi32>
        %lt3A_1154 = arith.cmpi slt, %and3A_1147, %lt3A_1153 : vector<16xi32>
        %mul3A_1155 = arith.constant 32 : i32
        %mul3A_1156 = vector.broadcast %mul3A_1155 : i32 to vector<16xi32>
        %mul3A_1157 = arith.muli %gather3A_1148, %mul3A_1156 : vector<16xi32>
        %add3A_1158 = arith.addi %mul3A_1157, %gather3A_1149 : vector<16xi32>
        %jit3A_1159 = arith.constant 693 : i32
        %broadcast_in_dim3A_1160 = vector.broadcast %jit3A_1159 : i32 to vector<16xi32>
        %select_n3A_1161 = arith.select %lt3A_1154, %add3A_1158, %broadcast_in_dim3A_1160 : vector<16xi1>, vector<16xi32>
        %swap3A_1162 = arith.constant 272 : index
        %swap3A_1163 = tpu.vector_load %arg7[%swap3A_1162] {strides = array<i32>} : memref<640xi32, #tpu.memory_space<vmem>>, vector<16xi32>,
        tpu.vector_store %arg7[%swap3A_1162], %select_n3A_1161 {strides = array<i32>} : memref<640xi32, #tpu.memory_space<vmem>>, vector<16xi32>,
        %get3A_1164 = arith.constant 288 : index
        %get3A_1165 = tpu.vector_load %arg6[%get3A_1164] {strides = array<i32>} : memref<640xi32, #tpu.memory_space<vmem>>, vector<16xi32>,
        %shift_right_arithmetic3A_1166 = arith.constant 5 : i32
        %shift_right_arithmetic3A_1167 = vector.broadcast %shift_right_arithmetic3A_1166 : i32 to vector<16xi32>
        %shift_right_arithmetic3A_1168 = arith.shrsi %get3A_1165, %shift_right_arithmetic3A_1167 : vector<16xi32>
        %and3A_1169 = arith.constant 31 : i32
        %and3A_1170 = vector.broadcast %and3A_1169 : i32 to vector<16xi32>
        %and3A_1171 = arith.andi %get3A_1165, %and3A_1170 : vector<16xi32>
        %gather3A_1172 = tpu.vector_load_idx %arg4[%shift_right_arithmetic3A_1168] : memref<20000xi32, #tpu.memory_space<vmem>>[vector<16xi32>], vector<16xi32>,
        %gather3A_1173 = tpu.vector_load_idx %arg5[%shift_right_arithmetic3A_1168] : memref<20000xi32, #tpu.memory_space<vmem>>[vector<16xi32>], vector<16xi32>,
        %lt3A_1174 = arith.cmpi slt, %and3A_1171, %gather3A_1172 : vector<16xi32>
        %or3A_1175 = arith.ori %or3A_1151, %lt3A_1174 : vector<16xi1>
        %lt3A_1176 = arith.constant 20 : i32
        %lt3A_1177 = vector.broadcast %lt3A_1176 : i32 to vector<16xi32>
        %lt3A_1178 = arith.cmpi slt, %and3A_1171, %lt3A_1177 : vector<16xi32>
        %mul3A_1179 = arith.constant 32 : i32
        %mul3A_1180 = vector.broadcast %mul3A_1179 : i32 to vector<16xi32>
        %mul3A_1181 = arith.muli %gather3A_1172, %mul3A_1180 : vector<16xi32>
        %add3A_1182 = arith.addi %mul3A_1181, %gather3A_1173 : vector<16xi32>
        %jit3A_1183 = arith.constant 693 : i32
        %broadcast_in_dim3A_1184 = vector.broadcast %jit3A_1183 : i32 to vector<16xi32>
        %select_n3A_1185 = arith.select %lt3A_1178, %add3A_1182, %broadcast_in_dim3A_1184 : vector<16xi1>, vector<16xi32>
        %swap3A_1186 = arith.constant 288 : index
        %swap3A_1187 = tpu.vector_load %arg7[%swap3A_1186] {strides = array<i32>} : memref<640xi32, #tpu.memory_space<vmem>>, vector<16xi32>,
        tpu.vector_store %arg7[%swap3A_1186], %select_n3A_1185 {strides = array<i32>} : memref<640xi32, #tpu.memory_space<vmem>>, vector<16xi32>,
        %get3A_1188 = arith.constant 304 : index
        %get3A_1189 = tpu.vector_load %arg6[%get3A_1188] {strides = array<i32>} : memref<640xi32, #tpu.memory_space<vmem>>, vector<16xi32>,
        %shift_right_arithmetic3A_1190 = arith.constant 5 : i32
        %shift_right_arithmetic3A_1191 = vector.broadcast %shift_right_arithmetic3A_1190 : i32 to vector<16xi32>
        %shift_right_arithmetic3A_1192 = arith.shrsi %get3A_1189, %shift_right_arithmetic3A_1191 : vector<16xi32>
        %and3A_1193 = arith.constant 31 : i32
        %and3A_1194 = vector.broadcast %and3A_1193 : i32 to vector<16xi32>
        %and3A_1195 = arith.andi %get3A_1189, %and3A_1194 : vector<16xi32>
        %gather3A_1196 = tpu.vector_load_idx %arg4[%shift_right_arithmetic3A_1192] : memref<20000xi32, #tpu.memory_space<vmem>>[vector<16xi32>], vector<16xi32>,
        %gather3A_1197 = tpu.vector_load_idx %arg5[%shift_right_arithmetic3A_1192] : memref<20000xi32, #tpu.memory_space<vmem>>[vector<16xi32>], vector<16xi32>,
        %lt3A_1198 = arith.cmpi slt, %and3A_1195, %gather3A_1196 : vector<16xi32>
        %or3A_1199 = arith.ori %or3A_1175, %lt3A_1198 : vector<16xi1>
        %lt3A_1200 = arith.constant 20 : i32
        %lt3A_1201 = vector.broadcast %lt3A_1200 : i32 to vector<16xi32>
        %lt3A_1202 = arith.cmpi slt, %and3A_1195, %lt3A_1201 : vector<16xi32>
        %mul3A_1203 = arith.constant 32 : i32
        %mul3A_1204 = vector.broadcast %mul3A_1203 : i32 to vector<16xi32>
        %mul3A_1205 = arith.muli %gather3A_1196, %mul3A_1204 : vector<16xi32>
        %add3A_1206 = arith.addi %mul3A_1205, %gather3A_1197 : vector<16xi32>
        %jit3A_1207 = arith.constant 693 : i32
        %broadcast_in_dim3A_1208 = vector.broadcast %jit3A_1207 : i32 to vector<16xi32>
        %select_n3A_1209 = arith.select %lt3A_1202, %add3A_1206, %broadcast_in_dim3A_1208 : vector<16xi1>, vector<16xi32>
        %swap3A_1210 = arith.constant 304 : index
        %swap3A_1211 = tpu.vector_load %arg7[%swap3A_1210] {strides = array<i32>} : memref<640xi32, #tpu.memory_space<vmem>>, vector<16xi32>,
        tpu.vector_store %arg7[%swap3A_1210], %select_n3A_1209 {strides = array<i32>} : memref<640xi32, #tpu.memory_space<vmem>>, vector<16xi32>,
        %get3A_1212 = arith.constant 320 : index
        %get3A_1213 = tpu.vector_load %arg6[%get3A_1212] {strides = array<i32>} : memref<640xi32, #tpu.memory_space<vmem>>, vector<16xi32>,
        %shift_right_arithmetic3A_1214 = arith.constant 5 : i32
        %shift_right_arithmetic3A_1215 = vector.broadcast %shift_right_arithmetic3A_1214 : i32 to vector<16xi32>
        %shift_right_arithmetic3A_1216 = arith.shrsi %get3A_1213, %shift_right_arithmetic3A_1215 : vector<16xi32>
        %and3A_1217 = arith.constant 31 : i32
        %and3A_1218 = vector.broadcast %and3A_1217 : i32 to vector<16xi32>
        %and3A_1219 = arith.andi %get3A_1213, %and3A_1218 : vector<16xi32>
        %gather3A_1220 = tpu.vector_load_idx %arg5[%shift_right_arithmetic3A_1216] : memref<20000xi32, #tpu.memory_space<vmem>>[vector<16xi32>], vector<16xi32>,
        %gather3A_1221 = tpu.vector_load_idx %arg4[%shift_right_arithmetic3A_1216] : memref<20000xi32, #tpu.memory_space<vmem>>[vector<16xi32>], vector<16xi32>,
        %lt3A_1222 = arith.cmpi slt, %and3A_1219, %gather3A_1220 : vector<16xi32>
        %or3A_1223 = arith.ori %or3A_1199, %lt3A_1222 : vector<16xi1>
        %lt3A_1224 = arith.constant 20 : i32
        %lt3A_1225 = vector.broadcast %lt3A_1224 : i32 to vector<16xi32>
        %lt3A_1226 = arith.cmpi slt, %and3A_1219, %lt3A_1225 : vector<16xi32>
        %mul3A_1227 = arith.constant 32 : i32
        %mul3A_1228 = vector.broadcast %mul3A_1227 : i32 to vector<16xi32>
        %mul3A_1229 = arith.muli %gather3A_1220, %mul3A_1228 : vector<16xi32>
        %add3A_1230 = arith.addi %mul3A_1229, %gather3A_1221 : vector<16xi32>
        %jit3A_1231 = arith.constant 693 : i32
        %broadcast_in_dim3A_1232 = vector.broadcast %jit3A_1231 : i32 to vector<16xi32>
        %select_n3A_1233 = arith.select %lt3A_1226, %add3A_1230, %broadcast_in_dim3A_1232 : vector<16xi1>, vector<16xi32>
        %swap3A_1234 = arith.constant 320 : index
        %swap3A_1235 = tpu.vector_load %arg7[%swap3A_1234] {strides = array<i32>} : memref<640xi32, #tpu.memory_space<vmem>>, vector<16xi32>,
        tpu.vector_store %arg7[%swap3A_1234], %select_n3A_1233 {strides = array<i32>} : memref<640xi32, #tpu.memory_space<vmem>>, vector<16xi32>,
        %get3A_1236 = arith.constant 336 : index
        %get3A_1237 = tpu.vector_load %arg6[%get3A_1236] {strides = array<i32>} : memref<640xi32, #tpu.memory_space<vmem>>, vector<16xi32>,
        %shift_right_arithmetic3A_1238 = arith.constant 5 : i32
        %shift_right_arithmetic3A_1239 = vector.broadcast %shift_right_arithmetic3A_1238 : i32 to vector<16xi32>
        %shift_right_arithmetic3A_1240 = arith.shrsi %get3A_1237, %shift_right_arithmetic3A_1239 : vector<16xi32>
        %and3A_1241 = arith.constant 31 : i32
        %and3A_1242 = vector.broadcast %and3A_1241 : i32 to vector<16xi32>
        %and3A_1243 = arith.andi %get3A_1237, %and3A_1242 : vector<16xi32>
        %gather3A_1244 = tpu.vector_load_idx %arg5[%shift_right_arithmetic3A_1240] : memref<20000xi32, #tpu.memory_space<vmem>>[vector<16xi32>], vector<16xi32>,
        %gather3A_1245 = tpu.vector_load_idx %arg4[%shift_right_arithmetic3A_1240] : memref<20000xi32, #tpu.memory_space<vmem>>[vector<16xi32>], vector<16xi32>,
        %lt3A_1246 = arith.cmpi slt, %and3A_1243, %gather3A_1244 : vector<16xi32>
        %or3A_1247 = arith.ori %or3A_1223, %lt3A_1246 : vector<16xi1>
        %lt3A_1248 = arith.constant 20 : i32
        %lt3A_1249 = vector.broadcast %lt3A_1248 : i32 to vector<16xi32>
        %lt3A_1250 = arith.cmpi slt, %and3A_1243, %lt3A_1249 : vector<16xi32>
        %mul3A_1251 = arith.constant 32 : i32
        %mul3A_1252 = vector.broadcast %mul3A_1251 : i32 to vector<16xi32>
        %mul3A_1253 = arith.muli %gather3A_1244, %mul3A_1252 : vector<16xi32>
        %add3A_1254 = arith.addi %mul3A_1253, %gather3A_1245 : vector<16xi32>
        %jit3A_1255 = arith.constant 693 : i32
        %broadcast_in_dim3A_1256 = vector.broadcast %jit3A_1255 : i32 to vector<16xi32>
        %select_n3A_1257 = arith.select %lt3A_1250, %add3A_1254, %broadcast_in_dim3A_1256 : vector<16xi1>, vector<16xi32>
        %swap3A_1258 = arith.constant 336 : index
        %swap3A_1259 = tpu.vector_load %arg7[%swap3A_1258] {strides = array<i32>} : memref<640xi32, #tpu.memory_space<vmem>>, vector<16xi32>,
        tpu.vector_store %arg7[%swap3A_1258], %select_n3A_1257 {strides = array<i32>} : memref<640xi32, #tpu.memory_space<vmem>>, vector<16xi32>,
        %get3A_1260 = arith.constant 352 : index
        %get3A_1261 = tpu.vector_load %arg6[%get3A_1260] {strides = array<i32>} : memref<640xi32, #tpu.memory_space<vmem>>, vector<16xi32>,
        %shift_right_arithmetic3A_1262 = arith.constant 5 : i32
        %shift_right_arithmetic3A_1263 = vector.broadcast %shift_right_arithmetic3A_1262 : i32 to vector<16xi32>
        %shift_right_arithmetic3A_1264 = arith.shrsi %get3A_1261, %shift_right_arithmetic3A_1263 : vector<16xi32>
        %and3A_1265 = arith.constant 31 : i32
        %and3A_1266 = vector.broadcast %and3A_1265 : i32 to vector<16xi32>
        %and3A_1267 = arith.andi %get3A_1261, %and3A_1266 : vector<16xi32>
        %gather3A_1268 = tpu.vector_load_idx %arg5[%shift_right_arithmetic3A_1264] : memref<20000xi32, #tpu.memory_space<vmem>>[vector<16xi32>], vector<16xi32>,
        %gather3A_1269 = tpu.vector_load_idx %arg4[%shift_right_arithmetic3A_1264] : memref<20000xi32, #tpu.memory_space<vmem>>[vector<16xi32>], vector<16xi32>,
        %lt3A_1270 = arith.cmpi slt, %and3A_1267, %gather3A_1268 : vector<16xi32>
        %or3A_1271 = arith.ori %or3A_1247, %lt3A_1270 : vector<16xi1>
        %lt3A_1272 = arith.constant 20 : i32
        %lt3A_1273 = vector.broadcast %lt3A_1272 : i32 to vector<16xi32>
        %lt3A_1274 = arith.cmpi slt, %and3A_1267, %lt3A_1273 : vector<16xi32>
        %mul3A_1275 = arith.constant 32 : i32
        %mul3A_1276 = vector.broadcast %mul3A_1275 : i32 to vector<16xi32>
        %mul3A_1277 = arith.muli %gather3A_1268, %mul3A_1276 : vector<16xi32>
        %add3A_1278 = arith.addi %mul3A_1277, %gather3A_1269 : vector<16xi32>
        %jit3A_1279 = arith.constant 693 : i32
        %broadcast_in_dim3A_1280 = vector.broadcast %jit3A_1279 : i32 to vector<16xi32>
        %select_n3A_1281 = arith.select %lt3A_1274, %add3A_1278, %broadcast_in_dim3A_1280 : vector<16xi1>, vector<16xi32>
        %swap3A_1282 = arith.constant 352 : index
        %swap3A_1283 = tpu.vector_load %arg7[%swap3A_1282] {strides = array<i32>} : memref<640xi32, #tpu.memory_space<vmem>>, vector<16xi32>,
        tpu.vector_store %arg7[%swap3A_1282], %select_n3A_1281 {strides = array<i32>} : memref<640xi32, #tpu.memory_space<vmem>>, vector<16xi32>,
        %get3A_1284 = arith.constant 368 : index
        %get3A_1285 = tpu.vector_load %arg6[%get3A_1284] {strides = array<i32>} : memref<640xi32, #tpu.memory_space<vmem>>, vector<16xi32>,
        %shift_right_arithmetic3A_1286 = arith.constant 5 : i32
        %shift_right_arithmetic3A_1287 = vector.broadcast %shift_right_arithmetic3A_1286 : i32 to vector<16xi32>
        %shift_right_arithmetic3A_1288 = arith.shrsi %get3A_1285, %shift_right_arithmetic3A_1287 : vector<16xi32>
        %and3A_1289 = arith.constant 31 : i32
        %and3A_1290 = vector.broadcast %and3A_1289 : i32 to vector<16xi32>
        %and3A_1291 = arith.andi %get3A_1285, %and3A_1290 : vector<16xi32>
        %gather3A_1292 = tpu.vector_load_idx %arg5[%shift_right_arithmetic3A_1288] : memref<20000xi32, #tpu.memory_space<vmem>>[vector<16xi32>], vector<16xi32>,
        %gather3A_1293 = tpu.vector_load_idx %arg4[%shift_right_arithmetic3A_1288] : memref<20000xi32, #tpu.memory_space<vmem>>[vector<16xi32>], vector<16xi32>,
        %lt3A_1294 = arith.cmpi slt, %and3A_1291, %gather3A_1292 : vector<16xi32>
        %or3A_1295 = arith.ori %or3A_1271, %lt3A_1294 : vector<16xi1>
        %lt3A_1296 = arith.constant 20 : i32
        %lt3A_1297 = vector.broadcast %lt3A_1296 : i32 to vector<16xi32>
        %lt3A_1298 = arith.cmpi slt, %and3A_1291, %lt3A_1297 : vector<16xi32>
        %mul3A_1299 = arith.constant 32 : i32
        %mul3A_1300 = vector.broadcast %mul3A_1299 : i32 to vector<16xi32>
        %mul3A_1301 = arith.muli %gather3A_1292, %mul3A_1300 : vector<16xi32>
        %add3A_1302 = arith.addi %mul3A_1301, %gather3A_1293 : vector<16xi32>
        %jit3A_1303 = arith.constant 693 : i32
        %broadcast_in_dim3A_1304 = vector.broadcast %jit3A_1303 : i32 to vector<16xi32>
        %select_n3A_1305 = arith.select %lt3A_1298, %add3A_1302, %broadcast_in_dim3A_1304 : vector<16xi1>, vector<16xi32>
        %swap3A_1306 = arith.constant 368 : index
        %swap3A_1307 = tpu.vector_load %arg7[%swap3A_1306] {strides = array<i32>} : memref<640xi32, #tpu.memory_space<vmem>>, vector<16xi32>,
        tpu.vector_store %arg7[%swap3A_1306], %select_n3A_1305 {strides = array<i32>} : memref<640xi32, #tpu.memory_space<vmem>>, vector<16xi32>,
        %get3A_1308 = arith.constant 384 : index
        %get3A_1309 = tpu.vector_load %arg6[%get3A_1308] {strides = array<i32>} : memref<640xi32, #tpu.memory_space<vmem>>, vector<16xi32>,
        %shift_right_arithmetic3A_1310 = arith.constant 5 : i32
        %shift_right_arithmetic3A_1311 = vector.broadcast %shift_right_arithmetic3A_1310 : i32 to vector<16xi32>
        %shift_right_arithmetic3A_1312 = arith.shrsi %get3A_1309, %shift_right_arithmetic3A_1311 : vector<16xi32>
        %and3A_1313 = arith.constant 31 : i32
        %and3A_1314 = vector.broadcast %and3A_1313 : i32 to vector<16xi32>
        %and3A_1315 = arith.andi %get3A_1309, %and3A_1314 : vector<16xi32>
        %gather3A_1316 = tpu.vector_load_idx %arg5[%shift_right_arithmetic3A_1312] : memref<20000xi32, #tpu.memory_space<vmem>>[vector<16xi32>], vector<16xi32>,
        %gather3A_1317 = tpu.vector_load_idx %arg4[%shift_right_arithmetic3A_1312] : memref<20000xi32, #tpu.memory_space<vmem>>[vector<16xi32>], vector<16xi32>,
        %lt3A_1318 = arith.cmpi slt, %and3A_1315, %gather3A_1316 : vector<16xi32>
        %or3A_1319 = arith.ori %or3A_1295, %lt3A_1318 : vector<16xi1>
        %lt3A_1320 = arith.constant 20 : i32
        %lt3A_1321 = vector.broadcast %lt3A_1320 : i32 to vector<16xi32>
        %lt3A_1322 = arith.cmpi slt, %and3A_1315, %lt3A_1321 : vector<16xi32>
        %mul3A_1323 = arith.constant 32 : i32
        %mul3A_1324 = vector.broadcast %mul3A_1323 : i32 to vector<16xi32>
        %mul3A_1325 = arith.muli %gather3A_1316, %mul3A_1324 : vector<16xi32>
        %add3A_1326 = arith.addi %mul3A_1325, %gather3A_1317 : vector<16xi32>
        %jit3A_1327 = arith.constant 693 : i32
        %broadcast_in_dim3A_1328 = vector.broadcast %jit3A_1327 : i32 to vector<16xi32>
        %select_n3A_1329 = arith.select %lt3A_1322, %add3A_1326, %broadcast_in_dim3A_1328 : vector<16xi1>, vector<16xi32>
        %swap3A_1330 = arith.constant 384 : index
        %swap3A_1331 = tpu.vector_load %arg7[%swap3A_1330] {strides = array<i32>} : memref<640xi32, #tpu.memory_space<vmem>>, vector<16xi32>,
        tpu.vector_store %arg7[%swap3A_1330], %select_n3A_1329 {strides = array<i32>} : memref<640xi32, #tpu.memory_space<vmem>>, vector<16xi32>,
        %get3A_1332 = arith.constant 400 : index
        %get3A_1333 = tpu.vector_load %arg6[%get3A_1332] {strides = array<i32>} : memref<640xi32, #tpu.memory_space<vmem>>, vector<16xi32>,
        %shift_right_arithmetic3A_1334 = arith.constant 5 : i32
        %shift_right_arithmetic3A_1335 = vector.broadcast %shift_right_arithmetic3A_1334 : i32 to vector<16xi32>
        %shift_right_arithmetic3A_1336 = arith.shrsi %get3A_1333, %shift_right_arithmetic3A_1335 : vector<16xi32>
        %and3A_1337 = arith.constant 31 : i32
        %and3A_1338 = vector.broadcast %and3A_1337 : i32 to vector<16xi32>
        %and3A_1339 = arith.andi %get3A_1333, %and3A_1338 : vector<16xi32>
        %gather3A_1340 = tpu.vector_load_idx %arg5[%shift_right_arithmetic3A_1336] : memref<20000xi32, #tpu.memory_space<vmem>>[vector<16xi32>], vector<16xi32>,
        %gather3A_1341 = tpu.vector_load_idx %arg4[%shift_right_arithmetic3A_1336] : memref<20000xi32, #tpu.memory_space<vmem>>[vector<16xi32>], vector<16xi32>,
        %lt3A_1342 = arith.cmpi slt, %and3A_1339, %gather3A_1340 : vector<16xi32>
        %or3A_1343 = arith.ori %or3A_1319, %lt3A_1342 : vector<16xi1>
        %lt3A_1344 = arith.constant 20 : i32
        %lt3A_1345 = vector.broadcast %lt3A_1344 : i32 to vector<16xi32>
        %lt3A_1346 = arith.cmpi slt, %and3A_1339, %lt3A_1345 : vector<16xi32>
        %mul3A_1347 = arith.constant 32 : i32
        %mul3A_1348 = vector.broadcast %mul3A_1347 : i32 to vector<16xi32>
        %mul3A_1349 = arith.muli %gather3A_1340, %mul3A_1348 : vector<16xi32>
        %add3A_1350 = arith.addi %mul3A_1349, %gather3A_1341 : vector<16xi32>
        %jit3A_1351 = arith.constant 693 : i32
        %broadcast_in_dim3A_1352 = vector.broadcast %jit3A_1351 : i32 to vector<16xi32>
        %select_n3A_1353 = arith.select %lt3A_1346, %add3A_1350, %broadcast_in_dim3A_1352 : vector<16xi1>, vector<16xi32>
        %swap3A_1354 = arith.constant 400 : index
        %swap3A_1355 = tpu.vector_load %arg7[%swap3A_1354] {strides = array<i32>} : memref<640xi32, #tpu.memory_space<vmem>>, vector<16xi32>,
        tpu.vector_store %arg7[%swap3A_1354], %select_n3A_1353 {strides = array<i32>} : memref<640xi32, #tpu.memory_space<vmem>>, vector<16xi32>,
        %get3A_1356 = arith.constant 416 : index
        %get3A_1357 = tpu.vector_load %arg6[%get3A_1356] {strides = array<i32>} : memref<640xi32, #tpu.memory_space<vmem>>, vector<16xi32>,
        %shift_right_arithmetic3A_1358 = arith.constant 5 : i32
        %shift_right_arithmetic3A_1359 = vector.broadcast %shift_right_arithmetic3A_1358 : i32 to vector<16xi32>
        %shift_right_arithmetic3A_1360 = arith.shrsi %get3A_1357, %shift_right_arithmetic3A_1359 : vector<16xi32>
        %and3A_1361 = arith.constant 31 : i32
        %and3A_1362 = vector.broadcast %and3A_1361 : i32 to vector<16xi32>
        %and3A_1363 = arith.andi %get3A_1357, %and3A_1362 : vector<16xi32>
        %gather3A_1364 = tpu.vector_load_idx %arg5[%shift_right_arithmetic3A_1360] : memref<20000xi32, #tpu.memory_space<vmem>>[vector<16xi32>], vector<16xi32>,
        %gather3A_1365 = tpu.vector_load_idx %arg4[%shift_right_arithmetic3A_1360] : memref<20000xi32, #tpu.memory_space<vmem>>[vector<16xi32>], vector<16xi32>,
        %lt3A_1366 = arith.cmpi slt, %and3A_1363, %gather3A_1364 : vector<16xi32>
        %or3A_1367 = arith.ori %or3A_1343, %lt3A_1366 : vector<16xi1>
        %lt3A_1368 = arith.constant 20 : i32
        %lt3A_1369 = vector.broadcast %lt3A_1368 : i32 to vector<16xi32>
        %lt3A_1370 = arith.cmpi slt, %and3A_1363, %lt3A_1369 : vector<16xi32>
        %mul3A_1371 = arith.constant 32 : i32
        %mul3A_1372 = vector.broadcast %mul3A_1371 : i32 to vector<16xi32>
        %mul3A_1373 = arith.muli %gather3A_1364, %mul3A_1372 : vector<16xi32>
        %add3A_1374 = arith.addi %mul3A_1373, %gather3A_1365 : vector<16xi32>
        %jit3A_1375 = arith.constant 693 : i32
        %broadcast_in_dim3A_1376 = vector.broadcast %jit3A_1375 : i32 to vector<16xi32>
        %select_n3A_1377 = arith.select %lt3A_1370, %add3A_1374, %broadcast_in_dim3A_1376 : vector<16xi1>, vector<16xi32>
        %swap3A_1378 = arith.constant 416 : index
        %swap3A_1379 = tpu.vector_load %arg7[%swap3A_1378] {strides = array<i32>} : memref<640xi32, #tpu.memory_space<vmem>>, vector<16xi32>,
        tpu.vector_store %arg7[%swap3A_1378], %select_n3A_1377 {strides = array<i32>} : memref<640xi32, #tpu.memory_space<vmem>>, vector<16xi32>,
        %get3A_1380 = arith.constant 432 : index
        %get3A_1381 = tpu.vector_load %arg6[%get3A_1380] {strides = array<i32>} : memref<640xi32, #tpu.memory_space<vmem>>, vector<16xi32>,
        %shift_right_arithmetic3A_1382 = arith.constant 5 : i32
        %shift_right_arithmetic3A_1383 = vector.broadcast %shift_right_arithmetic3A_1382 : i32 to vector<16xi32>
        %shift_right_arithmetic3A_1384 = arith.shrsi %get3A_1381, %shift_right_arithmetic3A_1383 : vector<16xi32>
        %and3A_1385 = arith.constant 31 : i32
        %and3A_1386 = vector.broadcast %and3A_1385 : i32 to vector<16xi32>
        %and3A_1387 = arith.andi %get3A_1381, %and3A_1386 : vector<16xi32>
        %gather3A_1388 = tpu.vector_load_idx %arg5[%shift_right_arithmetic3A_1384] : memref<20000xi32, #tpu.memory_space<vmem>>[vector<16xi32>], vector<16xi32>,
        %gather3A_1389 = tpu.vector_load_idx %arg4[%shift_right_arithmetic3A_1384] : memref<20000xi32, #tpu.memory_space<vmem>>[vector<16xi32>], vector<16xi32>,
        %lt3A_1390 = arith.cmpi slt, %and3A_1387, %gather3A_1388 : vector<16xi32>
        %or3A_1391 = arith.ori %or3A_1367, %lt3A_1390 : vector<16xi1>
        %lt3A_1392 = arith.constant 20 : i32
        %lt3A_1393 = vector.broadcast %lt3A_1392 : i32 to vector<16xi32>
        %lt3A_1394 = arith.cmpi slt, %and3A_1387, %lt3A_1393 : vector<16xi32>
        %mul3A_1395 = arith.constant 32 : i32
        %mul3A_1396 = vector.broadcast %mul3A_1395 : i32 to vector<16xi32>
        %mul3A_1397 = arith.muli %gather3A_1388, %mul3A_1396 : vector<16xi32>
        %add3A_1398 = arith.addi %mul3A_1397, %gather3A_1389 : vector<16xi32>
        %jit3A_1399 = arith.constant 693 : i32
        %broadcast_in_dim3A_1400 = vector.broadcast %jit3A_1399 : i32 to vector<16xi32>
        %select_n3A_1401 = arith.select %lt3A_1394, %add3A_1398, %broadcast_in_dim3A_1400 : vector<16xi1>, vector<16xi32>
        %swap3A_1402 = arith.constant 432 : index
        %swap3A_1403 = tpu.vector_load %arg7[%swap3A_1402] {strides = array<i32>} : memref<640xi32, #tpu.memory_space<vmem>>, vector<16xi32>,
        tpu.vector_store %arg7[%swap3A_1402], %select_n3A_1401 {strides = array<i32>} : memref<640xi32, #tpu.memory_space<vmem>>, vector<16xi32>,
        %get3A_1404 = arith.constant 448 : index
        %get3A_1405 = tpu.vector_load %arg6[%get3A_1404] {strides = array<i32>} : memref<640xi32, #tpu.memory_space<vmem>>, vector<16xi32>,
        %shift_right_arithmetic3A_1406 = arith.constant 5 : i32
        %shift_right_arithmetic3A_1407 = vector.broadcast %shift_right_arithmetic3A_1406 : i32 to vector<16xi32>
        %shift_right_arithmetic3A_1408 = arith.shrsi %get3A_1405, %shift_right_arithmetic3A_1407 : vector<16xi32>
        %and3A_1409 = arith.constant 31 : i32
        %and3A_1410 = vector.broadcast %and3A_1409 : i32 to vector<16xi32>
        %and3A_1411 = arith.andi %get3A_1405, %and3A_1410 : vector<16xi32>
        %gather3A_1412 = tpu.vector_load_idx %arg5[%shift_right_arithmetic3A_1408] : memref<20000xi32, #tpu.memory_space<vmem>>[vector<16xi32>], vector<16xi32>,
        %gather3A_1413 = tpu.vector_load_idx %arg4[%shift_right_arithmetic3A_1408] : memref<20000xi32, #tpu.memory_space<vmem>>[vector<16xi32>], vector<16xi32>,
        %lt3A_1414 = arith.cmpi slt, %and3A_1411, %gather3A_1412 : vector<16xi32>
        %or3A_1415 = arith.ori %or3A_1391, %lt3A_1414 : vector<16xi1>
        %lt3A_1416 = arith.constant 20 : i32
        %lt3A_1417 = vector.broadcast %lt3A_1416 : i32 to vector<16xi32>
        %lt3A_1418 = arith.cmpi slt, %and3A_1411, %lt3A_1417 : vector<16xi32>
        %mul3A_1419 = arith.constant 32 : i32
        %mul3A_1420 = vector.broadcast %mul3A_1419 : i32 to vector<16xi32>
        %mul3A_1421 = arith.muli %gather3A_1412, %mul3A_1420 : vector<16xi32>
        %add3A_1422 = arith.addi %mul3A_1421, %gather3A_1413 : vector<16xi32>
        %jit3A_1423 = arith.constant 693 : i32
        %broadcast_in_dim3A_1424 = vector.broadcast %jit3A_1423 : i32 to vector<16xi32>
        %select_n3A_1425 = arith.select %lt3A_1418, %add3A_1422, %broadcast_in_dim3A_1424 : vector<16xi1>, vector<16xi32>
        %swap3A_1426 = arith.constant 448 : index
        %swap3A_1427 = tpu.vector_load %arg7[%swap3A_1426] {strides = array<i32>} : memref<640xi32, #tpu.memory_space<vmem>>, vector<16xi32>,
        tpu.vector_store %arg7[%swap3A_1426], %select_n3A_1425 {strides = array<i32>} : memref<640xi32, #tpu.memory_space<vmem>>, vector<16xi32>,
        %get3A_1428 = arith.constant 464 : index
        %get3A_1429 = tpu.vector_load %arg6[%get3A_1428] {strides = array<i32>} : memref<640xi32, #tpu.memory_space<vmem>>, vector<16xi32>,
        %shift_right_arithmetic3A_1430 = arith.constant 5 : i32
        %shift_right_arithmetic3A_1431 = vector.broadcast %shift_right_arithmetic3A_1430 : i32 to vector<16xi32>
        %shift_right_arithmetic3A_1432 = arith.shrsi %get3A_1429, %shift_right_arithmetic3A_1431 : vector<16xi32>
        %and3A_1433 = arith.constant 31 : i32
        %and3A_1434 = vector.broadcast %and3A_1433 : i32 to vector<16xi32>
        %and3A_1435 = arith.andi %get3A_1429, %and3A_1434 : vector<16xi32>
        %gather3A_1436 = tpu.vector_load_idx %arg5[%shift_right_arithmetic3A_1432] : memref<20000xi32, #tpu.memory_space<vmem>>[vector<16xi32>], vector<16xi32>,
        %gather3A_1437 = tpu.vector_load_idx %arg4[%shift_right_arithmetic3A_1432] : memref<20000xi32, #tpu.memory_space<vmem>>[vector<16xi32>], vector<16xi32>,
        %lt3A_1438 = arith.cmpi slt, %and3A_1435, %gather3A_1436 : vector<16xi32>
        %or3A_1439 = arith.ori %or3A_1415, %lt3A_1438 : vector<16xi1>
        %lt3A_1440 = arith.constant 20 : i32
        %lt3A_1441 = vector.broadcast %lt3A_1440 : i32 to vector<16xi32>
        %lt3A_1442 = arith.cmpi slt, %and3A_1435, %lt3A_1441 : vector<16xi32>
        %mul3A_1443 = arith.constant 32 : i32
        %mul3A_1444 = vector.broadcast %mul3A_1443 : i32 to vector<16xi32>
        %mul3A_1445 = arith.muli %gather3A_1436, %mul3A_1444 : vector<16xi32>
        %add3A_1446 = arith.addi %mul3A_1445, %gather3A_1437 : vector<16xi32>
        %jit3A_1447 = arith.constant 693 : i32
        %broadcast_in_dim3A_1448 = vector.broadcast %jit3A_1447 : i32 to vector<16xi32>
        %select_n3A_1449 = arith.select %lt3A_1442, %add3A_1446, %broadcast_in_dim3A_1448 : vector<16xi1>, vector<16xi32>
        %swap3A_1450 = arith.constant 464 : index
        %swap3A_1451 = tpu.vector_load %arg7[%swap3A_1450] {strides = array<i32>} : memref<640xi32, #tpu.memory_space<vmem>>, vector<16xi32>,
        tpu.vector_store %arg7[%swap3A_1450], %select_n3A_1449 {strides = array<i32>} : memref<640xi32, #tpu.memory_space<vmem>>, vector<16xi32>,
        %get3A_1452 = arith.constant 480 : index
        %get3A_1453 = tpu.vector_load %arg6[%get3A_1452] {strides = array<i32>} : memref<640xi32, #tpu.memory_space<vmem>>, vector<16xi32>,
        %shift_right_arithmetic3A_1454 = arith.constant 5 : i32
        %shift_right_arithmetic3A_1455 = vector.broadcast %shift_right_arithmetic3A_1454 : i32 to vector<16xi32>
        %shift_right_arithmetic3A_1456 = arith.shrsi %get3A_1453, %shift_right_arithmetic3A_1455 : vector<16xi32>
        %and3A_1457 = arith.constant 31 : i32
        %and3A_1458 = vector.broadcast %and3A_1457 : i32 to vector<16xi32>
        %and3A_1459 = arith.andi %get3A_1453, %and3A_1458 : vector<16xi32>
        %gather3A_1460 = tpu.vector_load_idx %arg5[%shift_right_arithmetic3A_1456] : memref<20000xi32, #tpu.memory_space<vmem>>[vector<16xi32>], vector<16xi32>,
        %gather3A_1461 = tpu.vector_load_idx %arg4[%shift_right_arithmetic3A_1456] : memref<20000xi32, #tpu.memory_space<vmem>>[vector<16xi32>], vector<16xi32>,
        %lt3A_1462 = arith.cmpi slt, %and3A_1459, %gather3A_1460 : vector<16xi32>
        %or3A_1463 = arith.ori %or3A_1439, %lt3A_1462 : vector<16xi1>
        %lt3A_1464 = arith.constant 20 : i32
        %lt3A_1465 = vector.broadcast %lt3A_1464 : i32 to vector<16xi32>
        %lt3A_1466 = arith.cmpi slt, %and3A_1459, %lt3A_1465 : vector<16xi32>
        %mul3A_1467 = arith.constant 32 : i32
        %mul3A_1468 = vector.broadcast %mul3A_1467 : i32 to vector<16xi32>
        %mul3A_1469 = arith.muli %gather3A_1460, %mul3A_1468 : vector<16xi32>
        %add3A_1470 = arith.addi %mul3A_1469, %gather3A_1461 : vector<16xi32>
        %jit3A_1471 = arith.constant 693 : i32
        %broadcast_in_dim3A_1472 = vector.broadcast %jit3A_1471 : i32 to vector<16xi32>
        %select_n3A_1473 = arith.select %lt3A_1466, %add3A_1470, %broadcast_in_dim3A_1472 : vector<16xi1>, vector<16xi32>
        %swap3A_1474 = arith.constant 480 : index
        %swap3A_1475 = tpu.vector_load %arg7[%swap3A_1474] {strides = array<i32>} : memref<640xi32, #tpu.memory_space<vmem>>, vector<16xi32>,
        tpu.vector_store %arg7[%swap3A_1474], %select_n3A_1473 {strides = array<i32>} : memref<640xi32, #tpu.memory_space<vmem>>, vector<16xi32>,
        %get3A_1476 = arith.constant 496 : index
        %get3A_1477 = tpu.vector_load %arg6[%get3A_1476] {strides = array<i32>} : memref<640xi32, #tpu.memory_space<vmem>>, vector<16xi32>,
        %shift_right_arithmetic3A_1478 = arith.constant 5 : i32
        %shift_right_arithmetic3A_1479 = vector.broadcast %shift_right_arithmetic3A_1478 : i32 to vector<16xi32>
        %shift_right_arithmetic3A_1480 = arith.shrsi %get3A_1477, %shift_right_arithmetic3A_1479 : vector<16xi32>
        %and3A_1481 = arith.constant 31 : i32
        %and3A_1482 = vector.broadcast %and3A_1481 : i32 to vector<16xi32>
        %and3A_1483 = arith.andi %get3A_1477, %and3A_1482 : vector<16xi32>
        %gather3A_1484 = tpu.vector_load_idx %arg5[%shift_right_arithmetic3A_1480] : memref<20000xi32, #tpu.memory_space<vmem>>[vector<16xi32>], vector<16xi32>,
        %gather3A_1485 = tpu.vector_load_idx %arg4[%shift_right_arithmetic3A_1480] : memref<20000xi32, #tpu.memory_space<vmem>>[vector<16xi32>], vector<16xi32>,
        %lt3A_1486 = arith.cmpi slt, %and3A_1483, %gather3A_1484 : vector<16xi32>
        %or3A_1487 = arith.ori %or3A_1463, %lt3A_1486 : vector<16xi1>
        %lt3A_1488 = arith.constant 20 : i32
        %lt3A_1489 = vector.broadcast %lt3A_1488 : i32 to vector<16xi32>
        %lt3A_1490 = arith.cmpi slt, %and3A_1483, %lt3A_1489 : vector<16xi32>
        %mul3A_1491 = arith.constant 32 : i32
        %mul3A_1492 = vector.broadcast %mul3A_1491 : i32 to vector<16xi32>
        %mul3A_1493 = arith.muli %gather3A_1484, %mul3A_1492 : vector<16xi32>
        %add3A_1494 = arith.addi %mul3A_1493, %gather3A_1485 : vector<16xi32>
        %jit3A_1495 = arith.constant 693 : i32
        %broadcast_in_dim3A_1496 = vector.broadcast %jit3A_1495 : i32 to vector<16xi32>
        %select_n3A_1497 = arith.select %lt3A_1490, %add3A_1494, %broadcast_in_dim3A_1496 : vector<16xi1>, vector<16xi32>
        %swap3A_1498 = arith.constant 496 : index
        %swap3A_1499 = tpu.vector_load %arg7[%swap3A_1498] {strides = array<i32>} : memref<640xi32, #tpu.memory_space<vmem>>, vector<16xi32>,
        tpu.vector_store %arg7[%swap3A_1498], %select_n3A_1497 {strides = array<i32>} : memref<640xi32, #tpu.memory_space<vmem>>, vector<16xi32>,
        %get3A_1500 = arith.constant 512 : index
        %get3A_1501 = tpu.vector_load %arg6[%get3A_1500] {strides = array<i32>} : memref<640xi32, #tpu.memory_space<vmem>>, vector<16xi32>,
        %shift_right_arithmetic3A_1502 = arith.constant 5 : i32
        %shift_right_arithmetic3A_1503 = vector.broadcast %shift_right_arithmetic3A_1502 : i32 to vector<16xi32>
        %shift_right_arithmetic3A_1504 = arith.shrsi %get3A_1501, %shift_right_arithmetic3A_1503 : vector<16xi32>
        %and3A_1505 = arith.constant 31 : i32
        %and3A_1506 = vector.broadcast %and3A_1505 : i32 to vector<16xi32>
        %and3A_1507 = arith.andi %get3A_1501, %and3A_1506 : vector<16xi32>
        %gather3A_1508 = tpu.vector_load_idx %arg5[%shift_right_arithmetic3A_1504] : memref<20000xi32, #tpu.memory_space<vmem>>[vector<16xi32>], vector<16xi32>,
        %gather3A_1509 = tpu.vector_load_idx %arg4[%shift_right_arithmetic3A_1504] : memref<20000xi32, #tpu.memory_space<vmem>>[vector<16xi32>], vector<16xi32>,
        %lt3A_1510 = arith.cmpi slt, %and3A_1507, %gather3A_1508 : vector<16xi32>
        %or3A_1511 = arith.ori %or3A_1487, %lt3A_1510 : vector<16xi1>
        %lt3A_1512 = arith.constant 20 : i32
        %lt3A_1513 = vector.broadcast %lt3A_1512 : i32 to vector<16xi32>
        %lt3A_1514 = arith.cmpi slt, %and3A_1507, %lt3A_1513 : vector<16xi32>
        %mul3A_1515 = arith.constant 32 : i32
        %mul3A_1516 = vector.broadcast %mul3A_1515 : i32 to vector<16xi32>
        %mul3A_1517 = arith.muli %gather3A_1508, %mul3A_1516 : vector<16xi32>
        %add3A_1518 = arith.addi %mul3A_1517, %gather3A_1509 : vector<16xi32>
        %jit3A_1519 = arith.constant 693 : i32
        %broadcast_in_dim3A_1520 = vector.broadcast %jit3A_1519 : i32 to vector<16xi32>
        %select_n3A_1521 = arith.select %lt3A_1514, %add3A_1518, %broadcast_in_dim3A_1520 : vector<16xi1>, vector<16xi32>
        %swap3A_1522 = arith.constant 512 : index
        %swap3A_1523 = tpu.vector_load %arg7[%swap3A_1522] {strides = array<i32>} : memref<640xi32, #tpu.memory_space<vmem>>, vector<16xi32>,
        tpu.vector_store %arg7[%swap3A_1522], %select_n3A_1521 {strides = array<i32>} : memref<640xi32, #tpu.memory_space<vmem>>, vector<16xi32>,
        %get3A_1524 = arith.constant 528 : index
        %get3A_1525 = tpu.vector_load %arg6[%get3A_1524] {strides = array<i32>} : memref<640xi32, #tpu.memory_space<vmem>>, vector<16xi32>,
        %shift_right_arithmetic3A_1526 = arith.constant 5 : i32
        %shift_right_arithmetic3A_1527 = vector.broadcast %shift_right_arithmetic3A_1526 : i32 to vector<16xi32>
        %shift_right_arithmetic3A_1528 = arith.shrsi %get3A_1525, %shift_right_arithmetic3A_1527 : vector<16xi32>
        %and3A_1529 = arith.constant 31 : i32
        %and3A_1530 = vector.broadcast %and3A_1529 : i32 to vector<16xi32>
        %and3A_1531 = arith.andi %get3A_1525, %and3A_1530 : vector<16xi32>
        %gather3A_1532 = tpu.vector_load_idx %arg5[%shift_right_arithmetic3A_1528] : memref<20000xi32, #tpu.memory_space<vmem>>[vector<16xi32>], vector<16xi32>,
        %gather3A_1533 = tpu.vector_load_idx %arg4[%shift_right_arithmetic3A_1528] : memref<20000xi32, #tpu.memory_space<vmem>>[vector<16xi32>], vector<16xi32>,
        %lt3A_1534 = arith.cmpi slt, %and3A_1531, %gather3A_1532 : vector<16xi32>
        %or3A_1535 = arith.ori %or3A_1511, %lt3A_1534 : vector<16xi1>
        %lt3A_1536 = arith.constant 20 : i32
        %lt3A_1537 = vector.broadcast %lt3A_1536 : i32 to vector<16xi32>
        %lt3A_1538 = arith.cmpi slt, %and3A_1531, %lt3A_1537 : vector<16xi32>
        %mul3A_1539 = arith.constant 32 : i32
        %mul3A_1540 = vector.broadcast %mul3A_1539 : i32 to vector<16xi32>
        %mul3A_1541 = arith.muli %gather3A_1532, %mul3A_1540 : vector<16xi32>
        %add3A_1542 = arith.addi %mul3A_1541, %gather3A_1533 : vector<16xi32>
        %jit3A_1543 = arith.constant 693 : i32
        %broadcast_in_dim3A_1544 = vector.broadcast %jit3A_1543 : i32 to vector<16xi32>
        %select_n3A_1545 = arith.select %lt3A_1538, %add3A_1542, %broadcast_in_dim3A_1544 : vector<16xi1>, vector<16xi32>
        %swap3A_1546 = arith.constant 528 : index
        %swap3A_1547 = tpu.vector_load %arg7[%swap3A_1546] {strides = array<i32>} : memref<640xi32, #tpu.memory_space<vmem>>, vector<16xi32>,
        tpu.vector_store %arg7[%swap3A_1546], %select_n3A_1545 {strides = array<i32>} : memref<640xi32, #tpu.memory_space<vmem>>, vector<16xi32>,
        %get3A_1548 = arith.constant 544 : index
        %get3A_1549 = tpu.vector_load %arg6[%get3A_1548] {strides = array<i32>} : memref<640xi32, #tpu.memory_space<vmem>>, vector<16xi32>,
        %shift_right_arithmetic3A_1550 = arith.constant 5 : i32
        %shift_right_arithmetic3A_1551 = vector.broadcast %shift_right_arithmetic3A_1550 : i32 to vector<16xi32>
        %shift_right_arithmetic3A_1552 = arith.shrsi %get3A_1549, %shift_right_arithmetic3A_1551 : vector<16xi32>
        %and3A_1553 = arith.constant 31 : i32
        %and3A_1554 = vector.broadcast %and3A_1553 : i32 to vector<16xi32>
        %and3A_1555 = arith.andi %get3A_1549, %and3A_1554 : vector<16xi32>
        %gather3A_1556 = tpu.vector_load_idx %arg5[%shift_right_arithmetic3A_1552] : memref<20000xi32, #tpu.memory_space<vmem>>[vector<16xi32>], vector<16xi32>,
        %gather3A_1557 = tpu.vector_load_idx %arg4[%shift_right_arithmetic3A_1552] : memref<20000xi32, #tpu.memory_space<vmem>>[vector<16xi32>], vector<16xi32>,
        %lt3A_1558 = arith.cmpi slt, %and3A_1555, %gather3A_1556 : vector<16xi32>
        %or3A_1559 = arith.ori %or3A_1535, %lt3A_1558 : vector<16xi1>
        %lt3A_1560 = arith.constant 20 : i32
        %lt3A_1561 = vector.broadcast %lt3A_1560 : i32 to vector<16xi32>
        %lt3A_1562 = arith.cmpi slt, %and3A_1555, %lt3A_1561 : vector<16xi32>
        %mul3A_1563 = arith.constant 32 : i32
        %mul3A_1564 = vector.broadcast %mul3A_1563 : i32 to vector<16xi32>
        %mul3A_1565 = arith.muli %gather3A_1556, %mul3A_1564 : vector<16xi32>
        %add3A_1566 = arith.addi %mul3A_1565, %gather3A_1557 : vector<16xi32>
        %jit3A_1567 = arith.constant 693 : i32
        %broadcast_in_dim3A_1568 = vector.broadcast %jit3A_1567 : i32 to vector<16xi32>
        %select_n3A_1569 = arith.select %lt3A_1562, %add3A_1566, %broadcast_in_dim3A_1568 : vector<16xi1>, vector<16xi32>
        %swap3A_1570 = arith.constant 544 : index
        %swap3A_1571 = tpu.vector_load %arg7[%swap3A_1570] {strides = array<i32>} : memref<640xi32, #tpu.memory_space<vmem>>, vector<16xi32>,
        tpu.vector_store %arg7[%swap3A_1570], %select_n3A_1569 {strides = array<i32>} : memref<640xi32, #tpu.memory_space<vmem>>, vector<16xi32>,
        %get3A_1572 = arith.constant 560 : index
        %get3A_1573 = tpu.vector_load %arg6[%get3A_1572] {strides = array<i32>} : memref<640xi32, #tpu.memory_space<vmem>>, vector<16xi32>,
        %shift_right_arithmetic3A_1574 = arith.constant 5 : i32
        %shift_right_arithmetic3A_1575 = vector.broadcast %shift_right_arithmetic3A_1574 : i32 to vector<16xi32>
        %shift_right_arithmetic3A_1576 = arith.shrsi %get3A_1573, %shift_right_arithmetic3A_1575 : vector<16xi32>
        %and3A_1577 = arith.constant 31 : i32
        %and3A_1578 = vector.broadcast %and3A_1577 : i32 to vector<16xi32>
        %and3A_1579 = arith.andi %get3A_1573, %and3A_1578 : vector<16xi32>
        %gather3A_1580 = tpu.vector_load_idx %arg5[%shift_right_arithmetic3A_1576] : memref<20000xi32, #tpu.memory_space<vmem>>[vector<16xi32>], vector<16xi32>,
        %gather3A_1581 = tpu.vector_load_idx %arg4[%shift_right_arithmetic3A_1576] : memref<20000xi32, #tpu.memory_space<vmem>>[vector<16xi32>], vector<16xi32>,
        %lt3A_1582 = arith.cmpi slt, %and3A_1579, %gather3A_1580 : vector<16xi32>
        %or3A_1583 = arith.ori %or3A_1559, %lt3A_1582 : vector<16xi1>
        %lt3A_1584 = arith.constant 20 : i32
        %lt3A_1585 = vector.broadcast %lt3A_1584 : i32 to vector<16xi32>
        %lt3A_1586 = arith.cmpi slt, %and3A_1579, %lt3A_1585 : vector<16xi32>
        %mul3A_1587 = arith.constant 32 : i32
        %mul3A_1588 = vector.broadcast %mul3A_1587 : i32 to vector<16xi32>
        %mul3A_1589 = arith.muli %gather3A_1580, %mul3A_1588 : vector<16xi32>
        %add3A_1590 = arith.addi %mul3A_1589, %gather3A_1581 : vector<16xi32>
        %jit3A_1591 = arith.constant 693 : i32
        %broadcast_in_dim3A_1592 = vector.broadcast %jit3A_1591 : i32 to vector<16xi32>
        %select_n3A_1593 = arith.select %lt3A_1586, %add3A_1590, %broadcast_in_dim3A_1592 : vector<16xi1>, vector<16xi32>
        %swap3A_1594 = arith.constant 560 : index
        %swap3A_1595 = tpu.vector_load %arg7[%swap3A_1594] {strides = array<i32>} : memref<640xi32, #tpu.memory_space<vmem>>, vector<16xi32>,
        tpu.vector_store %arg7[%swap3A_1594], %select_n3A_1593 {strides = array<i32>} : memref<640xi32, #tpu.memory_space<vmem>>, vector<16xi32>,
        %get3A_1596 = arith.constant 576 : index
        %get3A_1597 = tpu.vector_load %arg6[%get3A_1596] {strides = array<i32>} : memref<640xi32, #tpu.memory_space<vmem>>, vector<16xi32>,
        %shift_right_arithmetic3A_1598 = arith.constant 5 : i32
        %shift_right_arithmetic3A_1599 = vector.broadcast %shift_right_arithmetic3A_1598 : i32 to vector<16xi32>
        %shift_right_arithmetic3A_1600 = arith.shrsi %get3A_1597, %shift_right_arithmetic3A_1599 : vector<16xi32>
        %and3A_1601 = arith.constant 31 : i32
        %and3A_1602 = vector.broadcast %and3A_1601 : i32 to vector<16xi32>
        %and3A_1603 = arith.andi %get3A_1597, %and3A_1602 : vector<16xi32>
        %gather3A_1604 = tpu.vector_load_idx %arg5[%shift_right_arithmetic3A_1600] : memref<20000xi32, #tpu.memory_space<vmem>>[vector<16xi32>], vector<16xi32>,
        %gather3A_1605 = tpu.vector_load_idx %arg4[%shift_right_arithmetic3A_1600] : memref<20000xi32, #tpu.memory_space<vmem>>[vector<16xi32>], vector<16xi32>,
        %lt3A_1606 = arith.cmpi slt, %and3A_1603, %gather3A_1604 : vector<16xi32>
        %or3A_1607 = arith.ori %or3A_1583, %lt3A_1606 : vector<16xi1>
        %lt3A_1608 = arith.constant 20 : i32
        %lt3A_1609 = vector.broadcast %lt3A_1608 : i32 to vector<16xi32>
        %lt3A_1610 = arith.cmpi slt, %and3A_1603, %lt3A_1609 : vector<16xi32>
        %mul3A_1611 = arith.constant 32 : i32
        %mul3A_1612 = vector.broadcast %mul3A_1611 : i32 to vector<16xi32>
        %mul3A_1613 = arith.muli %gather3A_1604, %mul3A_1612 : vector<16xi32>
        %add3A_1614 = arith.addi %mul3A_1613, %gather3A_1605 : vector<16xi32>
        %jit3A_1615 = arith.constant 693 : i32
        %broadcast_in_dim3A_1616 = vector.broadcast %jit3A_1615 : i32 to vector<16xi32>
        %select_n3A_1617 = arith.select %lt3A_1610, %add3A_1614, %broadcast_in_dim3A_1616 : vector<16xi1>, vector<16xi32>
        %swap3A_1618 = arith.constant 576 : index
        %swap3A_1619 = tpu.vector_load %arg7[%swap3A_1618] {strides = array<i32>} : memref<640xi32, #tpu.memory_space<vmem>>, vector<16xi32>,
        tpu.vector_store %arg7[%swap3A_1618], %select_n3A_1617 {strides = array<i32>} : memref<640xi32, #tpu.memory_space<vmem>>, vector<16xi32>,
        %get3A_1620 = arith.constant 592 : index
        %get3A_1621 = tpu.vector_load %arg6[%get3A_1620] {strides = array<i32>} : memref<640xi32, #tpu.memory_space<vmem>>, vector<16xi32>,
        %shift_right_arithmetic3A_1622 = arith.constant 5 : i32
        %shift_right_arithmetic3A_1623 = vector.broadcast %shift_right_arithmetic3A_1622 : i32 to vector<16xi32>
        %shift_right_arithmetic3A_1624 = arith.shrsi %get3A_1621, %shift_right_arithmetic3A_1623 : vector<16xi32>
        %and3A_1625 = arith.constant 31 : i32
        %and3A_1626 = vector.broadcast %and3A_1625 : i32 to vector<16xi32>
        %and3A_1627 = arith.andi %get3A_1621, %and3A_1626 : vector<16xi32>
        %gather3A_1628 = tpu.vector_load_idx %arg5[%shift_right_arithmetic3A_1624] : memref<20000xi32, #tpu.memory_space<vmem>>[vector<16xi32>], vector<16xi32>,
        %gather3A_1629 = tpu.vector_load_idx %arg4[%shift_right_arithmetic3A_1624] : memref<20000xi32, #tpu.memory_space<vmem>>[vector<16xi32>], vector<16xi32>,
        %lt3A_1630 = arith.cmpi slt, %and3A_1627, %gather3A_1628 : vector<16xi32>
        %or3A_1631 = arith.ori %or3A_1607, %lt3A_1630 : vector<16xi1>
        %lt3A_1632 = arith.constant 20 : i32
        %lt3A_1633 = vector.broadcast %lt3A_1632 : i32 to vector<16xi32>
        %lt3A_1634 = arith.cmpi slt, %and3A_1627, %lt3A_1633 : vector<16xi32>
        %mul3A_1635 = arith.constant 32 : i32
        %mul3A_1636 = vector.broadcast %mul3A_1635 : i32 to vector<16xi32>
        %mul3A_1637 = arith.muli %gather3A_1628, %mul3A_1636 : vector<16xi32>
        %add3A_1638 = arith.addi %mul3A_1637, %gather3A_1629 : vector<16xi32>
        %jit3A_1639 = arith.constant 693 : i32
        %broadcast_in_dim3A_1640 = vector.broadcast %jit3A_1639 : i32 to vector<16xi32>
        %select_n3A_1641 = arith.select %lt3A_1634, %add3A_1638, %broadcast_in_dim3A_1640 : vector<16xi1>, vector<16xi32>
        %swap3A_1642 = arith.constant 592 : index
        %swap3A_1643 = tpu.vector_load %arg7[%swap3A_1642] {strides = array<i32>} : memref<640xi32, #tpu.memory_space<vmem>>, vector<16xi32>,
        tpu.vector_store %arg7[%swap3A_1642], %select_n3A_1641 {strides = array<i32>} : memref<640xi32, #tpu.memory_space<vmem>>, vector<16xi32>,
        %get3A_1644 = arith.constant 608 : index
        %get3A_1645 = tpu.vector_load %arg6[%get3A_1644] {strides = array<i32>} : memref<640xi32, #tpu.memory_space<vmem>>, vector<16xi32>,
        %shift_right_arithmetic3A_1646 = arith.constant 5 : i32
        %shift_right_arithmetic3A_1647 = vector.broadcast %shift_right_arithmetic3A_1646 : i32 to vector<16xi32>
        %shift_right_arithmetic3A_1648 = arith.shrsi %get3A_1645, %shift_right_arithmetic3A_1647 : vector<16xi32>
        %and3A_1649 = arith.constant 31 : i32
        %and3A_1650 = vector.broadcast %and3A_1649 : i32 to vector<16xi32>
        %and3A_1651 = arith.andi %get3A_1645, %and3A_1650 : vector<16xi32>
        %gather3A_1652 = tpu.vector_load_idx %arg5[%shift_right_arithmetic3A_1648] : memref<20000xi32, #tpu.memory_space<vmem>>[vector<16xi32>], vector<16xi32>,
        %gather3A_1653 = tpu.vector_load_idx %arg4[%shift_right_arithmetic3A_1648] : memref<20000xi32, #tpu.memory_space<vmem>>[vector<16xi32>], vector<16xi32>,
        %lt3A_1654 = arith.cmpi slt, %and3A_1651, %gather3A_1652 : vector<16xi32>
        %or3A_1655 = arith.ori %or3A_1631, %lt3A_1654 : vector<16xi1>
        %lt3A_1656 = arith.constant 20 : i32
        %lt3A_1657 = vector.broadcast %lt3A_1656 : i32 to vector<16xi32>
        %lt3A_1658 = arith.cmpi slt, %and3A_1651, %lt3A_1657 : vector<16xi32>
        %mul3A_1659 = arith.constant 32 : i32
        %mul3A_1660 = vector.broadcast %mul3A_1659 : i32 to vector<16xi32>
        %mul3A_1661 = arith.muli %gather3A_1652, %mul3A_1660 : vector<16xi32>
        %add3A_1662 = arith.addi %mul3A_1661, %gather3A_1653 : vector<16xi32>
        %jit3A_1663 = arith.constant 693 : i32
        %broadcast_in_dim3A_1664 = vector.broadcast %jit3A_1663 : i32 to vector<16xi32>
        %select_n3A_1665 = arith.select %lt3A_1658, %add3A_1662, %broadcast_in_dim3A_1664 : vector<16xi1>, vector<16xi32>
        %swap3A_1666 = arith.constant 608 : index
        %swap3A_1667 = tpu.vector_load %arg7[%swap3A_1666] {strides = array<i32>} : memref<640xi32, #tpu.memory_space<vmem>>, vector<16xi32>,
        tpu.vector_store %arg7[%swap3A_1666], %select_n3A_1665 {strides = array<i32>} : memref<640xi32, #tpu.memory_space<vmem>>, vector<16xi32>,
        %get3A_1668 = arith.constant 624 : index
        %get3A_1669 = tpu.vector_load %arg6[%get3A_1668] {strides = array<i32>} : memref<640xi32, #tpu.memory_space<vmem>>, vector<16xi32>,
        %shift_right_arithmetic3A_1670 = arith.constant 5 : i32
        %shift_right_arithmetic3A_1671 = vector.broadcast %shift_right_arithmetic3A_1670 : i32 to vector<16xi32>
        %shift_right_arithmetic3A_1672 = arith.shrsi %get3A_1669, %shift_right_arithmetic3A_1671 : vector<16xi32>
        %and3A_1673 = arith.constant 31 : i32
        %and3A_1674 = vector.broadcast %and3A_1673 : i32 to vector<16xi32>
        %and3A_1675 = arith.andi %get3A_1669, %and3A_1674 : vector<16xi32>
        %gather3A_1676 = tpu.vector_load_idx %arg5[%shift_right_arithmetic3A_1672] : memref<20000xi32, #tpu.memory_space<vmem>>[vector<16xi32>], vector<16xi32>,
        %gather3A_1677 = tpu.vector_load_idx %arg4[%shift_right_arithmetic3A_1672] : memref<20000xi32, #tpu.memory_space<vmem>>[vector<16xi32>], vector<16xi32>,
        %lt3A_1678 = arith.cmpi slt, %and3A_1675, %gather3A_1676 : vector<16xi32>
        %or3A_1679 = arith.ori %or3A_1655, %lt3A_1678 : vector<16xi1>
        %lt3A_1680 = arith.constant 20 : i32
        %lt3A_1681 = vector.broadcast %lt3A_1680 : i32 to vector<16xi32>
        %lt3A_1682 = arith.cmpi slt, %and3A_1675, %lt3A_1681 : vector<16xi32>
        %mul3A_1683 = arith.constant 32 : i32
        %mul3A_1684 = vector.broadcast %mul3A_1683 : i32 to vector<16xi32>
        %mul3A_1685 = arith.muli %gather3A_1676, %mul3A_1684 : vector<16xi32>
        %add3A_1686 = arith.addi %mul3A_1685, %gather3A_1677 : vector<16xi32>
        %jit3A_1687 = arith.constant 693 : i32
        %broadcast_in_dim3A_1688 = vector.broadcast %jit3A_1687 : i32 to vector<16xi32>
        %select_n3A_1689 = arith.select %lt3A_1682, %add3A_1686, %broadcast_in_dim3A_1688 : vector<16xi1>, vector<16xi32>
        %swap3A_1690 = arith.constant 624 : index
        %swap3A_1691 = tpu.vector_load %arg7[%swap3A_1690] {strides = array<i32>} : memref<640xi32, #tpu.memory_space<vmem>>, vector<16xi32>,
        tpu.vector_store %arg7[%swap3A_1690], %select_n3A_1689 {strides = array<i32>} : memref<640xi32, #tpu.memory_space<vmem>>, vector<16xi32>,
        %reduce_or3A = arith.constant 1.000000e+00 : f32
        %reduce_or3A_1692 = arith.constant 0.000000e+00 : f32
        %reduce_or3A_1693 = vector.broadcast %reduce_or3A : f32 to vector<16xf32>
        %reduce_or3A_1694 = vector.broadcast %reduce_or3A_1692 : f32 to vector<16xf32>
        %reduce_or3A_1695 = arith.select %or3A_1679, %reduce_or3A_1693, %reduce_or3A_1694 : vector<16xi1>, vector<16xf32>
        %reduce_or3A_1696 = arith.constant true
        %reduce_or3A_1697 = vector.broadcast %reduce_or3A_1696 : i1 to vector<16xi1>
        %reduce_or3A_1698 = tpu.scan <max>, %reduce_or3A_1695 masked %reduce_or3A_1697 : vector<16xf32>, vector<16xi1> -> vector<16xf32>
        %reduce_or3A_1699 = vector.extract %reduce_or3A_1698[15] : f32 from vector<16xf32>
        %reduce_or3A_1700 = arith.constant 0.000000e+00 : f32
        %reduce_or3A_1701 = arith.cmpf ogt, %reduce_or3A_1699, %reduce_or3A_1700 : f32
        scf.yield %reduce_or3A_1701 : i1
      }
      %get3A = arith.constant 0 : index
      %get3A_18 = tpu.vector_load %arg6[%get3A] {strides = array<i32>} : memref<640xi32, #tpu.memory_space<vmem>>, vector<16xi32>,
      %shift_right_arithmetic3A = arith.constant 5 : i32
      %shift_right_arithmetic3A_19 = vector.broadcast %shift_right_arithmetic3A : i32 to vector<16xi32>
      %shift_right_arithmetic3A_20 = arith.shrsi %get3A_18, %shift_right_arithmetic3A_19 : vector<16xi32>
      %and3A = arith.constant 31 : i32
      %and3A_21 = vector.broadcast %and3A : i32 to vector<16xi32>
      %and3A_22 = arith.andi %get3A_18, %and3A_21 : vector<16xi32>
      tpu.vector_store_idx %arg4[%shift_right_arithmetic3A_20], %broadcast_in_dim3A_3 : memref<20000xi32, #tpu.memory_space<vmem>>[vector<16xi32>], vector<16xi32>,
      %get3A_23 = arith.constant 16 : index
      %get3A_24 = tpu.vector_load %arg6[%get3A_23] {strides = array<i32>} : memref<640xi32, #tpu.memory_space<vmem>>, vector<16xi32>,
      %shift_right_arithmetic3A_25 = arith.constant 5 : i32
      %shift_right_arithmetic3A_26 = vector.broadcast %shift_right_arithmetic3A_25 : i32 to vector<16xi32>
      %shift_right_arithmetic3A_27 = arith.shrsi %get3A_24, %shift_right_arithmetic3A_26 : vector<16xi32>
      %and3A_28 = arith.constant 31 : i32
      %and3A_29 = vector.broadcast %and3A_28 : i32 to vector<16xi32>
      %and3A_30 = arith.andi %get3A_24, %and3A_29 : vector<16xi32>
      tpu.vector_store_idx %arg4[%shift_right_arithmetic3A_27], %broadcast_in_dim3A_3 : memref<20000xi32, #tpu.memory_space<vmem>>[vector<16xi32>], vector<16xi32>,
      %get3A_31 = arith.constant 32 : index
      %get3A_32 = tpu.vector_load %arg6[%get3A_31] {strides = array<i32>} : memref<640xi32, #tpu.memory_space<vmem>>, vector<16xi32>,
      %shift_right_arithmetic3A_33 = arith.constant 5 : i32
      %shift_right_arithmetic3A_34 = vector.broadcast %shift_right_arithmetic3A_33 : i32 to vector<16xi32>
      %shift_right_arithmetic3A_35 = arith.shrsi %get3A_32, %shift_right_arithmetic3A_34 : vector<16xi32>
      %and3A_36 = arith.constant 31 : i32
      %and3A_37 = vector.broadcast %and3A_36 : i32 to vector<16xi32>
      %and3A_38 = arith.andi %get3A_32, %and3A_37 : vector<16xi32>
      tpu.vector_store_idx %arg4[%shift_right_arithmetic3A_35], %broadcast_in_dim3A_3 : memref<20000xi32, #tpu.memory_space<vmem>>[vector<16xi32>], vector<16xi32>,
      %get3A_39 = arith.constant 48 : index
      %get3A_40 = tpu.vector_load %arg6[%get3A_39] {strides = array<i32>} : memref<640xi32, #tpu.memory_space<vmem>>, vector<16xi32>,
      %shift_right_arithmetic3A_41 = arith.constant 5 : i32
      %shift_right_arithmetic3A_42 = vector.broadcast %shift_right_arithmetic3A_41 : i32 to vector<16xi32>
      %shift_right_arithmetic3A_43 = arith.shrsi %get3A_40, %shift_right_arithmetic3A_42 : vector<16xi32>
      %and3A_44 = arith.constant 31 : i32
      %and3A_45 = vector.broadcast %and3A_44 : i32 to vector<16xi32>
      %and3A_46 = arith.andi %get3A_40, %and3A_45 : vector<16xi32>
      tpu.vector_store_idx %arg4[%shift_right_arithmetic3A_43], %broadcast_in_dim3A_3 : memref<20000xi32, #tpu.memory_space<vmem>>[vector<16xi32>], vector<16xi32>,
      %get3A_47 = arith.constant 64 : index
      %get3A_48 = tpu.vector_load %arg6[%get3A_47] {strides = array<i32>} : memref<640xi32, #tpu.memory_space<vmem>>, vector<16xi32>,
      %shift_right_arithmetic3A_49 = arith.constant 5 : i32
      %shift_right_arithmetic3A_50 = vector.broadcast %shift_right_arithmetic3A_49 : i32 to vector<16xi32>
      %shift_right_arithmetic3A_51 = arith.shrsi %get3A_48, %shift_right_arithmetic3A_50 : vector<16xi32>
      %and3A_52 = arith.constant 31 : i32
      %and3A_53 = vector.broadcast %and3A_52 : i32 to vector<16xi32>
      %and3A_54 = arith.andi %get3A_48, %and3A_53 : vector<16xi32>
      tpu.vector_store_idx %arg4[%shift_right_arithmetic3A_51], %broadcast_in_dim3A_3 : memref<20000xi32, #tpu.memory_space<vmem>>[vector<16xi32>], vector<16xi32>,
      %get3A_55 = arith.constant 80 : index
      %get3A_56 = tpu.vector_load %arg6[%get3A_55] {strides = array<i32>} : memref<640xi32, #tpu.memory_space<vmem>>, vector<16xi32>,
      %shift_right_arithmetic3A_57 = arith.constant 5 : i32
      %shift_right_arithmetic3A_58 = vector.broadcast %shift_right_arithmetic3A_57 : i32 to vector<16xi32>
      %shift_right_arithmetic3A_59 = arith.shrsi %get3A_56, %shift_right_arithmetic3A_58 : vector<16xi32>
      %and3A_60 = arith.constant 31 : i32
      %and3A_61 = vector.broadcast %and3A_60 : i32 to vector<16xi32>
      %and3A_62 = arith.andi %get3A_56, %and3A_61 : vector<16xi32>
      tpu.vector_store_idx %arg4[%shift_right_arithmetic3A_59], %broadcast_in_dim3A_3 : memref<20000xi32, #tpu.memory_space<vmem>>[vector<16xi32>], vector<16xi32>,
      %get3A_63 = arith.constant 96 : index
      %get3A_64 = tpu.vector_load %arg6[%get3A_63] {strides = array<i32>} : memref<640xi32, #tpu.memory_space<vmem>>, vector<16xi32>,
      %shift_right_arithmetic3A_65 = arith.constant 5 : i32
      %shift_right_arithmetic3A_66 = vector.broadcast %shift_right_arithmetic3A_65 : i32 to vector<16xi32>
      %shift_right_arithmetic3A_67 = arith.shrsi %get3A_64, %shift_right_arithmetic3A_66 : vector<16xi32>
      %and3A_68 = arith.constant 31 : i32
      %and3A_69 = vector.broadcast %and3A_68 : i32 to vector<16xi32>
      %and3A_70 = arith.andi %get3A_64, %and3A_69 : vector<16xi32>
      tpu.vector_store_idx %arg4[%shift_right_arithmetic3A_67], %broadcast_in_dim3A_3 : memref<20000xi32, #tpu.memory_space<vmem>>[vector<16xi32>], vector<16xi32>,
      %get3A_71 = arith.constant 112 : index
      %get3A_72 = tpu.vector_load %arg6[%get3A_71] {strides = array<i32>} : memref<640xi32, #tpu.memory_space<vmem>>, vector<16xi32>,
      %shift_right_arithmetic3A_73 = arith.constant 5 : i32
      %shift_right_arithmetic3A_74 = vector.broadcast %shift_right_arithmetic3A_73 : i32 to vector<16xi32>
      %shift_right_arithmetic3A_75 = arith.shrsi %get3A_72, %shift_right_arithmetic3A_74 : vector<16xi32>
      %and3A_76 = arith.constant 31 : i32
      %and3A_77 = vector.broadcast %and3A_76 : i32 to vector<16xi32>
      %and3A_78 = arith.andi %get3A_72, %and3A_77 : vector<16xi32>
      tpu.vector_store_idx %arg4[%shift_right_arithmetic3A_75], %broadcast_in_dim3A_3 : memref<20000xi32, #tpu.memory_space<vmem>>[vector<16xi32>], vector<16xi32>,
      %get3A_79 = arith.constant 128 : index
      %get3A_80 = tpu.vector_load %arg6[%get3A_79] {strides = array<i32>} : memref<640xi32, #tpu.memory_space<vmem>>, vector<16xi32>,
      %shift_right_arithmetic3A_81 = arith.constant 5 : i32
      %shift_right_arithmetic3A_82 = vector.broadcast %shift_right_arithmetic3A_81 : i32 to vector<16xi32>
      %shift_right_arithmetic3A_83 = arith.shrsi %get3A_80, %shift_right_arithmetic3A_82 : vector<16xi32>
      %and3A_84 = arith.constant 31 : i32
      %and3A_85 = vector.broadcast %and3A_84 : i32 to vector<16xi32>
      %and3A_86 = arith.andi %get3A_80, %and3A_85 : vector<16xi32>
      tpu.vector_store_idx %arg4[%shift_right_arithmetic3A_83], %broadcast_in_dim3A_3 : memref<20000xi32, #tpu.memory_space<vmem>>[vector<16xi32>], vector<16xi32>,
      %get3A_87 = arith.constant 144 : index
      %get3A_88 = tpu.vector_load %arg6[%get3A_87] {strides = array<i32>} : memref<640xi32, #tpu.memory_space<vmem>>, vector<16xi32>,
      %shift_right_arithmetic3A_89 = arith.constant 5 : i32
      %shift_right_arithmetic3A_90 = vector.broadcast %shift_right_arithmetic3A_89 : i32 to vector<16xi32>
      %shift_right_arithmetic3A_91 = arith.shrsi %get3A_88, %shift_right_arithmetic3A_90 : vector<16xi32>
      %and3A_92 = arith.constant 31 : i32
      %and3A_93 = vector.broadcast %and3A_92 : i32 to vector<16xi32>
      %and3A_94 = arith.andi %get3A_88, %and3A_93 : vector<16xi32>
      tpu.vector_store_idx %arg4[%shift_right_arithmetic3A_91], %broadcast_in_dim3A_3 : memref<20000xi32, #tpu.memory_space<vmem>>[vector<16xi32>], vector<16xi32>,
      %get3A_95 = arith.constant 160 : index
      %get3A_96 = tpu.vector_load %arg6[%get3A_95] {strides = array<i32>} : memref<640xi32, #tpu.memory_space<vmem>>, vector<16xi32>,
      %shift_right_arithmetic3A_97 = arith.constant 5 : i32
      %shift_right_arithmetic3A_98 = vector.broadcast %shift_right_arithmetic3A_97 : i32 to vector<16xi32>
      %shift_right_arithmetic3A_99 = arith.shrsi %get3A_96, %shift_right_arithmetic3A_98 : vector<16xi32>
      %and3A_100 = arith.constant 31 : i32
      %and3A_101 = vector.broadcast %and3A_100 : i32 to vector<16xi32>
      %and3A_102 = arith.andi %get3A_96, %and3A_101 : vector<16xi32>
      tpu.vector_store_idx %arg4[%shift_right_arithmetic3A_99], %broadcast_in_dim3A_3 : memref<20000xi32, #tpu.memory_space<vmem>>[vector<16xi32>], vector<16xi32>,
      %get3A_103 = arith.constant 176 : index
      %get3A_104 = tpu.vector_load %arg6[%get3A_103] {strides = array<i32>} : memref<640xi32, #tpu.memory_space<vmem>>, vector<16xi32>,
      %shift_right_arithmetic3A_105 = arith.constant 5 : i32
      %shift_right_arithmetic3A_106 = vector.broadcast %shift_right_arithmetic3A_105 : i32 to vector<16xi32>
      %shift_right_arithmetic3A_107 = arith.shrsi %get3A_104, %shift_right_arithmetic3A_106 : vector<16xi32>
      %and3A_108 = arith.constant 31 : i32
      %and3A_109 = vector.broadcast %and3A_108 : i32 to vector<16xi32>
      %and3A_110 = arith.andi %get3A_104, %and3A_109 : vector<16xi32>
      tpu.vector_store_idx %arg4[%shift_right_arithmetic3A_107], %broadcast_in_dim3A_3 : memref<20000xi32, #tpu.memory_space<vmem>>[vector<16xi32>], vector<16xi32>,
      %get3A_111 = arith.constant 192 : index
      %get3A_112 = tpu.vector_load %arg6[%get3A_111] {strides = array<i32>} : memref<640xi32, #tpu.memory_space<vmem>>, vector<16xi32>,
      %shift_right_arithmetic3A_113 = arith.constant 5 : i32
      %shift_right_arithmetic3A_114 = vector.broadcast %shift_right_arithmetic3A_113 : i32 to vector<16xi32>
      %shift_right_arithmetic3A_115 = arith.shrsi %get3A_112, %shift_right_arithmetic3A_114 : vector<16xi32>
      %and3A_116 = arith.constant 31 : i32
      %and3A_117 = vector.broadcast %and3A_116 : i32 to vector<16xi32>
      %and3A_118 = arith.andi %get3A_112, %and3A_117 : vector<16xi32>
      tpu.vector_store_idx %arg4[%shift_right_arithmetic3A_115], %broadcast_in_dim3A_3 : memref<20000xi32, #tpu.memory_space<vmem>>[vector<16xi32>], vector<16xi32>,
      %get3A_119 = arith.constant 208 : index
      %get3A_120 = tpu.vector_load %arg6[%get3A_119] {strides = array<i32>} : memref<640xi32, #tpu.memory_space<vmem>>, vector<16xi32>,
      %shift_right_arithmetic3A_121 = arith.constant 5 : i32
      %shift_right_arithmetic3A_122 = vector.broadcast %shift_right_arithmetic3A_121 : i32 to vector<16xi32>
      %shift_right_arithmetic3A_123 = arith.shrsi %get3A_120, %shift_right_arithmetic3A_122 : vector<16xi32>
      %and3A_124 = arith.constant 31 : i32
      %and3A_125 = vector.broadcast %and3A_124 : i32 to vector<16xi32>
      %and3A_126 = arith.andi %get3A_120, %and3A_125 : vector<16xi32>
      tpu.vector_store_idx %arg4[%shift_right_arithmetic3A_123], %broadcast_in_dim3A_3 : memref<20000xi32, #tpu.memory_space<vmem>>[vector<16xi32>], vector<16xi32>,
      %get3A_127 = arith.constant 224 : index
      %get3A_128 = tpu.vector_load %arg6[%get3A_127] {strides = array<i32>} : memref<640xi32, #tpu.memory_space<vmem>>, vector<16xi32>,
      %shift_right_arithmetic3A_129 = arith.constant 5 : i32
      %shift_right_arithmetic3A_130 = vector.broadcast %shift_right_arithmetic3A_129 : i32 to vector<16xi32>
      %shift_right_arithmetic3A_131 = arith.shrsi %get3A_128, %shift_right_arithmetic3A_130 : vector<16xi32>
      %and3A_132 = arith.constant 31 : i32
      %and3A_133 = vector.broadcast %and3A_132 : i32 to vector<16xi32>
      %and3A_134 = arith.andi %get3A_128, %and3A_133 : vector<16xi32>
      tpu.vector_store_idx %arg4[%shift_right_arithmetic3A_131], %broadcast_in_dim3A_3 : memref<20000xi32, #tpu.memory_space<vmem>>[vector<16xi32>], vector<16xi32>,
      %get3A_135 = arith.constant 240 : index
      %get3A_136 = tpu.vector_load %arg6[%get3A_135] {strides = array<i32>} : memref<640xi32, #tpu.memory_space<vmem>>, vector<16xi32>,
      %shift_right_arithmetic3A_137 = arith.constant 5 : i32
      %shift_right_arithmetic3A_138 = vector.broadcast %shift_right_arithmetic3A_137 : i32 to vector<16xi32>
      %shift_right_arithmetic3A_139 = arith.shrsi %get3A_136, %shift_right_arithmetic3A_138 : vector<16xi32>
      %and3A_140 = arith.constant 31 : i32
      %and3A_141 = vector.broadcast %and3A_140 : i32 to vector<16xi32>
      %and3A_142 = arith.andi %get3A_136, %and3A_141 : vector<16xi32>
      tpu.vector_store_idx %arg4[%shift_right_arithmetic3A_139], %broadcast_in_dim3A_3 : memref<20000xi32, #tpu.memory_space<vmem>>[vector<16xi32>], vector<16xi32>,
      %get3A_143 = arith.constant 256 : index
      %get3A_144 = tpu.vector_load %arg6[%get3A_143] {strides = array<i32>} : memref<640xi32, #tpu.memory_space<vmem>>, vector<16xi32>,
      %shift_right_arithmetic3A_145 = arith.constant 5 : i32
      %shift_right_arithmetic3A_146 = vector.broadcast %shift_right_arithmetic3A_145 : i32 to vector<16xi32>
      %shift_right_arithmetic3A_147 = arith.shrsi %get3A_144, %shift_right_arithmetic3A_146 : vector<16xi32>
      %and3A_148 = arith.constant 31 : i32
      %and3A_149 = vector.broadcast %and3A_148 : i32 to vector<16xi32>
      %and3A_150 = arith.andi %get3A_144, %and3A_149 : vector<16xi32>
      tpu.vector_store_idx %arg4[%shift_right_arithmetic3A_147], %broadcast_in_dim3A_3 : memref<20000xi32, #tpu.memory_space<vmem>>[vector<16xi32>], vector<16xi32>,
      %get3A_151 = arith.constant 272 : index
      %get3A_152 = tpu.vector_load %arg6[%get3A_151] {strides = array<i32>} : memref<640xi32, #tpu.memory_space<vmem>>, vector<16xi32>,
      %shift_right_arithmetic3A_153 = arith.constant 5 : i32
      %shift_right_arithmetic3A_154 = vector.broadcast %shift_right_arithmetic3A_153 : i32 to vector<16xi32>
      %shift_right_arithmetic3A_155 = arith.shrsi %get3A_152, %shift_right_arithmetic3A_154 : vector<16xi32>
      %and3A_156 = arith.constant 31 : i32
      %and3A_157 = vector.broadcast %and3A_156 : i32 to vector<16xi32>
      %and3A_158 = arith.andi %get3A_152, %and3A_157 : vector<16xi32>
      tpu.vector_store_idx %arg4[%shift_right_arithmetic3A_155], %broadcast_in_dim3A_3 : memref<20000xi32, #tpu.memory_space<vmem>>[vector<16xi32>], vector<16xi32>,
      %get3A_159 = arith.constant 288 : index
      %get3A_160 = tpu.vector_load %arg6[%get3A_159] {strides = array<i32>} : memref<640xi32, #tpu.memory_space<vmem>>, vector<16xi32>,
      %shift_right_arithmetic3A_161 = arith.constant 5 : i32
      %shift_right_arithmetic3A_162 = vector.broadcast %shift_right_arithmetic3A_161 : i32 to vector<16xi32>
      %shift_right_arithmetic3A_163 = arith.shrsi %get3A_160, %shift_right_arithmetic3A_162 : vector<16xi32>
      %and3A_164 = arith.constant 31 : i32
      %and3A_165 = vector.broadcast %and3A_164 : i32 to vector<16xi32>
      %and3A_166 = arith.andi %get3A_160, %and3A_165 : vector<16xi32>
      tpu.vector_store_idx %arg4[%shift_right_arithmetic3A_163], %broadcast_in_dim3A_3 : memref<20000xi32, #tpu.memory_space<vmem>>[vector<16xi32>], vector<16xi32>,
      %get3A_167 = arith.constant 304 : index
      %get3A_168 = tpu.vector_load %arg6[%get3A_167] {strides = array<i32>} : memref<640xi32, #tpu.memory_space<vmem>>, vector<16xi32>,
      %shift_right_arithmetic3A_169 = arith.constant 5 : i32
      %shift_right_arithmetic3A_170 = vector.broadcast %shift_right_arithmetic3A_169 : i32 to vector<16xi32>
      %shift_right_arithmetic3A_171 = arith.shrsi %get3A_168, %shift_right_arithmetic3A_170 : vector<16xi32>
      %and3A_172 = arith.constant 31 : i32
      %and3A_173 = vector.broadcast %and3A_172 : i32 to vector<16xi32>
      %and3A_174 = arith.andi %get3A_168, %and3A_173 : vector<16xi32>
      tpu.vector_store_idx %arg4[%shift_right_arithmetic3A_171], %broadcast_in_dim3A_3 : memref<20000xi32, #tpu.memory_space<vmem>>[vector<16xi32>], vector<16xi32>,
      %get3A_175 = arith.constant 320 : index
      %get3A_176 = tpu.vector_load %arg6[%get3A_175] {strides = array<i32>} : memref<640xi32, #tpu.memory_space<vmem>>, vector<16xi32>,
      %shift_right_arithmetic3A_177 = arith.constant 5 : i32
      %shift_right_arithmetic3A_178 = vector.broadcast %shift_right_arithmetic3A_177 : i32 to vector<16xi32>
      %shift_right_arithmetic3A_179 = arith.shrsi %get3A_176, %shift_right_arithmetic3A_178 : vector<16xi32>
      %and3A_180 = arith.constant 31 : i32
      %and3A_181 = vector.broadcast %and3A_180 : i32 to vector<16xi32>
      %and3A_182 = arith.andi %get3A_176, %and3A_181 : vector<16xi32>
      tpu.vector_store_idx %arg5[%shift_right_arithmetic3A_179], %broadcast_in_dim3A_3 : memref<20000xi32, #tpu.memory_space<vmem>>[vector<16xi32>], vector<16xi32>,
      %get3A_183 = arith.constant 336 : index
      %get3A_184 = tpu.vector_load %arg6[%get3A_183] {strides = array<i32>} : memref<640xi32, #tpu.memory_space<vmem>>, vector<16xi32>,
      %shift_right_arithmetic3A_185 = arith.constant 5 : i32
      %shift_right_arithmetic3A_186 = vector.broadcast %shift_right_arithmetic3A_185 : i32 to vector<16xi32>
      %shift_right_arithmetic3A_187 = arith.shrsi %get3A_184, %shift_right_arithmetic3A_186 : vector<16xi32>
      %and3A_188 = arith.constant 31 : i32
      %and3A_189 = vector.broadcast %and3A_188 : i32 to vector<16xi32>
      %and3A_190 = arith.andi %get3A_184, %and3A_189 : vector<16xi32>
      tpu.vector_store_idx %arg5[%shift_right_arithmetic3A_187], %broadcast_in_dim3A_3 : memref<20000xi32, #tpu.memory_space<vmem>>[vector<16xi32>], vector<16xi32>,
      %get3A_191 = arith.constant 352 : index
      %get3A_192 = tpu.vector_load %arg6[%get3A_191] {strides = array<i32>} : memref<640xi32, #tpu.memory_space<vmem>>, vector<16xi32>,
      %shift_right_arithmetic3A_193 = arith.constant 5 : i32
      %shift_right_arithmetic3A_194 = vector.broadcast %shift_right_arithmetic3A_193 : i32 to vector<16xi32>
      %shift_right_arithmetic3A_195 = arith.shrsi %get3A_192, %shift_right_arithmetic3A_194 : vector<16xi32>
      %and3A_196 = arith.constant 31 : i32
      %and3A_197 = vector.broadcast %and3A_196 : i32 to vector<16xi32>
      %and3A_198 = arith.andi %get3A_192, %and3A_197 : vector<16xi32>
      tpu.vector_store_idx %arg5[%shift_right_arithmetic3A_195], %broadcast_in_dim3A_3 : memref<20000xi32, #tpu.memory_space<vmem>>[vector<16xi32>], vector<16xi32>,
      %get3A_199 = arith.constant 368 : index
      %get3A_200 = tpu.vector_load %arg6[%get3A_199] {strides = array<i32>} : memref<640xi32, #tpu.memory_space<vmem>>, vector<16xi32>,
      %shift_right_arithmetic3A_201 = arith.constant 5 : i32
      %shift_right_arithmetic3A_202 = vector.broadcast %shift_right_arithmetic3A_201 : i32 to vector<16xi32>
      %shift_right_arithmetic3A_203 = arith.shrsi %get3A_200, %shift_right_arithmetic3A_202 : vector<16xi32>
      %and3A_204 = arith.constant 31 : i32
      %and3A_205 = vector.broadcast %and3A_204 : i32 to vector<16xi32>
      %and3A_206 = arith.andi %get3A_200, %and3A_205 : vector<16xi32>
      tpu.vector_store_idx %arg5[%shift_right_arithmetic3A_203], %broadcast_in_dim3A_3 : memref<20000xi32, #tpu.memory_space<vmem>>[vector<16xi32>], vector<16xi32>,
      %get3A_207 = arith.constant 384 : index
      %get3A_208 = tpu.vector_load %arg6[%get3A_207] {strides = array<i32>} : memref<640xi32, #tpu.memory_space<vmem>>, vector<16xi32>,
      %shift_right_arithmetic3A_209 = arith.constant 5 : i32
      %shift_right_arithmetic3A_210 = vector.broadcast %shift_right_arithmetic3A_209 : i32 to vector<16xi32>
      %shift_right_arithmetic3A_211 = arith.shrsi %get3A_208, %shift_right_arithmetic3A_210 : vector<16xi32>
      %and3A_212 = arith.constant 31 : i32
      %and3A_213 = vector.broadcast %and3A_212 : i32 to vector<16xi32>
      %and3A_214 = arith.andi %get3A_208, %and3A_213 : vector<16xi32>
      tpu.vector_store_idx %arg5[%shift_right_arithmetic3A_211], %broadcast_in_dim3A_3 : memref<20000xi32, #tpu.memory_space<vmem>>[vector<16xi32>], vector<16xi32>,
      %get3A_215 = arith.constant 400 : index
      %get3A_216 = tpu.vector_load %arg6[%get3A_215] {strides = array<i32>} : memref<640xi32, #tpu.memory_space<vmem>>, vector<16xi32>,
      %shift_right_arithmetic3A_217 = arith.constant 5 : i32
      %shift_right_arithmetic3A_218 = vector.broadcast %shift_right_arithmetic3A_217 : i32 to vector<16xi32>
      %shift_right_arithmetic3A_219 = arith.shrsi %get3A_216, %shift_right_arithmetic3A_218 : vector<16xi32>
      %and3A_220 = arith.constant 31 : i32
      %and3A_221 = vector.broadcast %and3A_220 : i32 to vector<16xi32>
      %and3A_222 = arith.andi %get3A_216, %and3A_221 : vector<16xi32>
      tpu.vector_store_idx %arg5[%shift_right_arithmetic3A_219], %broadcast_in_dim3A_3 : memref<20000xi32, #tpu.memory_space<vmem>>[vector<16xi32>], vector<16xi32>,
      %get3A_223 = arith.constant 416 : index
      %get3A_224 = tpu.vector_load %arg6[%get3A_223] {strides = array<i32>} : memref<640xi32, #tpu.memory_space<vmem>>, vector<16xi32>,
      %shift_right_arithmetic3A_225 = arith.constant 5 : i32
      %shift_right_arithmetic3A_226 = vector.broadcast %shift_right_arithmetic3A_225 : i32 to vector<16xi32>
      %shift_right_arithmetic3A_227 = arith.shrsi %get3A_224, %shift_right_arithmetic3A_226 : vector<16xi32>
      %and3A_228 = arith.constant 31 : i32
      %and3A_229 = vector.broadcast %and3A_228 : i32 to vector<16xi32>
      %and3A_230 = arith.andi %get3A_224, %and3A_229 : vector<16xi32>
      tpu.vector_store_idx %arg5[%shift_right_arithmetic3A_227], %broadcast_in_dim3A_3 : memref<20000xi32, #tpu.memory_space<vmem>>[vector<16xi32>], vector<16xi32>,
      %get3A_231 = arith.constant 432 : index
      %get3A_232 = tpu.vector_load %arg6[%get3A_231] {strides = array<i32>} : memref<640xi32, #tpu.memory_space<vmem>>, vector<16xi32>,
      %shift_right_arithmetic3A_233 = arith.constant 5 : i32
      %shift_right_arithmetic3A_234 = vector.broadcast %shift_right_arithmetic3A_233 : i32 to vector<16xi32>
      %shift_right_arithmetic3A_235 = arith.shrsi %get3A_232, %shift_right_arithmetic3A_234 : vector<16xi32>
      %and3A_236 = arith.constant 31 : i32
      %and3A_237 = vector.broadcast %and3A_236 : i32 to vector<16xi32>
      %and3A_238 = arith.andi %get3A_232, %and3A_237 : vector<16xi32>
      tpu.vector_store_idx %arg5[%shift_right_arithmetic3A_235], %broadcast_in_dim3A_3 : memref<20000xi32, #tpu.memory_space<vmem>>[vector<16xi32>], vector<16xi32>,
      %get3A_239 = arith.constant 448 : index
      %get3A_240 = tpu.vector_load %arg6[%get3A_239] {strides = array<i32>} : memref<640xi32, #tpu.memory_space<vmem>>, vector<16xi32>,
      %shift_right_arithmetic3A_241 = arith.constant 5 : i32
      %shift_right_arithmetic3A_242 = vector.broadcast %shift_right_arithmetic3A_241 : i32 to vector<16xi32>
      %shift_right_arithmetic3A_243 = arith.shrsi %get3A_240, %shift_right_arithmetic3A_242 : vector<16xi32>
      %and3A_244 = arith.constant 31 : i32
      %and3A_245 = vector.broadcast %and3A_244 : i32 to vector<16xi32>
      %and3A_246 = arith.andi %get3A_240, %and3A_245 : vector<16xi32>
      tpu.vector_store_idx %arg5[%shift_right_arithmetic3A_243], %broadcast_in_dim3A_3 : memref<20000xi32, #tpu.memory_space<vmem>>[vector<16xi32>], vector<16xi32>,
      %get3A_247 = arith.constant 464 : index
      %get3A_248 = tpu.vector_load %arg6[%get3A_247] {strides = array<i32>} : memref<640xi32, #tpu.memory_space<vmem>>, vector<16xi32>,
      %shift_right_arithmetic3A_249 = arith.constant 5 : i32
      %shift_right_arithmetic3A_250 = vector.broadcast %shift_right_arithmetic3A_249 : i32 to vector<16xi32>
      %shift_right_arithmetic3A_251 = arith.shrsi %get3A_248, %shift_right_arithmetic3A_250 : vector<16xi32>
      %and3A_252 = arith.constant 31 : i32
      %and3A_253 = vector.broadcast %and3A_252 : i32 to vector<16xi32>
      %and3A_254 = arith.andi %get3A_248, %and3A_253 : vector<16xi32>
      tpu.vector_store_idx %arg5[%shift_right_arithmetic3A_251], %broadcast_in_dim3A_3 : memref<20000xi32, #tpu.memory_space<vmem>>[vector<16xi32>], vector<16xi32>,
      %get3A_255 = arith.constant 480 : index
      %get3A_256 = tpu.vector_load %arg6[%get3A_255] {strides = array<i32>} : memref<640xi32, #tpu.memory_space<vmem>>, vector<16xi32>,
      %shift_right_arithmetic3A_257 = arith.constant 5 : i32
      %shift_right_arithmetic3A_258 = vector.broadcast %shift_right_arithmetic3A_257 : i32 to vector<16xi32>
      %shift_right_arithmetic3A_259 = arith.shrsi %get3A_256, %shift_right_arithmetic3A_258 : vector<16xi32>
      %and3A_260 = arith.constant 31 : i32
      %and3A_261 = vector.broadcast %and3A_260 : i32 to vector<16xi32>
      %and3A_262 = arith.andi %get3A_256, %and3A_261 : vector<16xi32>
      tpu.vector_store_idx %arg5[%shift_right_arithmetic3A_259], %broadcast_in_dim3A_3 : memref<20000xi32, #tpu.memory_space<vmem>>[vector<16xi32>], vector<16xi32>,
      %get3A_263 = arith.constant 496 : index
      %get3A_264 = tpu.vector_load %arg6[%get3A_263] {strides = array<i32>} : memref<640xi32, #tpu.memory_space<vmem>>, vector<16xi32>,
      %shift_right_arithmetic3A_265 = arith.constant 5 : i32
      %shift_right_arithmetic3A_266 = vector.broadcast %shift_right_arithmetic3A_265 : i32 to vector<16xi32>
      %shift_right_arithmetic3A_267 = arith.shrsi %get3A_264, %shift_right_arithmetic3A_266 : vector<16xi32>
      %and3A_268 = arith.constant 31 : i32
      %and3A_269 = vector.broadcast %and3A_268 : i32 to vector<16xi32>
      %and3A_270 = arith.andi %get3A_264, %and3A_269 : vector<16xi32>
      tpu.vector_store_idx %arg5[%shift_right_arithmetic3A_267], %broadcast_in_dim3A_3 : memref<20000xi32, #tpu.memory_space<vmem>>[vector<16xi32>], vector<16xi32>,
      %get3A_271 = arith.constant 512 : index
      %get3A_272 = tpu.vector_load %arg6[%get3A_271] {strides = array<i32>} : memref<640xi32, #tpu.memory_space<vmem>>, vector<16xi32>,
      %shift_right_arithmetic3A_273 = arith.constant 5 : i32
      %shift_right_arithmetic3A_274 = vector.broadcast %shift_right_arithmetic3A_273 : i32 to vector<16xi32>
      %shift_right_arithmetic3A_275 = arith.shrsi %get3A_272, %shift_right_arithmetic3A_274 : vector<16xi32>
      %and3A_276 = arith.constant 31 : i32
      %and3A_277 = vector.broadcast %and3A_276 : i32 to vector<16xi32>
      %and3A_278 = arith.andi %get3A_272, %and3A_277 : vector<16xi32>
      tpu.vector_store_idx %arg5[%shift_right_arithmetic3A_275], %broadcast_in_dim3A_3 : memref<20000xi32, #tpu.memory_space<vmem>>[vector<16xi32>], vector<16xi32>,
      %get3A_279 = arith.constant 528 : index
      %get3A_280 = tpu.vector_load %arg6[%get3A_279] {strides = array<i32>} : memref<640xi32, #tpu.memory_space<vmem>>, vector<16xi32>,
      %shift_right_arithmetic3A_281 = arith.constant 5 : i32
      %shift_right_arithmetic3A_282 = vector.broadcast %shift_right_arithmetic3A_281 : i32 to vector<16xi32>
      %shift_right_arithmetic3A_283 = arith.shrsi %get3A_280, %shift_right_arithmetic3A_282 : vector<16xi32>
      %and3A_284 = arith.constant 31 : i32
      %and3A_285 = vector.broadcast %and3A_284 : i32 to vector<16xi32>
      %and3A_286 = arith.andi %get3A_280, %and3A_285 : vector<16xi32>
      tpu.vector_store_idx %arg5[%shift_right_arithmetic3A_283], %broadcast_in_dim3A_3 : memref<20000xi32, #tpu.memory_space<vmem>>[vector<16xi32>], vector<16xi32>,
      %get3A_287 = arith.constant 544 : index
      %get3A_288 = tpu.vector_load %arg6[%get3A_287] {strides = array<i32>} : memref<640xi32, #tpu.memory_space<vmem>>, vector<16xi32>,
      %shift_right_arithmetic3A_289 = arith.constant 5 : i32
      %shift_right_arithmetic3A_290 = vector.broadcast %shift_right_arithmetic3A_289 : i32 to vector<16xi32>
      %shift_right_arithmetic3A_291 = arith.shrsi %get3A_288, %shift_right_arithmetic3A_290 : vector<16xi32>
      %and3A_292 = arith.constant 31 : i32
      %and3A_293 = vector.broadcast %and3A_292 : i32 to vector<16xi32>
      %and3A_294 = arith.andi %get3A_288, %and3A_293 : vector<16xi32>
      tpu.vector_store_idx %arg5[%shift_right_arithmetic3A_291], %broadcast_in_dim3A_3 : memref<20000xi32, #tpu.memory_space<vmem>>[vector<16xi32>], vector<16xi32>,
      %get3A_295 = arith.constant 560 : index
      %get3A_296 = tpu.vector_load %arg6[%get3A_295] {strides = array<i32>} : memref<640xi32, #tpu.memory_space<vmem>>, vector<16xi32>,
      %shift_right_arithmetic3A_297 = arith.constant 5 : i32
      %shift_right_arithmetic3A_298 = vector.broadcast %shift_right_arithmetic3A_297 : i32 to vector<16xi32>
      %shift_right_arithmetic3A_299 = arith.shrsi %get3A_296, %shift_right_arithmetic3A_298 : vector<16xi32>
      %and3A_300 = arith.constant 31 : i32
      %and3A_301 = vector.broadcast %and3A_300 : i32 to vector<16xi32>
      %and3A_302 = arith.andi %get3A_296, %and3A_301 : vector<16xi32>
      tpu.vector_store_idx %arg5[%shift_right_arithmetic3A_299], %broadcast_in_dim3A_3 : memref<20000xi32, #tpu.memory_space<vmem>>[vector<16xi32>], vector<16xi32>,
      %get3A_303 = arith.constant 576 : index
      %get3A_304 = tpu.vector_load %arg6[%get3A_303] {strides = array<i32>} : memref<640xi32, #tpu.memory_space<vmem>>, vector<16xi32>,
      %shift_right_arithmetic3A_305 = arith.constant 5 : i32
      %shift_right_arithmetic3A_306 = vector.broadcast %shift_right_arithmetic3A_305 : i32 to vector<16xi32>
      %shift_right_arithmetic3A_307 = arith.shrsi %get3A_304, %shift_right_arithmetic3A_306 : vector<16xi32>
      %and3A_308 = arith.constant 31 : i32
      %and3A_309 = vector.broadcast %and3A_308 : i32 to vector<16xi32>
      %and3A_310 = arith.andi %get3A_304, %and3A_309 : vector<16xi32>
      tpu.vector_store_idx %arg5[%shift_right_arithmetic3A_307], %broadcast_in_dim3A_3 : memref<20000xi32, #tpu.memory_space<vmem>>[vector<16xi32>], vector<16xi32>,
      %get3A_311 = arith.constant 592 : index
      %get3A_312 = tpu.vector_load %arg6[%get3A_311] {strides = array<i32>} : memref<640xi32, #tpu.memory_space<vmem>>, vector<16xi32>,
      %shift_right_arithmetic3A_313 = arith.constant 5 : i32
      %shift_right_arithmetic3A_314 = vector.broadcast %shift_right_arithmetic3A_313 : i32 to vector<16xi32>
      %shift_right_arithmetic3A_315 = arith.shrsi %get3A_312, %shift_right_arithmetic3A_314 : vector<16xi32>
      %and3A_316 = arith.constant 31 : i32
      %and3A_317 = vector.broadcast %and3A_316 : i32 to vector<16xi32>
      %and3A_318 = arith.andi %get3A_312, %and3A_317 : vector<16xi32>
      tpu.vector_store_idx %arg5[%shift_right_arithmetic3A_315], %broadcast_in_dim3A_3 : memref<20000xi32, #tpu.memory_space<vmem>>[vector<16xi32>], vector<16xi32>,
      %get3A_319 = arith.constant 608 : index
      %get3A_320 = tpu.vector_load %arg6[%get3A_319] {strides = array<i32>} : memref<640xi32, #tpu.memory_space<vmem>>, vector<16xi32>,
      %shift_right_arithmetic3A_321 = arith.constant 5 : i32
      %shift_right_arithmetic3A_322 = vector.broadcast %shift_right_arithmetic3A_321 : i32 to vector<16xi32>
      %shift_right_arithmetic3A_323 = arith.shrsi %get3A_320, %shift_right_arithmetic3A_322 : vector<16xi32>
      %and3A_324 = arith.constant 31 : i32
      %and3A_325 = vector.broadcast %and3A_324 : i32 to vector<16xi32>
      %and3A_326 = arith.andi %get3A_320, %and3A_325 : vector<16xi32>
      tpu.vector_store_idx %arg5[%shift_right_arithmetic3A_323], %broadcast_in_dim3A_3 : memref<20000xi32, #tpu.memory_space<vmem>>[vector<16xi32>], vector<16xi32>,
      %get3A_327 = arith.constant 624 : index
      %get3A_328 = tpu.vector_load %arg6[%get3A_327] {strides = array<i32>} : memref<640xi32, #tpu.memory_space<vmem>>, vector<16xi32>,
      %shift_right_arithmetic3A_329 = arith.constant 5 : i32
      %shift_right_arithmetic3A_330 = vector.broadcast %shift_right_arithmetic3A_329 : i32 to vector<16xi32>
      %shift_right_arithmetic3A_331 = arith.shrsi %get3A_328, %shift_right_arithmetic3A_330 : vector<16xi32>
      %and3A_332 = arith.constant 31 : i32
      %and3A_333 = vector.broadcast %and3A_332 : i32 to vector<16xi32>
      %and3A_334 = arith.andi %get3A_328, %and3A_333 : vector<16xi32>
      tpu.vector_store_idx %arg5[%shift_right_arithmetic3A_331], %broadcast_in_dim3A_3 : memref<20000xi32, #tpu.memory_space<vmem>>[vector<16xi32>], vector<16xi32>,
      "tpu.region"() ({
        %run_scoped3A = tpu.sem_alloc : memref<!tpu.dma_semaphore, #tpu.memory_space<semaphore_mem>>
        %dma_start3A = arith.constant 0 : i32
        %dma_start3A_335 = tpu.memref_slice %arg3[%add3A_16, %dma_start3A] : memref<1024x640xi32, #tpu.memory_space<hbm>> -> memref<1x640xi32, #tpu.memory_space<hbm>>
        %dma_start3A_336 = tpu.memref_squeeze %dma_start3A_335 : memref<1x640xi32, #tpu.memory_space<hbm>> -> memref<640xi32, #tpu.memory_space<hbm>>
        %dma_start3A_337 = arith.constant 0 : i32
        %dma_start3A_338 = tpu.memref_slice %arg3[%add3A_16, %dma_start3A_337] : memref<1024x640xi32, #tpu.memory_space<hbm>> -> memref<1x640xi32, #tpu.memory_space<hbm>>
        %dma_start3A_339 = tpu.memref_squeeze %dma_start3A_338 : memref<1x640xi32, #tpu.memory_space<hbm>> -> memref<640xi32, #tpu.memory_space<hbm>>
        tpu.enqueue_dma source(%arg7 : memref<640xi32, #tpu.memory_space<vmem>>) target(%dma_start3A_339 : memref<640xi32, #tpu.memory_space<hbm>>) target_semaphore(%run_scoped3A : memref<!tpu.dma_semaphore, #tpu.memory_space<semaphore_mem>>)
        %dma_wait3A = arith.constant 0 : i32
        %dma_wait3A_340 = tpu.memref_slice %arg3[%add3A_16, %dma_wait3A] : memref<1024x640xi32, #tpu.memory_space<hbm>> -> memref<1x640xi32, #tpu.memory_space<hbm>>
        %dma_wait3A_341 = tpu.memref_squeeze %dma_wait3A_340 : memref<1x640xi32, #tpu.memory_space<hbm>> -> memref<640xi32, #tpu.memory_space<hbm>>
        %dma_wait3A_342 = arith.constant 0 : i32
        %dma_wait3A_343 = tpu.memref_slice %arg3[%add3A_16, %dma_wait3A_342] : memref<1024x640xi32, #tpu.memory_space<hbm>> -> memref<1x640xi32, #tpu.memory_space<hbm>>
        %dma_wait3A_344 = tpu.memref_squeeze %dma_wait3A_343 : memref<1x640xi32, #tpu.memory_space<hbm>> -> memref<640xi32, #tpu.memory_space<hbm>>
        tpu.wait_dma2 semaphore(%run_scoped3A : memref<!tpu.dma_semaphore, #tpu.memory_space<semaphore_mem>>) src(%arg7 : memref<640xi32, #tpu.memory_space<vmem>>) dst(%dma_wait3A_344 : memref<640xi32, #tpu.memory_space<hbm>>)
        tpu.yield
      }) : () -> ()
    }
    %scan3A_14 = arith.constant 32 : i32
    return
  }
}

module attributes {stable_mosaic.version = 14 : i64} {
  func.func @_tc_body(%arg0: i32, %arg1: memref<1x1x5120xi32, #tpu.memory_space<vmem>>, %arg2: memref<64x16xf32, #tpu.memory_space<vmem>>, %arg3: memref<8x320x16xf32, #tpu.memory_space<vmem>>, %arg4: memref<8x320x16xf32, #tpu.memory_space<vmem>>) attributes {dimension_semantics = [#tpu.dimension_semantics<arbitrary>], iteration_bounds = array<i64: 128>, scalar_prefetch = 0 : i64, scratch_operands = 0 : i64, tpu.core_type = #tpu.core_type<tc>, window_params = [{transform_indices = @transform_0, window_bounds = array<i64: 1, 1, 5120>}, {pipeline_mode = #tpu.pipeline_mode<synchronous>, transform_indices = @transform_1, window_bounds = array<i64: 64, 16>}, {transform_indices = @transform_2, window_bounds = array<i64: 8, 320, 16>}, {transform_indices = @transform_3, window_bounds = array<i64: 8, 320, 16>}]} {
    %get3A = arith.constant 0 : index
    %get3A_0 = arith.constant 0 : index
    %get3A_1 = vector.load %arg2[%get3A, %get3A_0] : memref<64x16xf32, #tpu.memory_space<vmem>>, vector<64x16xf32>
    %get3A_2 = arith.constant 0 : index
    %get3A_3 = arith.constant 0 : index
    %get3A_4 = arith.constant 0 : index
    %get3A_5 = vector.load %arg1[%get3A_2, %get3A_3, %get3A_4] : memref<1x1x5120xi32, #tpu.memory_space<vmem>>, vector<1x1x5120xi32>
    %squeeze3A = vector.shape_cast %get3A_5 : vector<1x1x5120xi32> to vector<1x5120xi32>
    %shift_right_arithmetic3A = arith.constant 5 : i32
    %shift_right_arithmetic3A_6 = vector.broadcast %shift_right_arithmetic3A : i32 to vector<1x5120xi32>
    %shift_right_arithmetic3A_7 = arith.shrsi %squeeze3A, %shift_right_arithmetic3A_6 : vector<1x5120xi32>
    %and3A = arith.constant 31 : i32
    %and3A_8 = vector.broadcast %and3A : i32 to vector<1x5120xi32>
    %and3A_9 = arith.andi %squeeze3A, %and3A_8 : vector<1x5120xi32>
    %add3A = arith.constant 32 : i32
    %add3A_10 = vector.broadcast %add3A : i32 to vector<1x5120xi32>
    %add3A_11 = arith.addi %and3A_9, %add3A_10 : vector<1x5120xi32>
    %iota3A = tpu.iota {dimensions = array<i32: 0>} : vector<64x5120xi32>
    %eq3A = vector.broadcast %shift_right_arithmetic3A_7 : vector<1x5120xi32> to vector<64x5120xi32>
    %eq3A_12 = arith.cmpi eq, %iota3A, %eq3A : vector<64x5120xi32>
    %eq3A_13 = vector.broadcast %add3A_11 : vector<1x5120xi32> to vector<64x5120xi32>
    %eq3A_14 = arith.cmpi eq, %iota3A, %eq3A_13 : vector<64x5120xi32>
    %or3A = arith.ori %eq3A_12, %eq3A_14 : vector<64x5120xi1>
    %convert_element_type3A = arith.extui %or3A : vector<64x5120xi1> to vector<64x5120xi32>
    %convert_element_type3A_15 = arith.sitofp %convert_element_type3A : vector<64x5120xi32> to vector<64x5120xf32>
    %dot_general3A = arith.constant dense<0.000000e+00> : vector<5120x16xf32>
    %dot_general3A_16 = tpu.matmul %convert_element_type3A_15, %get3A_1, %dot_general3A {dimension_numbers = #tpu.dot_dimension_numbers<[0], [0], [1], [1], [0, 1, 1, 1], [], []>, transpose_lhs_hint = false} : vector<64x5120xf32>, vector<64x16xf32>, vector<5120x16xf32> -> vector<5120x16xf32>
    %slice3A = vector.extract_strided_slice %dot_general3A_16 {offsets = [0, 0], sizes = [320, 16], strides = [1, 1]} : vector<5120x16xf32> to vector<320x16xf32>
    %swap3A = arith.constant 0 : index
    %swap3A_17 = arith.constant 0 : index
    %swap3A_18 = arith.constant 0 : index
    %swap3A_19 = vector.load %arg3[%swap3A, %swap3A_17, %swap3A_18] : memref<8x320x16xf32, #tpu.memory_space<vmem>>, vector<1x320x16xf32>
    %swap3A_20 = vector.shape_cast %swap3A_19 : vector<1x320x16xf32> to vector<320x16xf32>
    %swap3A_21 = vector.shape_cast %slice3A : vector<320x16xf32> to vector<1x320x16xf32>
    tpu.vector_store %arg3[%swap3A, %swap3A_17, %swap3A_18], %swap3A_21 {strides = array<i32>} : memref<8x320x16xf32, #tpu.memory_space<vmem>>, vector<1x320x16xf32>,
    %slice3A_22 = vector.extract_strided_slice %dot_general3A_16 {offsets = [320, 0], sizes = [320, 16], strides = [1, 1]} : vector<5120x16xf32> to vector<320x16xf32>
    %swap3A_23 = arith.constant 0 : index
    %swap3A_24 = arith.constant 0 : index
    %swap3A_25 = arith.constant 0 : index
    %swap3A_26 = vector.load %arg4[%swap3A_23, %swap3A_24, %swap3A_25] : memref<8x320x16xf32, #tpu.memory_space<vmem>>, vector<1x320x16xf32>
    %swap3A_27 = vector.shape_cast %swap3A_26 : vector<1x320x16xf32> to vector<320x16xf32>
    %swap3A_28 = vector.shape_cast %slice3A_22 : vector<320x16xf32> to vector<1x320x16xf32>
    tpu.vector_store %arg4[%swap3A_23, %swap3A_24, %swap3A_25], %swap3A_28 {strides = array<i32>} : memref<8x320x16xf32, #tpu.memory_space<vmem>>, vector<1x320x16xf32>,
    %slice3A_29 = vector.extract_strided_slice %dot_general3A_16 {offsets = [640, 0], sizes = [320, 16], strides = [1, 1]} : vector<5120x16xf32> to vector<320x16xf32>
    %swap3A_30 = arith.constant 1 : index
    %swap3A_31 = arith.constant 0 : index
    %swap3A_32 = arith.constant 0 : index
    %swap3A_33 = vector.load %arg3[%swap3A_30, %swap3A_31, %swap3A_32] : memref<8x320x16xf32, #tpu.memory_space<vmem>>, vector<1x320x16xf32>
    %swap3A_34 = vector.shape_cast %swap3A_33 : vector<1x320x16xf32> to vector<320x16xf32>
    %swap3A_35 = vector.shape_cast %slice3A_29 : vector<320x16xf32> to vector<1x320x16xf32>
    tpu.vector_store %arg3[%swap3A_30, %swap3A_31, %swap3A_32], %swap3A_35 {strides = array<i32>} : memref<8x320x16xf32, #tpu.memory_space<vmem>>, vector<1x320x16xf32>,
    %slice3A_36 = vector.extract_strided_slice %dot_general3A_16 {offsets = [960, 0], sizes = [320, 16], strides = [1, 1]} : vector<5120x16xf32> to vector<320x16xf32>
    %swap3A_37 = arith.constant 1 : index
    %swap3A_38 = arith.constant 0 : index
    %swap3A_39 = arith.constant 0 : index
    %swap3A_40 = vector.load %arg4[%swap3A_37, %swap3A_38, %swap3A_39] : memref<8x320x16xf32, #tpu.memory_space<vmem>>, vector<1x320x16xf32>
    %swap3A_41 = vector.shape_cast %swap3A_40 : vector<1x320x16xf32> to vector<320x16xf32>
    %swap3A_42 = vector.shape_cast %slice3A_36 : vector<320x16xf32> to vector<1x320x16xf32>
    tpu.vector_store %arg4[%swap3A_37, %swap3A_38, %swap3A_39], %swap3A_42 {strides = array<i32>} : memref<8x320x16xf32, #tpu.memory_space<vmem>>, vector<1x320x16xf32>,
    %slice3A_43 = vector.extract_strided_slice %dot_general3A_16 {offsets = [1280, 0], sizes = [320, 16], strides = [1, 1]} : vector<5120x16xf32> to vector<320x16xf32>
    %swap3A_44 = arith.constant 2 : index
    %swap3A_45 = arith.constant 0 : index
    %swap3A_46 = arith.constant 0 : index
    %swap3A_47 = vector.load %arg3[%swap3A_44, %swap3A_45, %swap3A_46] : memref<8x320x16xf32, #tpu.memory_space<vmem>>, vector<1x320x16xf32>
    %swap3A_48 = vector.shape_cast %swap3A_47 : vector<1x320x16xf32> to vector<320x16xf32>
    %swap3A_49 = vector.shape_cast %slice3A_43 : vector<320x16xf32> to vector<1x320x16xf32>
    tpu.vector_store %arg3[%swap3A_44, %swap3A_45, %swap3A_46], %swap3A_49 {strides = array<i32>} : memref<8x320x16xf32, #tpu.memory_space<vmem>>, vector<1x320x16xf32>,
    %slice3A_50 = vector.extract_strided_slice %dot_general3A_16 {offsets = [1600, 0], sizes = [320, 16], strides = [1, 1]} : vector<5120x16xf32> to vector<320x16xf32>
    %swap3A_51 = arith.constant 2 : index
    %swap3A_52 = arith.constant 0 : index
    %swap3A_53 = arith.constant 0 : index
    %swap3A_54 = vector.load %arg4[%swap3A_51, %swap3A_52, %swap3A_53] : memref<8x320x16xf32, #tpu.memory_space<vmem>>, vector<1x320x16xf32>
    %swap3A_55 = vector.shape_cast %swap3A_54 : vector<1x320x16xf32> to vector<320x16xf32>
    %swap3A_56 = vector.shape_cast %slice3A_50 : vector<320x16xf32> to vector<1x320x16xf32>
    tpu.vector_store %arg4[%swap3A_51, %swap3A_52, %swap3A_53], %swap3A_56 {strides = array<i32>} : memref<8x320x16xf32, #tpu.memory_space<vmem>>, vector<1x320x16xf32>,
    %slice3A_57 = vector.extract_strided_slice %dot_general3A_16 {offsets = [1920, 0], sizes = [320, 16], strides = [1, 1]} : vector<5120x16xf32> to vector<320x16xf32>
    %swap3A_58 = arith.constant 3 : index
    %swap3A_59 = arith.constant 0 : index
    %swap3A_60 = arith.constant 0 : index
    %swap3A_61 = vector.load %arg3[%swap3A_58, %swap3A_59, %swap3A_60] : memref<8x320x16xf32, #tpu.memory_space<vmem>>, vector<1x320x16xf32>
    %swap3A_62 = vector.shape_cast %swap3A_61 : vector<1x320x16xf32> to vector<320x16xf32>
    %swap3A_63 = vector.shape_cast %slice3A_57 : vector<320x16xf32> to vector<1x320x16xf32>
    tpu.vector_store %arg3[%swap3A_58, %swap3A_59, %swap3A_60], %swap3A_63 {strides = array<i32>} : memref<8x320x16xf32, #tpu.memory_space<vmem>>, vector<1x320x16xf32>,
    %slice3A_64 = vector.extract_strided_slice %dot_general3A_16 {offsets = [2240, 0], sizes = [320, 16], strides = [1, 1]} : vector<5120x16xf32> to vector<320x16xf32>
    %swap3A_65 = arith.constant 3 : index
    %swap3A_66 = arith.constant 0 : index
    %swap3A_67 = arith.constant 0 : index
    %swap3A_68 = vector.load %arg4[%swap3A_65, %swap3A_66, %swap3A_67] : memref<8x320x16xf32, #tpu.memory_space<vmem>>, vector<1x320x16xf32>
    %swap3A_69 = vector.shape_cast %swap3A_68 : vector<1x320x16xf32> to vector<320x16xf32>
    %swap3A_70 = vector.shape_cast %slice3A_64 : vector<320x16xf32> to vector<1x320x16xf32>
    tpu.vector_store %arg4[%swap3A_65, %swap3A_66, %swap3A_67], %swap3A_70 {strides = array<i32>} : memref<8x320x16xf32, #tpu.memory_space<vmem>>, vector<1x320x16xf32>,
    %slice3A_71 = vector.extract_strided_slice %dot_general3A_16 {offsets = [2560, 0], sizes = [320, 16], strides = [1, 1]} : vector<5120x16xf32> to vector<320x16xf32>
    %swap3A_72 = arith.constant 4 : index
    %swap3A_73 = arith.constant 0 : index
    %swap3A_74 = arith.constant 0 : index
    %swap3A_75 = vector.load %arg3[%swap3A_72, %swap3A_73, %swap3A_74] : memref<8x320x16xf32, #tpu.memory_space<vmem>>, vector<1x320x16xf32>
    %swap3A_76 = vector.shape_cast %swap3A_75 : vector<1x320x16xf32> to vector<320x16xf32>
    %swap3A_77 = vector.shape_cast %slice3A_71 : vector<320x16xf32> to vector<1x320x16xf32>
    tpu.vector_store %arg3[%swap3A_72, %swap3A_73, %swap3A_74], %swap3A_77 {strides = array<i32>} : memref<8x320x16xf32, #tpu.memory_space<vmem>>, vector<1x320x16xf32>,
    %slice3A_78 = vector.extract_strided_slice %dot_general3A_16 {offsets = [2880, 0], sizes = [320, 16], strides = [1, 1]} : vector<5120x16xf32> to vector<320x16xf32>
    %swap3A_79 = arith.constant 4 : index
    %swap3A_80 = arith.constant 0 : index
    %swap3A_81 = arith.constant 0 : index
    %swap3A_82 = vector.load %arg4[%swap3A_79, %swap3A_80, %swap3A_81] : memref<8x320x16xf32, #tpu.memory_space<vmem>>, vector<1x320x16xf32>
    %swap3A_83 = vector.shape_cast %swap3A_82 : vector<1x320x16xf32> to vector<320x16xf32>
    %swap3A_84 = vector.shape_cast %slice3A_78 : vector<320x16xf32> to vector<1x320x16xf32>
    tpu.vector_store %arg4[%swap3A_79, %swap3A_80, %swap3A_81], %swap3A_84 {strides = array<i32>} : memref<8x320x16xf32, #tpu.memory_space<vmem>>, vector<1x320x16xf32>,
    %slice3A_85 = vector.extract_strided_slice %dot_general3A_16 {offsets = [3200, 0], sizes = [320, 16], strides = [1, 1]} : vector<5120x16xf32> to vector<320x16xf32>
    %swap3A_86 = arith.constant 5 : index
    %swap3A_87 = arith.constant 0 : index
    %swap3A_88 = arith.constant 0 : index
    %swap3A_89 = vector.load %arg3[%swap3A_86, %swap3A_87, %swap3A_88] : memref<8x320x16xf32, #tpu.memory_space<vmem>>, vector<1x320x16xf32>
    %swap3A_90 = vector.shape_cast %swap3A_89 : vector<1x320x16xf32> to vector<320x16xf32>
    %swap3A_91 = vector.shape_cast %slice3A_85 : vector<320x16xf32> to vector<1x320x16xf32>
    tpu.vector_store %arg3[%swap3A_86, %swap3A_87, %swap3A_88], %swap3A_91 {strides = array<i32>} : memref<8x320x16xf32, #tpu.memory_space<vmem>>, vector<1x320x16xf32>,
    %slice3A_92 = vector.extract_strided_slice %dot_general3A_16 {offsets = [3520, 0], sizes = [320, 16], strides = [1, 1]} : vector<5120x16xf32> to vector<320x16xf32>
    %swap3A_93 = arith.constant 5 : index
    %swap3A_94 = arith.constant 0 : index
    %swap3A_95 = arith.constant 0 : index
    %swap3A_96 = vector.load %arg4[%swap3A_93, %swap3A_94, %swap3A_95] : memref<8x320x16xf32, #tpu.memory_space<vmem>>, vector<1x320x16xf32>
    %swap3A_97 = vector.shape_cast %swap3A_96 : vector<1x320x16xf32> to vector<320x16xf32>
    %swap3A_98 = vector.shape_cast %slice3A_92 : vector<320x16xf32> to vector<1x320x16xf32>
    tpu.vector_store %arg4[%swap3A_93, %swap3A_94, %swap3A_95], %swap3A_98 {strides = array<i32>} : memref<8x320x16xf32, #tpu.memory_space<vmem>>, vector<1x320x16xf32>,
    %slice3A_99 = vector.extract_strided_slice %dot_general3A_16 {offsets = [3840, 0], sizes = [320, 16], strides = [1, 1]} : vector<5120x16xf32> to vector<320x16xf32>
    %swap3A_100 = arith.constant 6 : index
    %swap3A_101 = arith.constant 0 : index
    %swap3A_102 = arith.constant 0 : index
    %swap3A_103 = vector.load %arg3[%swap3A_100, %swap3A_101, %swap3A_102] : memref<8x320x16xf32, #tpu.memory_space<vmem>>, vector<1x320x16xf32>
    %swap3A_104 = vector.shape_cast %swap3A_103 : vector<1x320x16xf32> to vector<320x16xf32>
    %swap3A_105 = vector.shape_cast %slice3A_99 : vector<320x16xf32> to vector<1x320x16xf32>
    tpu.vector_store %arg3[%swap3A_100, %swap3A_101, %swap3A_102], %swap3A_105 {strides = array<i32>} : memref<8x320x16xf32, #tpu.memory_space<vmem>>, vector<1x320x16xf32>,
    %slice3A_106 = vector.extract_strided_slice %dot_general3A_16 {offsets = [4160, 0], sizes = [320, 16], strides = [1, 1]} : vector<5120x16xf32> to vector<320x16xf32>
    %swap3A_107 = arith.constant 6 : index
    %swap3A_108 = arith.constant 0 : index
    %swap3A_109 = arith.constant 0 : index
    %swap3A_110 = vector.load %arg4[%swap3A_107, %swap3A_108, %swap3A_109] : memref<8x320x16xf32, #tpu.memory_space<vmem>>, vector<1x320x16xf32>
    %swap3A_111 = vector.shape_cast %swap3A_110 : vector<1x320x16xf32> to vector<320x16xf32>
    %swap3A_112 = vector.shape_cast %slice3A_106 : vector<320x16xf32> to vector<1x320x16xf32>
    tpu.vector_store %arg4[%swap3A_107, %swap3A_108, %swap3A_109], %swap3A_112 {strides = array<i32>} : memref<8x320x16xf32, #tpu.memory_space<vmem>>, vector<1x320x16xf32>,
    %slice3A_113 = vector.extract_strided_slice %dot_general3A_16 {offsets = [4480, 0], sizes = [320, 16], strides = [1, 1]} : vector<5120x16xf32> to vector<320x16xf32>
    %swap3A_114 = arith.constant 7 : index
    %swap3A_115 = arith.constant 0 : index
    %swap3A_116 = arith.constant 0 : index
    %swap3A_117 = vector.load %arg3[%swap3A_114, %swap3A_115, %swap3A_116] : memref<8x320x16xf32, #tpu.memory_space<vmem>>, vector<1x320x16xf32>
    %swap3A_118 = vector.shape_cast %swap3A_117 : vector<1x320x16xf32> to vector<320x16xf32>
    %swap3A_119 = vector.shape_cast %slice3A_113 : vector<320x16xf32> to vector<1x320x16xf32>
    tpu.vector_store %arg3[%swap3A_114, %swap3A_115, %swap3A_116], %swap3A_119 {strides = array<i32>} : memref<8x320x16xf32, #tpu.memory_space<vmem>>, vector<1x320x16xf32>,
    %slice3A_120 = vector.extract_strided_slice %dot_general3A_16 {offsets = [4800, 0], sizes = [320, 16], strides = [1, 1]} : vector<5120x16xf32> to vector<320x16xf32>
    %swap3A_121 = arith.constant 7 : index
    %swap3A_122 = arith.constant 0 : index
    %swap3A_123 = arith.constant 0 : index
    %swap3A_124 = vector.load %arg4[%swap3A_121, %swap3A_122, %swap3A_123] : memref<8x320x16xf32, #tpu.memory_space<vmem>>, vector<1x320x16xf32>
    %swap3A_125 = vector.shape_cast %swap3A_124 : vector<1x320x16xf32> to vector<320x16xf32>
    %swap3A_126 = vector.shape_cast %slice3A_120 : vector<320x16xf32> to vector<1x320x16xf32>
    tpu.vector_store %arg4[%swap3A_121, %swap3A_122, %swap3A_123], %swap3A_126 {strides = array<i32>} : memref<8x320x16xf32, #tpu.memory_space<vmem>>, vector<1x320x16xf32>,
    return
  }
  func.func @transform_0(%arg0: i32) -> (i32, i32, i32) {
    %c0_i32 = arith.constant 0 : i32
    %c0_i32_0 = arith.constant 0 : i32
    %c0_i32_1 = arith.constant 0 : i32
    return %arg0, %c0_i32, %c0_i32_0 : i32, i32, i32
  }
  func.func @transform_1(%arg0: i32) -> (i32, i32) {
    %c0_i32 = arith.constant 0 : i32
    %c0_i32_0 = arith.constant 0 : i32
    %c0_i32_1 = arith.constant 0 : i32
    return %c0_i32, %c0_i32_0 : i32, i32
  }
  func.func @transform_2(%arg0: i32) -> (i32, i32, i32) {
    %c0_i32 = arith.constant 0 : i32
    %c0_i32_0 = arith.constant 0 : i32
    %c0_i32_1 = arith.constant 0 : i32
    return %arg0, %c0_i32, %c0_i32_0 : i32, i32, i32
  }
  func.func @transform_3(%arg0: i32) -> (i32, i32, i32) {
    %c0_i32 = arith.constant 0 : i32
    %c0_i32_0 = arith.constant 0 : i32
    %c0_i32_1 = arith.constant 0 : i32
    return %arg0, %c0_i32, %c0_i32_0 : i32, i32, i32
  }
}

</mosaic_0001>

<sc_bundles>
// kernel: kernel.4.cloned.1.call-start
scs
__scs_entry_jumppad:
0x0: {  	(pc) =	sbr.rel $0x88, $3  }
0x1: {  	(tag) =	ssettag $0x0;
	lr =	simm.s32 $0x1  }
0x2: {  	[smem:$0x3F9B] =	sst lr;
	_ =	strace $0xD0000000  }
0x3: {  	_ = 	snop  }
0x4: {  	_ = 	snop  }
0x5: {  	_ = 	snop  }
0x6: {  	_ = 	snop  }
0x7: {  	_ = 	snop  }
__scs_overlays_trampoline_lowered:
0x8: {  	[smem:$0x3FAA] =	sst s0  }
0x9: {  	[smem:$0x3FAB] =	sst s1  }
0xa: {  	[smem:$0x3FAC] =	sst s2  }
0xb: {  	[smem:$0x3FAD] =	sst s3  }
0xc: {  	[smem:$0x3FAE] =	sst s4  }
0xd: {  	[smem:$0x3FAF] =	sst s5  }
0xe: {  	[smem:$0x3FB0] =	sst s6  }
0xf: {  	[smem:$0x3FB1] =	sst s7  }
0x10: {  	[smem:$0x3FB2] =	sst s8  }
0x11: {  	[smem:$0x3FB3] =	sst s9;
	s0 =	simm.s32 @!p0 $0x0  }
0x12: {  	s1 =	sld [smem:$0x3F99];
	s0 =	simm.s32 @p0 $0x1  }
0x13: {  	[smem:$0x3FB4] =	sst s0;
	s0 =	simm.s32 @!p1 $0x0  }
0x14: {  	s2 =	sld [smem:$0x3F98];
	s0 =	simm.s32 @p1 $0x1  }
0x15: {  	[smem:$0x3FB5] =	sst s0;
	s0 =	simm.s32 @!p2 $0x0  }
0x16: {  	s3 =	sld [smem:$0x3FDB];
	s0 =	simm.s32 @p2 $0x1  }
0x17: {  	s4 =	simm.s32 $0x1BF5;
	[smem:$0x3FB7] =	sst s0  }
0x18: {  	s0 =	sld [smem:$0x3F9A];
	_ =	swait.ge [sflag:s4], $0x0  }
0x19: {  	s7 =	sld [smem:$0x3F9B]  }
0x1a: {  	s8 =	sadd.s32 $0xFFFFE003, lr  }
0x1b: {  	s9 =	sadd.s32 $0xFFFFFEF7, lr;
	s5 =	simm.s32 $0xFFFFFFFF;
	p2 =	slt.u32 s8, $0xFFFFF086  }
0x1c: {  	p1 =	slt.u32 s9, $0xF7A;
	s5 =	simm.s32 @!p2 $0x0  }
0x1d: {  	s5 =	simm.s32 @p1 $0x1;
	p0 =	seq.s32 s7, s2  }
0x1e: {  	s7 =	smul.u32 @!p0 $0xF7A, s2;
	p2 =	seq.s32 @!p0 s5, $0x0  }
0x1f: {  	s9 =	smul.u32 $0xF7A, s1;
	s8 =	simm.s32 @!p0 $0x1BF5;
	p2 =	por !p2, p0  }
0x20: {  	[sflag:s8] =	ssyncset.s32 @!p0 $0xFFFFF086;
	s6 =	sadd.s32 @!p0 s3, s7;
	s7 =	simm.s32 @!p0 $0x108  }
0x21: {  	s3 =	sadd.s32 s3, s9;
	s6 =	sadd.s32 @!p0 $0x88, s6;
	s7 =	simm.s32 @p2 $0x1082  }
0x22: {  	[simem:s7], [sflag:s8] =	dma.local @!p0 [hbm:s6], $0xF7A  }
0x23: {  	s9 =	sor.u32 $0xD0000000, s2;
	s6 =	simm.s32 $0x108;
	_ =	swait.ge @!p0 [sflag:s8], $0x0  }
0x24: {  	s3 =	sadd.s32 $0x88, s3;
	s6 =	simm.s32 @!p1 $0x1082;
	[sflag:s4] =	ssyncset.s32 $0xFFFFF086  }
0x25: {  	[simem:s6], [sflag:s4] =	dma.local [hbm:s3], $0xF7A  }
0x26: {  	[smem:$0x3F9B] =	sst s1;
	(tag) =	ssettag s2;
	_ =	strace s9  }
0x27: {  	s1 =	sld [smem:$0x3FAB]  }
0x28: {  	s2 =	sld [smem:$0x3FAC]  }
0x29: {  	s4 =	sld [smem:$0x3FAE]  }
0x2a: {  	p0 =	seq.s32 s5, $0x0;
	s5 =	sld [smem:$0x3FAF]  }
0x2b: {  	s6 =	sld [smem:$0x3FB0]  }
0x2c: {  	s7 =	sld [smem:$0x3FB1]  }
0x2d: {  	s3 =	simm.s32 $0x108;
	s8 =	sld [smem:$0x3FB2]  }
0x2e: {  	s3 =	simm.s32 @!p0 $0x1082;
	s9 =	sld [smem:$0x3FB3]  }
0x2f: {  	lr =	sadd.s32 s0, s3;
	s0 =	sld [smem:$0x3FAA]  }
0x30: {  	s3 =	sld [smem:$0x3FAD]  }
0x31: {  	[smem:$0x3FB6] =	sst s10  }
0x32: {  	s10 =	sld [smem:$0x3FB4];
	_ =	sdelay $0x3  }
0x33: {  	p0 =	seq.s32 s10, $0x1;
	s10 =	sld [smem:$0x3FB6];
	_ =	sdelay $0x3  }
0x34: {  	[smem:$0x3FB6] =	sst s10  }
0x35: {  	s10 =	sld [smem:$0x3FB5];
	_ =	sdelay $0x3  }
0x36: {  	p1 =	seq.s32 s10, $0x1;
	s10 =	sld [smem:$0x3FB6];
	_ =	sdelay $0x3  }
0x37: {  	[smem:$0x3FB6] =	sst s10  }
0x38: {  	s10 =	sld [smem:$0x3FB7]  }
0x39: {  	_ = 	snop;
	(pc) =	sbr.ind lr, $3  }
0x3a: {  	_ = 	snop  }
0x3b: {  	_ = 	snop  }
0x3c: {  	p2 =	seq.s32 s10, $0x1;
	s10 =	sld [smem:$0x3FB6]  }
0x3d: {  	_ =	shalt  }
0x3e: {  	_ =	shalt  }
0x3f: {  	_ =	shalt  }
0x40: {  	_ =	shalt  }
0x41: {  	_ =	shalt  }
0x42: {  	_ =	shalt  }
0x43: {  	_ =	shalt  }
0x44: {  	_ =	shalt  }
0x45: {  	_ =	shalt  }
0x46: {  	_ =	shalt  }
0x47: {  	_ =	shalt  }
0x48: {  	_ =	shalt  }
0x49: {  	_ =	shalt  }
0x4a: {  	_ =	shalt  }
0x4b: {  	_ =	shalt  }
0x4c: {  	_ =	shalt  }
0x4d: {  	_ =	shalt  }
0x4e: {  	_ =	shalt  }
0x4f: {  	_ =	shalt  }
0x50: {  	_ =	shalt  }
0x51: {  	_ =	shalt  }
0x52: {  	_ =	shalt  }
0x53: {  	_ =	shalt  }
0x54: {  	_ =	shalt  }
0x55: {  	_ =	shalt  }
0x56: {  	_ =	shalt  }
0x57: {  	_ =	shalt  }
0x58: {  	_ =	shalt  }
0x59: {  	_ =	shalt  }
0x5a: {  	_ =	shalt  }
0x5b: {  	_ =	shalt  }
0x5c: {  	_ =	shalt  }
0x5d: {  	_ =	shalt  }
0x5e: {  	_ =	shalt  }
0x5f: {  	_ =	shalt  }
0x60: {  	_ =	shalt  }
0x61: {  	_ =	shalt  }
0x62: {  	_ =	shalt  }
0x63: {  	_ =	shalt  }
0x64: {  	_ =	shalt  }
0x65: {  	_ =	shalt  }
0x66: {  	_ =	shalt  }
0x67: {  	_ =	shalt  }
0x68: {  	_ =	shalt  }
0x69: {  	_ =	shalt  }
0x6a: {  	_ =	shalt  }
0x6b: {  	_ =	shalt  }
0x6c: {  	_ =	shalt  }
0x6d: {  	_ =	shalt  }
0x6e: {  	_ =	shalt  }
0x6f: {  	_ =	shalt  }
0x70: {  	_ =	shalt  }
0x71: {  	_ =	shalt  }
0x72: {  	_ =	shalt  }
0x73: {  	_ =	shalt  }
0x74: {  	_ =	shalt  }
0x75: {  	_ =	shalt  }
0x76: {  	_ =	shalt  }
0x77: {  	_ =	shalt  }
0x78: {  	_ =	shalt  }
0x79: {  	_ =	shalt  }
0x7a: {  	_ =	shalt  }
0x7b: {  	_ =	shalt  }
0x7c: {  	_ =	shalt  }
0x7d: {  	_ =	shalt  }
0x7e: {  	_ =	shalt  }
0x7f: {  	_ =	shalt  }
0x80: {  	_ =	shalt  }
0x81: {  	_ =	shalt  }
0x82: {  	_ =	shalt  }
0x83: {  	_ =	shalt  }
0x84: {  	_ =	shalt  }
0x85: {  	_ =	shalt  }
0x86: {  	_ =	shalt  }
0x87: {  	_ =	shalt  }
.Lfunc_end0:
.L_simem_size_0:
called_computation_lowered:
.L_overlay_start_0:
0x88: {  	s2 =	sld [smem:$0x3FD9]  }
0x89: {  	s3 =	sld [smem:$0x3FFE];
	_ =	sdelay $0x1  }
0x8a: {  	s1 =	srdreg.scid  }
0x8b: {  	s0 =	sand.u32 $0x1, s1  }
0x8c: {  	s15 =	sshll.u32 s0, $0xA;
	s2 =	sadd.s32 s3, s2  }
0x8d: {  	s2 =	sadd.s32 s2, s15  }
0x8e: {  	[smem:$0x3FC2] =	sst s2  }
0x8f: {  	_ = 	snop  }
0x90: {  	s2 =	sld [smem:$0x3FD0];
	_ =	sdelay $0x2  }
0x91: {  	s16 =	simm.s32 $0xA;
	s4 =	simm.s32 $0x10  }
0x92: {  	[smem:s4], [sflag:s16] =	dma.local [hbm:s2], $0x1  }
0x93: {  	_ =	swait.eq [sflag:s16], $0x1  }
0x94: {  	[sflag:s16] =	ssyncset.done $0x0  }
0x95: {  	s17 =	sld [smem:$0x10];
	[sflag:s16] =	ssyncadd.s32 $0xFFFFFFFF  }
0x96: {  	s18 =	sld [smem:$0x11];
	(tm) =	ssettm $0x1  }
0x97: {  	s19 =	sld [smem:$0x3FFB];
	_ =	sdelay $0x3  }
0x98: {  	_ =	strace s19  }
0x99: {  	s4 =	sld [smem:$0x3FFC];
	_ =	sdelay $0x3  }
0x9a: {  	_ =	strace s4  }
0x9b: {  	s4 =	sld [smem:$0x3FFD];
	_ =	sdelay $0x3  }
0x9c: {  	_ =	strace s4  }
0x9d: {  	_ =	strace $0x8FFFFFFF  }
0x9e: {  	s20 =	sld [smem:$0x3FDB];
	_ =	sdelay $0x1  }
0x9f: {  	s5 =	simm.s32 $_scs_section_size  }
0xa0: {  	s6 =	simm.s32 $_size__tile_overlayer_lowered;
	s7 =	simm.s32 $_tile_overlayer_lowered  }
0xa1: {  	s23 =	simm.s32 $0x1BFF;
	s22 =	sshll.u32 s7, $0x1;
	s4 =	sadd.s32 s5, s20  }
0xa2: {  	s8 =	simm.s32 $0x0;
	s21 =	sshll.u32 s6, $0x1;
	s6 =	sadd.s32 s22, s4  }
0xa3: {  	[timem:s8], [sflag:s23] =	dma.local [hbm:s6], s21  }
0xa4: {  	_ =	swait.ge [sflag:s23], s21  }
0xa5: {  	s5 =	ssub.s32 $0x0, s21;
	[sflag:s23] =	ssyncset.done $0x0  }
0xa6: {  	[sflag:s23] =	ssyncadd.s32 s5;
	_ =	sdelay $0x1  }
0xa7: {  	s24 =	simm.s32 $0x1B8B  }
0xa8: {  	_ =	swait.ge [sflag:s24], $0x1  }
0xa9: {  	[sflag:s24] =	ssyncset.done $0x0  }
0xaa: {  	s25 =	simm.s32 $0x1B8E;
	[sflag:s24] =	ssyncadd.s32 $0xFFFFFFFF  }
0xab: {  	s26 =	simm.s32 $execute0_lowered;
	[smem:$0x3FD2] =	sst s25  }
0xac: {  	s5 =	sshll.u32 s26, $0x1;
	_ =	strace $0x80000046;
	[dreg:$0x1] =	wrdreg $0xFFFFFFFF  }
0xad: {  	s28 =	simm.s32 $_size_execute0_lowered;
	s4 =	sadd.s32 s4, s5;
	[dreg:$0x0] =	wrdreg $0x0  }
0xae: {  	s5 =	sshll.u32 s28, $0x1;
	[dreg:$0x2] =	wrdreg s4  }
0xaf: {  	[dreg:$0x3] =	wrdreg s5  }
0xb0: {  	[dreg:$0x4] =	wrdreg $0xC0  }
0xb1: {  	_ =	task [dreg:s8], $0x5FFFF  }
0xb2: {  	[dreg:$0x1] =	wrdreg $0xFFFFFFFF  }
0xb3: {  	[dreg:$0x0] =	wrdreg $0x60  }
0xb4: {  	[dreg:$0x2] =	wrdreg s18  }
0xb5: {  	[dreg:$0x3] =	wrdreg s17  }
0xb6: {  	[dreg:$0x4] =	wrdreg $0x9  }
0xb7: {  	_ =	task.clear_ibuf [dreg:s8], $0x5FFFF;
	_ =	strace $0x90000046  }
0xb8: {  	s29 =	simm.s32 $0x9;
	_ =	strace $0x80000048  }
0xb9: {  	_ =	swait.ge [sflag:s29], $0x1  }
0xba: {  	[sflag:s29] =	ssyncadd.s32 $0xFFFFFFFF  }
0xbb: {  	_ =	strace $0x90000048  }
0xbc: {  	_ =	sfence  }
0xbd: {  	s30 =	sld [smem:$0x0];
	_ =	sdelay $0x2  }
0xbe: {  	s31 =	sshll.u32 s1, $0xD;
	s1 =	sshrl.u32 s1, $0x2  }
0xbf: {  	s3 =	sand.u32 $0x4000, s31;
	s1 =	sadd.s32 s1, s30  }
0xc0: {  	s0 =	sor.u32 s3, s0;
	s1 =	sshll.u32 s1, $0x11  }
0xc1: {  	s0 =	sor.u32 s1, s0  }
0xc2: {  	s0 =	sadd.s32 $0x8F2B, s0  }
0xc3: {  	[sflag:s0] =	ssyncadd.remote.s32 $0x1  }
0xc4: {  	_ =	sfence.sel $0xFFFF  }
0xc5: {  	[dreg:$0x0] =	wrdreg $0xFFFFFFFF;
	(pc) =	sbr.abs _section_cstart, $3  }
0xc6: {  	[dreg:$0x1] =	wrdreg $0xFFFFFFFF  }
0xc7: {  	_ =	task.clear_ibuf [dreg:s8], $0x2FFFF;
	_ =	strace $0x9FFFFFFF  }
0xc8: {  	(tm) =	ssettm $0x7FFFFFFF  }
0xc9: {  	_ =	shalt  }
tec
execute0_lowered:
.L_overlay_start_1:
0x0: {  	(tag) =	ssettag $0x1  }
0x1: {  	s1 =	rddreg [dreg:$0x0]  }
0x2: {  	s2 =	rddreg [dreg:$0x1];
	s3 =	srdreg.scid  }
0x3: {  	s0 =	rddreg [dreg:$0x2];
	s4 =	simm.s32 $0x0;
	s9 =	simm.s32 $0x4E20  }
0x4: {  	s10 =	simm.s32 $0x9EC0;
	s11 =	simm.s32 $0x0;
	s5 =	sand.u32 $0x1, s3  }
0x5: {  	[smem:$0x7FF] =	sst s4;
	s3 =	stileid.u32;
	s6 =	ssub.s32 $0x2, s5  }
0x6: {  	s8 =	sshll.u32 s3, $0x6;
	s5 =	sshll.u32 s5, $0x5;
	s7 =	sshrl.u32 s6, $0x1  }
0x7: {  	_ =	strace $0x80000047;
	s5 =	sor.u32 s5, s8;
	s6 =	ssub.s32 s6, s7  }
0x8: {  	v1 =	vimm.s32 $0x14;
	s8 =	simm.s32 $0x1;
	s7 =	simm.s32 $0x9C40;
	s6 =	smax.u32 s6, $0x1  }
.LBB2_1:
0x9: {  	s12 =	simm.s32 $0x0  }
.LBB2_2:
0xa: {  	p0 =	sne.s32 s12, $0x13840  }
.Ltmp0:
0xb: {  	_ = 	snop;
	(pc) =	sbr.rel @p0 .LBB2_2-.Ltmp0, $4  }
0xc: {  	_ = 	snop  }
0xd: {  	s13 =	sshra.s32 s12, $0x2  }
0xe: {  	[tilespmem:s13+$0x0] =	vst v1  }
0xf: {  	s12 =	sadd.s32 $0x40, s12;
	[tilespmem:s13+$0x4E20] =	vst v1  }
0x10: {  	s12 =	simm.s32 $0x0  }
.LBB2_4:
0x11: {  	s13 =	sadd.s32 s5, s12  }
0x12: {  	s13 =	smul.u32 $0x50, s13;
	_ =	sdelay $0x1  }
0x13: {  	s14 =	sadd.s32 s1, s13  }
0x14: {  	[tilespmem:s7], [sflag:$0x1] =	stream.linear.gather [hbm4b:s14+s4], $0x280, $0x38;
	[tilespmem:$0xA140] =	vst v63  }
0x15: {  	_ =	swait.ge [sflag:s8], $0x280  }
0x16: {  	[sflag:s8] =	ssyncset.done $0x0  }
0x17: {  	[sflag:s8] =	ssyncadd.s32 $0xFFFFFD80  }
.LBB2_5:
0x18: {  	v0 =	vld [tilespmem:$0x9C40];
	_ =	sdelay $0x4  }
0x19: {  	v1 =	vshra.s32 v0, $0x5;
	_ =	sdelay $0x4  }
0x1a: {  	v2 =	vld.idx.msk [tilespmem:v1+s4+$0x0], $0xffff;
	_ =	sdelay $0x3  }
0x1b: {  	v0 =	vand.u32 $0x1F, v0  }
0x1c: {  	vm0 =	vlt.s32 v0, v2;
	_ =	sdelay $0x5  }
0x1d: {  	[tilespmem:v1+s4+$0x0] =	vst.idx.msk vm0, v0  }
0x1e: {  	v0 =	vld [tilespmem:$0x9C50];
	_ =	sdelay $0x4  }
0x1f: {  	v26 =	vshra.s32 v0, $0x5;
	_ =	sdelay $0x4  }
0x20: {  	v27 =	vld.idx.msk [tilespmem:v26+s4+$0x0], $0xffff;
	_ =	sdelay $0x3  }
0x21: {  	v0 =	vand.u32 $0x1F, v0  }
0x22: {  	vm7 =	vlt.s32 v0, v27;
	_ =	sdelay $0x5  }
0x23: {  	[tilespmem:v26+s4+$0x0] =	vst.idx.msk vm7, v0  }
0x24: {  	v0 =	vld [tilespmem:$0x9C60];
	_ =	sdelay $0x4  }
0x25: {  	v28 =	vshra.s32 v0, $0x5;
	_ =	sdelay $0x4  }
0x26: {  	v29 =	vld.idx.msk [tilespmem:v28+s4+$0x0], $0xffff;
	_ =	sdelay $0x3  }
0x27: {  	v0 =	vand.u32 $0x1F, v0  }
0x28: {  	vm8 =	vlt.s32 v0, v29;
	_ =	sdelay $0x5  }
0x29: {  	[tilespmem:v28+s4+$0x0] =	vst.idx.msk vm8, v0  }
0x2a: {  	v0 =	vld [tilespmem:$0x9C70];
	_ =	sdelay $0x4  }
0x2b: {  	v30 =	vshra.s32 v0, $0x5;
	_ =	sdelay $0x4  }
0x2c: {  	v31 =	vld.idx.msk [tilespmem:v30+s4+$0x0], $0xffff;
	_ =	sdelay $0x3  }
0x2d: {  	v0 =	vand.u32 $0x1F, v0  }
0x2e: {  	vm9 =	vlt.s32 v0, v31;
	_ =	sdelay $0x5  }
0x2f: {  	[tilespmem:v30+s4+$0x0] =	vst.idx.msk vm9, v0  }
0x30: {  	v0 =	vld [tilespmem:$0x9C80];
	_ =	sdelay $0x4  }
0x31: {  	v32 =	vshra.s32 v0, $0x5;
	_ =	sdelay $0x4  }
0x32: {  	v33 =	vld.idx.msk [tilespmem:v32+s4+$0x0], $0xffff;
	_ =	sdelay $0x3  }
0x33: {  	v0 =	vand.u32 $0x1F, v0  }
0x34: {  	vm10 =	vlt.s32 v0, v33;
	_ =	sdelay $0x5  }
0x35: {  	[tilespmem:v32+s4+$0x0] =	vst.idx.msk vm10, v0  }
0x36: {  	v0 =	vld [tilespmem:$0x9C90];
	_ =	sdelay $0x4  }
0x37: {  	v34 =	vshra.s32 v0, $0x5;
	_ =	sdelay $0x4  }
0x38: {  	v35 =	vld.idx.msk [tilespmem:v34+s4+$0x0], $0xffff;
	_ =	sdelay $0x3  }
0x39: {  	v0 =	vand.u32 $0x1F, v0  }
0x3a: {  	vm11 =	vlt.s32 v0, v35;
	_ =	sdelay $0x5  }
0x3b: {  	[tilespmem:v34+s4+$0x0] =	vst.idx.msk vm11, v0  }
0x3c: {  	v0 =	vld [tilespmem:$0x9CA0];
	_ =	sdelay $0x4  }
0x3d: {  	v36 =	vshra.s32 v0, $0x5;
	_ =	sdelay $0x4  }
0x3e: {  	v37 =	vld.idx.msk [tilespmem:v36+s4+$0x0], $0xffff;
	_ =	sdelay $0x3  }
0x3f: {  	v0 =	vand.u32 $0x1F, v0  }
0x40: {  	vm12 =	vlt.s32 v0, v37;
	_ =	sdelay $0x5  }
0x41: {  	[tilespmem:v36+s4+$0x0] =	vst.idx.msk vm12, v0  }
0x42: {  	v0 =	vld [tilespmem:$0x9CB0];
	_ =	sdelay $0x4  }
0x43: {  	v38 =	vshra.s32 v0, $0x5;
	_ =	sdelay $0x4  }
0x44: {  	v39 =	vld.idx.msk [tilespmem:v38+s4+$0x0], $0xffff;
	_ =	sdelay $0x3  }
0x45: {  	v0 =	vand.u32 $0x1F, v0  }
0x46: {  	vm13 =	vlt.s32 v0, v39;
	_ =	sdelay $0x5  }
0x47: {  	[tilespmem:v38+s4+$0x0] =	vst.idx.msk vm13, v0  }
0x48: {  	v0 =	vld [tilespmem:$0x9CC0];
	_ =	sdelay $0x4  }
0x49: {  	v40 =	vshra.s32 v0, $0x5;
	_ =	sdelay $0x4  }
0x4a: {  	v41 =	vld.idx.msk [tilespmem:v40+s4+$0x0], $0xffff;
	_ =	sdelay $0x3  }
0x4b: {  	v0 =	vand.u32 $0x1F, v0  }
0x4c: {  	vm14 =	vlt.s32 v0, v41;
	_ =	sdelay $0x5  }
0x4d: {  	[tilespmem:v40+s4+$0x0] =	vst.idx.msk vm14, v0  }
0x4e: {  	v0 =	vld [tilespmem:$0x9CD0];
	_ =	sdelay $0x4  }
0x4f: {  	v42 =	vshra.s32 v0, $0x5;
	_ =	sdelay $0x4  }
0x50: {  	v43 =	vld.idx.msk [tilespmem:v42+s4+$0x0], $0xffff;
	_ =	sdelay $0x3  }
0x51: {  	v0 =	vand.u32 $0x1F, v0  }
0x52: {  	vm15 =	vlt.s32 v0, v43;
	_ =	sdelay $0x5  }
0x53: {  	[tilespmem:v42+s4+$0x0] =	vst.idx.msk vm15, v0  }
0x54: {  	v0 =	vld [tilespmem:$0x9CE0];
	_ =	sdelay $0x4  }
0x55: {  	v44 =	vshra.s32 v0, $0x5;
	_ =	sdelay $0x4  }
0x56: {  	v45 =	vld.idx.msk [tilespmem:v44+s4+$0x0], $0xffff;
	_ =	sdelay $0x3  }
0x57: {  	v0 =	vand.u32 $0x1F, v0  }
0x58: {  	vm4 =	vlt.s32 v0, v45;
	_ =	sdelay $0x5  }
0x59: {  	[tilespmem:v44+s4+$0x0] =	vst.idx.msk vm4, v0  }
0x5a: {  	v0 =	vld [tilespmem:$0x9CF0];
	_ =	sdelay $0x4  }
0x5b: {  	v46 =	vshra.s32 v0, $0x5;
	_ =	sdelay $0x4  }
0x5c: {  	v47 =	vld.idx.msk [tilespmem:v46+s4+$0x0], $0xffff;
	_ =	sdelay $0x3  }
0x5d: {  	v0 =	vand.u32 $0x1F, v0  }
0x5e: {  	vm5 =	vlt.s32 v0, v47;
	_ =	sdelay $0x5  }
0x5f: {  	[tilespmem:v46+s4+$0x0] =	vst.idx.msk vm5, v0  }
0x60: {  	v0 =	vld [tilespmem:$0x9D00];
	_ =	sdelay $0x4  }
0x61: {  	v48 =	vshra.s32 v0, $0x5;
	_ =	sdelay $0x4  }
0x62: {  	v49 =	vld.idx.msk [tilespmem:v48+s4+$0x0], $0xffff;
	_ =	sdelay $0x3  }
0x63: {  	v0 =	vand.u32 $0x1F, v0  }
0x64: {  	vm6 =	vlt.s32 v0, v49;
	_ =	sdelay $0x5  }
0x65: {  	[tilespmem:v48+s4+$0x0] =	vst.idx.msk vm6, v0  }
0x66: {  	v0 =	vld [tilespmem:$0x9D10];
	_ =	sdelay $0x4  }
0x67: {  	v50 =	vshra.s32 v0, $0x5;
	_ =	sdelay $0x4  }
0x68: {  	v51 =	vld.idx.msk [tilespmem:v50+s4+$0x0], $0xffff;
	_ =	sdelay $0x3  }
0x69: {  	v0 =	vand.u32 $0x1F, v0  }
0x6a: {  	vm7 =	vlt.s32 v0, v51;
	_ =	sdelay $0x5  }
0x6b: {  	[tilespmem:v50+s4+$0x0] =	vst.idx.msk vm7, v0  }
0x6c: {  	v0 =	vld [tilespmem:$0x9D20];
	_ =	sdelay $0x4  }
0x6d: {  	v52 =	vshra.s32 v0, $0x5;
	_ =	sdelay $0x4  }
0x6e: {  	v53 =	vld.idx.msk [tilespmem:v52+s4+$0x0], $0xffff;
	_ =	sdelay $0x3  }
0x6f: {  	v0 =	vand.u32 $0x1F, v0  }
0x70: {  	vm8 =	vlt.s32 v0, v53;
	_ =	sdelay $0x5  }
0x71: {  	[tilespmem:v52+s4+$0x0] =	vst.idx.msk vm8, v0  }
0x72: {  	v0 =	vld [tilespmem:$0x9D30];
	_ =	sdelay $0x4  }
0x73: {  	v54 =	vshra.s32 v0, $0x5;
	_ =	sdelay $0x4  }
0x74: {  	v55 =	vld.idx.msk [tilespmem:v54+s4+$0x0], $0xffff;
	_ =	sdelay $0x3  }
0x75: {  	v0 =	vand.u32 $0x1F, v0  }
0x76: {  	vm9 =	vlt.s32 v0, v55;
	_ =	sdelay $0x5  }
0x77: {  	[tilespmem:v54+s4+$0x0] =	vst.idx.msk vm9, v0  }
0x78: {  	v0 =	vld [tilespmem:$0x9D40];
	_ =	sdelay $0x4  }
0x79: {  	v56 =	vshra.s32 v0, $0x5;
	_ =	sdelay $0x4  }
0x7a: {  	v57 =	vld.idx.msk [tilespmem:v56+s4+$0x0], $0xffff;
	_ =	sdelay $0x3  }
0x7b: {  	v0 =	vand.u32 $0x1F, v0  }
0x7c: {  	vm10 =	vlt.s32 v0, v57;
	_ =	sdelay $0x5  }
0x7d: {  	[tilespmem:v56+s4+$0x0] =	vst.idx.msk vm10, v0  }
0x7e: {  	v0 =	vld [tilespmem:$0x9D50];
	_ =	sdelay $0x4  }
0x7f: {  	v58 =	vshra.s32 v0, $0x5;
	_ =	sdelay $0x4  }
0x80: {  	v59 =	vld.idx.msk [tilespmem:v58+s4+$0x0], $0xffff;
	_ =	sdelay $0x3  }
0x81: {  	v0 =	vand.u32 $0x1F, v0  }
0x82: {  	vm11 =	vlt.s32 v0, v59;
	_ =	sdelay $0x5  }
0x83: {  	[tilespmem:v58+s4+$0x0] =	vst.idx.msk vm11, v0  }
0x84: {  	v0 =	vld [tilespmem:$0x9D60];
	_ =	sdelay $0x4  }
0x85: {  	v60 =	vshra.s32 v0, $0x5;
	_ =	sdelay $0x4  }
0x86: {  	v61 =	vld.idx.msk [tilespmem:v60+s4+$0x0], $0xffff;
	_ =	sdelay $0x3  }
0x87: {  	v0 =	vand.u32 $0x1F, v0  }
0x88: {  	vm12 =	vlt.s32 v0, v61;
	_ =	sdelay $0x5  }
0x89: {  	[tilespmem:v60+s4+$0x0] =	vst.idx.msk vm12, v0  }
0x8a: {  	v0 =	vld [tilespmem:$0x9D70];
	_ =	sdelay $0x4  }
0x8b: {  	v62 =	vshra.s32 v0, $0x5;
	_ =	sdelay $0x4  }
0x8c: {  	v63 =	vld.idx.msk [tilespmem:v62+s4+$0x0], $0xffff;
	_ =	sdelay $0x3  }
0x8d: {  	v0 =	vand.u32 $0x1F, v0  }
0x8e: {  	vm13 =	vlt.s32 v0, v63;
	_ =	sdelay $0x5  }
0x8f: {  	[tilespmem:v62+s4+$0x0] =	vst.idx.msk vm13, v0  }
0x90: {  	v0 =	vld [tilespmem:$0x9D80];
	_ =	sdelay $0x4  }
0x91: {  	v4 =	vshra.s32 v0, $0x5;
	_ =	sdelay $0x4  }
0x92: {  	v5 =	vld.idx.msk [tilespmem:v4+s9+$0x0], $0xffff;
	_ =	sdelay $0x3  }
0x93: {  	v0 =	vand.u32 $0x1F, v0  }
0x94: {  	vm14 =	vlt.s32 v0, v5;
	_ =	sdelay $0x5  }
0x95: {  	[tilespmem:v4+s9+$0x0] =	vst.idx.msk vm14, v0  }
0x96: {  	v0 =	vld [tilespmem:$0x9D90];
	_ =	sdelay $0x4  }
0x97: {  	v6 =	vshra.s32 v0, $0x5;
	_ =	sdelay $0x4  }
0x98: {  	v7 =	vld.idx.msk [tilespmem:v6+s9+$0x0], $0xffff;
	_ =	sdelay $0x3  }
0x99: {  	v0 =	vand.u32 $0x1F, v0  }
0x9a: {  	vm15 =	vlt.s32 v0, v7;
	_ =	sdelay $0x5  }
0x9b: {  	[tilespmem:v6+s9+$0x0] =	vst.idx.msk vm15, v0  }
0x9c: {  	v0 =	vld [tilespmem:$0x9DA0];
	_ =	sdelay $0x4  }
0x9d: {  	v8 =	vshra.s32 v0, $0x5;
	_ =	sdelay $0x4  }
0x9e: {  	v9 =	vld.idx.msk [tilespmem:v8+s9+$0x0], $0xffff;
	_ =	sdelay $0x3  }
0x9f: {  	v0 =	vand.u32 $0x1F, v0  }
0xa0: {  	vm4 =	vlt.s32 v0, v9;
	_ =	sdelay $0x5  }
0xa1: {  	[tilespmem:v8+s9+$0x0] =	vst.idx.msk vm4, v0  }
0xa2: {  	v0 =	vld [tilespmem:$0x9DB0];
	_ =	sdelay $0x4  }
0xa3: {  	v10 =	vshra.s32 v0, $0x5;
	_ =	sdelay $0x4  }
0xa4: {  	v11 =	vld.idx.msk [tilespmem:v10+s9+$0x0], $0xffff;
	_ =	sdelay $0x3  }
0xa5: {  	v0 =	vand.u32 $0x1F, v0  }
0xa6: {  	vm5 =	vlt.s32 v0, v11;
	_ =	sdelay $0x5  }
0xa7: {  	[tilespmem:v10+s9+$0x0] =	vst.idx.msk vm5, v0  }
0xa8: {  	v0 =	vld [tilespmem:$0x9DC0];
	_ =	sdelay $0x4  }
0xa9: {  	v12 =	vshra.s32 v0, $0x5;
	_ =	sdelay $0x4  }
0xaa: {  	v13 =	vld.idx.msk [tilespmem:v12+s9+$0x0], $0xffff;
	_ =	sdelay $0x3  }
0xab: {  	v0 =	vand.u32 $0x1F, v0  }
0xac: {  	vm6 =	vlt.s32 v0, v13;
	_ =	sdelay $0x5  }
0xad: {  	[tilespmem:v12+s9+$0x0] =	vst.idx.msk vm6, v0  }
0xae: {  	v0 =	vld [tilespmem:$0x9DD0];
	_ =	sdelay $0x4  }
0xaf: {  	v14 =	vshra.s32 v0, $0x5;
	_ =	sdelay $0x4  }
0xb0: {  	v15 =	vld.idx.msk [tilespmem:v14+s9+$0x0], $0xffff;
	_ =	sdelay $0x3  }
0xb1: {  	v0 =	vand.u32 $0x1F, v0  }
0xb2: {  	vm7 =	vlt.s32 v0, v15;
	_ =	sdelay $0x5  }
0xb3: {  	[tilespmem:v14+s9+$0x0] =	vst.idx.msk vm7, v0  }
0xb4: {  	v0 =	vld [tilespmem:$0x9DE0];
	_ =	sdelay $0x4  }
0xb5: {  	v16 =	vshra.s32 v0, $0x5;
	_ =	sdelay $0x4  }
0xb6: {  	v17 =	vld.idx.msk [tilespmem:v16+s9+$0x0], $0xffff;
	_ =	sdelay $0x3  }
0xb7: {  	v0 =	vand.u32 $0x1F, v0  }
0xb8: {  	vm8 =	vlt.s32 v0, v17;
	_ =	sdelay $0x5  }
0xb9: {  	[tilespmem:v16+s9+$0x0] =	vst.idx.msk vm8, v0  }
0xba: {  	v0 =	vld [tilespmem:$0x9DF0];
	_ =	sdelay $0x4  }
0xbb: {  	v18 =	vshra.s32 v0, $0x5;
	_ =	sdelay $0x4  }
0xbc: {  	v19 =	vld.idx.msk [tilespmem:v18+s9+$0x0], $0xffff;
	_ =	sdelay $0x3  }
0xbd: {  	v0 =	vand.u32 $0x1F, v0  }
0xbe: {  	vm9 =	vlt.s32 v0, v19;
	_ =	sdelay $0x5  }
0xbf: {  	[tilespmem:v18+s9+$0x0] =	vst.idx.msk vm9, v0  }
0xc0: {  	v0 =	vld [tilespmem:$0x9E00];
	_ =	sdelay $0x4  }
0xc1: {  	v20 =	vshra.s32 v0, $0x5;
	_ =	sdelay $0x4  }
0xc2: {  	v21 =	vld.idx.msk [tilespmem:v20+s9+$0x0], $0xffff;
	_ =	sdelay $0x3  }
0xc3: {  	v0 =	vand.u32 $0x1F, v0  }
0xc4: {  	vm10 =	vlt.s32 v0, v21;
	_ =	sdelay $0x5  }
0xc5: {  	[tilespmem:v20+s9+$0x0] =	vst.idx.msk vm10, v0  }
0xc6: {  	v0 =	vld [tilespmem:$0x9E10];
	_ =	sdelay $0x4  }
0xc7: {  	v22 =	vshra.s32 v0, $0x5;
	_ =	sdelay $0x4  }
0xc8: {  	v23 =	vld.idx.msk [tilespmem:v22+s9+$0x0], $0xffff;
	_ =	sdelay $0x3  }
0xc9: {  	v0 =	vand.u32 $0x1F, v0  }
0xca: {  	vm11 =	vlt.s32 v0, v23;
	_ =	sdelay $0x5  }
0xcb: {  	[tilespmem:v22+s9+$0x0] =	vst.idx.msk vm11, v0  }
0xcc: {  	v0 =	vld [tilespmem:$0x9E20];
	_ =	sdelay $0x4  }
0xcd: {  	v24 =	vshra.s32 v0, $0x5;
	_ =	sdelay $0x4  }
0xce: {  	v25 =	vld.idx.msk [tilespmem:v24+s9+$0x0], $0xffff;
	_ =	sdelay $0x3  }
0xcf: {  	v0 =	vand.u32 $0x1F, v0  }
0xd0: {  	vm12 =	vlt.s32 v0, v25;
	_ =	sdelay $0x5  }
0xd1: {  	[tilespmem:v24+s9+$0x0] =	vst.idx.msk vm12, v0  }
0xd2: {  	v0 =	vld [tilespmem:$0x9E30];
	_ =	sdelay $0x4  }
0xd3: {  	v26 =	vshra.s32 v0, $0x5;
	_ =	sdelay $0x4  }
0xd4: {  	v27 =	vld.idx.msk [tilespmem:v26+s9+$0x0], $0xffff;
	_ =	sdelay $0x3  }
0xd5: {  	v0 =	vand.u32 $0x1F, v0  }
0xd6: {  	vm13 =	vlt.s32 v0, v27;
	_ =	sdelay $0x5  }
0xd7: {  	[tilespmem:v26+s9+$0x0] =	vst.idx.msk vm13, v0  }
0xd8: {  	v0 =	vld [tilespmem:$0x9E40];
	_ =	sdelay $0x4  }
0xd9: {  	v28 =	vshra.s32 v0, $0x5;
	_ =	sdelay $0x4  }
0xda: {  	v29 =	vld.idx.msk [tilespmem:v28+s9+$0x0], $0xffff;
	_ =	sdelay $0x3  }
0xdb: {  	v0 =	vand.u32 $0x1F, v0  }
0xdc: {  	vm14 =	vlt.s32 v0, v29;
	_ =	sdelay $0x5  }
0xdd: {  	[tilespmem:v28+s9+$0x0] =	vst.idx.msk vm14, v0  }
0xde: {  	v0 =	vld [tilespmem:$0x9E50];
	_ =	sdelay $0x4  }
0xdf: {  	v30 =	vshra.s32 v0, $0x5;
	_ =	sdelay $0x4  }
0xe0: {  	v31 =	vld.idx.msk [tilespmem:v30+s9+$0x0], $0xffff;
	_ =	sdelay $0x3  }
0xe1: {  	v0 =	vand.u32 $0x1F, v0  }
0xe2: {  	vm15 =	vlt.s32 v0, v31;
	_ =	sdelay $0x5  }
0xe3: {  	[tilespmem:v30+s9+$0x0] =	vst.idx.msk vm15, v0  }
0xe4: {  	v0 =	vld [tilespmem:$0x9E60];
	_ =	sdelay $0x4  }
0xe5: {  	v32 =	vshra.s32 v0, $0x5;
	_ =	sdelay $0x4  }
0xe6: {  	v33 =	vld.idx.msk [tilespmem:v32+s9+$0x0], $0xffff;
	_ =	sdelay $0x3  }
0xe7: {  	v0 =	vand.u32 $0x1F, v0  }
0xe8: {  	vm4 =	vlt.s32 v0, v33;
	_ =	sdelay $0x5  }
0xe9: {  	[tilespmem:v32+s9+$0x0] =	vst.idx.msk vm4, v0  }
0xea: {  	v0 =	vld [tilespmem:$0x9E70];
	_ =	sdelay $0x4  }
0xeb: {  	v34 =	vshra.s32 v0, $0x5;
	_ =	sdelay $0x4  }
0xec: {  	v35 =	vld.idx.msk [tilespmem:v34+s9+$0x0], $0xffff;
	_ =	sdelay $0x3  }
0xed: {  	v0 =	vand.u32 $0x1F, v0  }
0xee: {  	vm5 =	vlt.s32 v0, v35;
	_ =	sdelay $0x5  }
0xef: {  	[tilespmem:v34+s9+$0x0] =	vst.idx.msk vm5, v0  }
0xf0: {  	v0 =	vld [tilespmem:$0x9E80];
	_ =	sdelay $0x4  }
0xf1: {  	v36 =	vshra.s32 v0, $0x5;
	_ =	sdelay $0x4  }
0xf2: {  	v37 =	vld.idx.msk [tilespmem:v36+s9+$0x0], $0xffff;
	_ =	sdelay $0x3  }
0xf3: {  	v0 =	vand.u32 $0x1F, v0  }
0xf4: {  	vm6 =	vlt.s32 v0, v37;
	_ =	sdelay $0x5  }
0xf5: {  	[tilespmem:v36+s9+$0x0] =	vst.idx.msk vm6, v0  }
0xf6: {  	v0 =	vld [tilespmem:$0x9E90];
	_ =	sdelay $0x4  }
0xf7: {  	v38 =	vshra.s32 v0, $0x5;
	_ =	sdelay $0x4  }
0xf8: {  	v39 =	vld.idx.msk [tilespmem:v38+s9+$0x0], $0xffff;
	_ =	sdelay $0x3  }
0xf9: {  	v0 =	vand.u32 $0x1F, v0  }
0xfa: {  	vm7 =	vlt.s32 v0, v39;
	_ =	sdelay $0x5  }
0xfb: {  	[tilespmem:v38+s9+$0x0] =	vst.idx.msk vm7, v0  }
0xfc: {  	v0 =	vld [tilespmem:$0x9EA0];
	_ =	sdelay $0x4  }
0xfd: {  	v40 =	vshra.s32 v0, $0x5;
	_ =	sdelay $0x4  }
0xfe: {  	v41 =	vld.idx.msk [tilespmem:v40+s9+$0x0], $0xffff;
	_ =	sdelay $0x3  }
0xff: {  	v0 =	vand.u32 $0x1F, v0  }
0x100: {  	vm8 =	vlt.s32 v0, v41;
	_ =	sdelay $0x5  }
0x101: {  	[tilespmem:v40+s9+$0x0] =	vst.idx.msk vm8, v0  }
0x102: {  	v0 =	vld [tilespmem:$0x9EB0];
	_ =	sdelay $0x4  }
0x103: {  	v42 =	vshra.s32 v0, $0x5;
	_ =	sdelay $0x4  }
0x104: {  	v43 =	vld.idx.msk [tilespmem:v42+s9+$0x0], $0xffff;
	_ =	sdelay $0x3  }
0x105: {  	v0 =	vand.u32 $0x1F, v0  }
0x106: {  	vm9 =	vlt.s32 v0, v43;
	_ =	sdelay $0x5  }
0x107: {  	[tilespmem:v42+s9+$0x0] =	vst.idx.msk vm9, v0  }
0x108: {  	v0 =	vld [tilespmem:$0x9C40];
	_ =	sdelay $0x4  }
0x109: {  	v44 =	vshra.s32 v0, $0x5;
	_ =	sdelay $0x3  }
0x10a: {  	v45 =	vld [tilespmem:$0x9C50]  }
0x10b: {  	v3 =	vld.idx.msk [tilespmem:v44+s4+$0x0], $0xffff  }
0x10c: {  	v1 =	vld.idx.msk [tilespmem:v44+s9+$0x0], $0xffff;
	_ =	sdelay $0x2  }
0x10d: {  	v5 =	vshra.s32 v45, $0x5  }
0x10e: {  	v4 =	vand.u32 $0x1F, v0;
	v46 =	vshll.u32 v3, $0x5  }
0x10f: {  	vm10 =	vlt.u32 v4, $0x14;
	v0 =	vadd.s32 v1, v46  }
0x110: {  	v0 =	vnsel vm10, $0x2B5, v0  }
0x111: {  	v47 =	vld [tilespmem:$0x9C60];
	[tilespmem:$0x9EC0] =	vst v0  }
0x112: {  	v48 =	vld.idx.msk [tilespmem:v5+s4+$0x0], $0xffff  }
0x113: {  	v49 =	vld.idx.msk [tilespmem:v5+s9+$0x0], $0xffff;
	_ =	sdelay $0x2  }
0x114: {  	v7 =	vshra.s32 v47, $0x5  }
0x115: {  	v50 =	vand.u32 $0x1F, v45;
	v51 =	vshll.u32 v48, $0x5  }
0x116: {  	vm11 =	vlt.u32 v50, $0x14;
	v1 =	vadd.s32 v49, v51  }
0x117: {  	v1 =	vnsel vm11, $0x2B5, v1  }
0x118: {  	v52 =	vld [tilespmem:$0x9C70];
	[tilespmem:$0x9ED0] =	vst v1  }
0x119: {  	v53 =	vld.idx.msk [tilespmem:v7+s4+$0x0], $0xffff  }
0x11a: {  	v54 =	vld.idx.msk [tilespmem:v7+s9+$0x0], $0xffff;
	_ =	sdelay $0x2  }
0x11b: {  	v9 =	vshra.s32 v52, $0x5  }
0x11c: {  	v55 =	vand.u32 $0x1F, v47;
	v56 =	vshll.u32 v53, $0x5  }
0x11d: {  	vm12 =	vlt.u32 v55, $0x14;
	v0 =	vadd.s32 v54, v56  }
0x11e: {  	v0 =	vnsel vm12, $0x2B5, v0  }
0x11f: {  	v57 =	vld [tilespmem:$0x9C80];
	[tilespmem:$0x9EE0] =	vst v0  }
0x120: {  	v58 =	vld.idx.msk [tilespmem:v9+s4+$0x0], $0xffff  }
0x121: {  	v59 =	vld.idx.msk [tilespmem:v9+s9+$0x0], $0xffff;
	_ =	sdelay $0x2  }
0x122: {  	v11 =	vshra.s32 v57, $0x5  }
0x123: {  	v60 =	vand.u32 $0x1F, v52;
	v61 =	vshll.u32 v58, $0x5  }
0x124: {  	vm13 =	vlt.u32 v60, $0x14;
	v1 =	vadd.s32 v59, v61  }
0x125: {  	v1 =	vnsel vm13, $0x2B5, v1  }
0x126: {  	v62 =	vld [tilespmem:$0x9C90];
	[tilespmem:$0x9EF0] =	vst v1  }
0x127: {  	v63 =	vld.idx.msk [tilespmem:v11+s4+$0x0], $0xffff  }
0x128: {  	v8 =	vld.idx.msk [tilespmem:v11+s9+$0x0], $0xffff;
	_ =	sdelay $0x2  }
0x129: {  	v13 =	vshra.s32 v62, $0x5  }
0x12a: {  	v9 =	vand.u32 $0x1F, v57;
	v10 =	vshll.u32 v63, $0x5  }
0x12b: {  	vm14 =	vlt.u32 v9, $0x14;
	v0 =	vadd.s32 v8, v10  }
0x12c: {  	v0 =	vnsel vm14, $0x2B5, v0  }
0x12d: {  	v11 =	vld [tilespmem:$0x9CA0];
	[tilespmem:$0x9F00] =	vst v0  }
0x12e: {  	v18 =	vld.idx.msk [tilespmem:v13+s4+$0x0], $0xffff  }
0x12f: {  	v19 =	vld.idx.msk [tilespmem:v13+s9+$0x0], $0xffff;
	_ =	sdelay $0x2  }
0x130: {  	v15 =	vshra.s32 v11, $0x5  }
0x131: {  	v20 =	vand.u32 $0x1F, v62;
	v21 =	vshll.u32 v18, $0x5  }
0x132: {  	vm15 =	vlt.u32 v20, $0x14;
	v1 =	vadd.s32 v19, v21  }
0x133: {  	v1 =	vnsel vm15, $0x2B5, v1  }
0x134: {  	v22 =	vld [tilespmem:$0x9CB0];
	[tilespmem:$0x9F10] =	vst v1  }
0x135: {  	v14 =	vld.idx.msk [tilespmem:v15+s4+$0x0], $0xffff  }
0x136: {  	v23 =	vld.idx.msk [tilespmem:v15+s9+$0x0], $0xffff;
	_ =	sdelay $0x2  }
0x137: {  	v17 =	vshra.s32 v22, $0x5  }
0x138: {  	v15 =	vand.u32 $0x1F, v11;
	v24 =	vshll.u32 v14, $0x5  }
0x139: {  	vm4 =	vlt.u32 v15, $0x14;
	v0 =	vadd.s32 v23, v24  }
0x13a: {  	v0 =	vnsel vm4, $0x2B5, v0  }
0x13b: {  	v25 =	vld [tilespmem:$0x9CC0];
	[tilespmem:$0x9F20] =	vst v0  }
0x13c: {  	v16 =	vld.idx.msk [tilespmem:v17+s4+$0x0], $0xffff  }
0x13d: {  	v26 =	vld.idx.msk [tilespmem:v17+s9+$0x0], $0xffff;
	_ =	sdelay $0x2  }
0x13e: {  	v19 =	vshra.s32 v25, $0x5  }
0x13f: {  	v17 =	vand.u32 $0x1F, v22;
	v27 =	vshll.u32 v16, $0x5  }
0x140: {  	vm5 =	vlt.u32 v17, $0x14;
	v1 =	vadd.s32 v26, v27  }
0x141: {  	v1 =	vnsel vm5, $0x2B5, v1  }
0x142: {  	v28 =	vld [tilespmem:$0x9CD0];
	[tilespmem:$0x9F30] =	vst v1  }
0x143: {  	[tilespmem:$0x1FFE0] =	vst v18;
	v18 =	vld.idx.msk [tilespmem:v19+s4+$0x0], $0xffff  }
0x144: {  	v29 =	vld.idx.msk [tilespmem:v19+s9+$0x0], $0xffff;
	_ =	sdelay $0x2  }
0x145: {  	v21 =	vshra.s32 v28, $0x5  }
0x146: {  	v19 =	vand.u32 $0x1F, v25;
	v30 =	vshll.u32 v18, $0x5  }
0x147: {  	vm6 =	vlt.u32 v19, $0x14;
	v0 =	vadd.s32 v29, v30  }
0x148: {  	v0 =	vnsel vm6, $0x2B5, v0  }
0x149: {  	v31 =	vld [tilespmem:$0x9CE0];
	[tilespmem:$0x9F40] =	vst v0  }
0x14a: {  	[tilespmem:$0x1FFF0] =	vst v20;
	v20 =	vld.idx.msk [tilespmem:v21+s4+$0x0], $0xffff  }
0x14b: {  	v32 =	vld.idx.msk [tilespmem:v21+s9+$0x0], $0xffff;
	_ =	sdelay $0x2  }
0x14c: {  	v23 =	vshra.s32 v31, $0x5  }
0x14d: {  	v21 =	vand.u32 $0x1F, v28;
	v33 =	vshll.u32 v20, $0x5  }
0x14e: {  	vm7 =	vlt.u32 v21, $0x14;
	v1 =	vadd.s32 v32, v33  }
0x14f: {  	v1 =	vnsel vm7, $0x2B5, v1  }
0x150: {  	v34 =	vld [tilespmem:$0x9CF0];
	[tilespmem:$0x9F50] =	vst v1  }
0x151: {  	v22 =	vld.idx.msk [tilespmem:v23+s4+$0x0], $0xffff  }
0x152: {  	v35 =	vld.idx.msk [tilespmem:v23+s9+$0x0], $0xffff;
	_ =	sdelay $0x2  }
0x153: {  	v25 =	vshra.s32 v34, $0x5  }
0x154: {  	v23 =	vand.u32 $0x1F, v31;
	v36 =	vshll.u32 v22, $0x5  }
0x155: {  	vm8 =	vlt.u32 v23, $0x14;
	v0 =	vadd.s32 v35, v36  }
0x156: {  	v0 =	vnsel vm8, $0x2B5, v0  }
0x157: {  	v37 =	vld [tilespmem:$0x9D00];
	[tilespmem:$0x9F60] =	vst v0  }
0x158: {  	v24 =	vld.idx.msk [tilespmem:v25+s4+$0x0], $0xffff  }
0x159: {  	v38 =	vld.idx.msk [tilespmem:v25+s9+$0x0], $0xffff;
	_ =	sdelay $0x2  }
0x15a: {  	v27 =	vshra.s32 v37, $0x5  }
0x15b: {  	v25 =	vand.u32 $0x1F, v34;
	v39 =	vshll.u32 v24, $0x5  }
0x15c: {  	vm9 =	vlt.u32 v25, $0x14;
	v1 =	vadd.s32 v38, v39  }
0x15d: {  	v1 =	vnsel vm9, $0x2B5, v1  }
0x15e: {  	v40 =	vld [tilespmem:$0x9D10];
	[tilespmem:$0x9F70] =	vst v1  }
0x15f: {  	v26 =	vld.idx.msk [tilespmem:v27+s4+$0x0], $0xffff  }
0x160: {  	v41 =	vld.idx.msk [tilespmem:v27+s9+$0x0], $0xffff;
	_ =	sdelay $0x2  }
0x161: {  	v29 =	vshra.s32 v40, $0x5  }
0x162: {  	v27 =	vand.u32 $0x1F, v37;
	v42 =	vshll.u32 v26, $0x5  }
0x163: {  	vm10 =	vlt.u32 v27, $0x14;
	v0 =	vadd.s32 v41, v42  }
0x164: {  	v0 =	vnsel vm10, $0x2B5, v0  }
0x165: {  	v43 =	vld [tilespmem:$0x9D20];
	[tilespmem:$0x9F80] =	vst v0  }
0x166: {  	v28 =	vld.idx.msk [tilespmem:v29+s4+$0x0], $0xffff  }
0x167: {  	v44 =	vld.idx.msk [tilespmem:v29+s9+$0x0], $0xffff;
	_ =	sdelay $0x2  }
0x168: {  	v31 =	vshra.s32 v43, $0x5  }
0x169: {  	v29 =	vand.u32 $0x1F, v40;
	v45 =	vshll.u32 v28, $0x5  }
0x16a: {  	vm11 =	vlt.u32 v29, $0x14;
	v1 =	vadd.s32 v44, v45  }
0x16b: {  	v1 =	vnsel vm11, $0x2B5, v1  }
0x16c: {  	v46 =	vld [tilespmem:$0x9D30];
	[tilespmem:$0x9F90] =	vst v1  }
0x16d: {  	v30 =	vld.idx.msk [tilespmem:v31+s4+$0x0], $0xffff  }
0x16e: {  	v47 =	vld.idx.msk [tilespmem:v31+s9+$0x0], $0xffff;
	_ =	sdelay $0x2  }
0x16f: {  	v33 =	vshra.s32 v46, $0x5  }
0x170: {  	[tilespmem:$0x1FF60] =	vst v48;
	v31 =	vand.u32 $0x1F, v43;
	v48 =	vshll.u32 v30, $0x5  }
0x171: {  	vm12 =	vlt.u32 v31, $0x14;
	v0 =	vadd.s32 v47, v48  }
0x172: {  	v0 =	vnsel vm12, $0x2B5, v0  }
0x173: {  	v49 =	vld [tilespmem:$0x9D40];
	[tilespmem:$0x9FA0] =	vst v0  }
0x174: {  	v32 =	vld.idx.msk [tilespmem:v33+s4+$0x0], $0xffff  }
0x175: {  	[tilespmem:$0x1FF70] =	vst v50;
	v50 =	vld.idx.msk [tilespmem:v33+s9+$0x0], $0xffff;
	_ =	sdelay $0x2  }
0x176: {  	v35 =	vshra.s32 v49, $0x5  }
0x177: {  	v33 =	vand.u32 $0x1F, v46;
	v51 =	vshll.u32 v32, $0x5  }
0x178: {  	vm13 =	vlt.u32 v33, $0x14;
	v1 =	vadd.s32 v50, v51  }
0x179: {  	v1 =	vnsel vm13, $0x2B5, v1  }
0x17a: {  	v52 =	vld [tilespmem:$0x9D50];
	[tilespmem:$0x9FB0] =	vst v1  }
0x17b: {  	v34 =	vld.idx.msk [tilespmem:v35+s4+$0x0], $0xffff  }
0x17c: {  	[tilespmem:$0x1FF80] =	vst v53;
	v53 =	vld.idx.msk [tilespmem:v35+s9+$0x0], $0xffff;
	_ =	sdelay $0x2  }
0x17d: {  	v37 =	vshra.s32 v52, $0x5  }
0x17e: {  	v35 =	vand.u32 $0x1F, v49;
	v54 =	vshll.u32 v34, $0x5  }
0x17f: {  	vm14 =	vlt.u32 v35, $0x14;
	v0 =	vadd.s32 v53, v54  }
0x180: {  	[tilespmem:$0x1FF90] =	vst v55;
	v0 =	vnsel vm14, $0x2B5, v0  }
0x181: {  	v55 =	vld [tilespmem:$0x9D60];
	[tilespmem:$0x9FC0] =	vst v0  }
0x182: {  	v36 =	vld.idx.msk [tilespmem:v37+s4+$0x0], $0xffff  }
0x183: {  	v56 =	vld.idx.msk [tilespmem:v37+s9+$0x0], $0xffff;
	_ =	sdelay $0x2  }
0x184: {  	v39 =	vshra.s32 v55, $0x5  }
0x185: {  	v37 =	vand.u32 $0x1F, v52;
	v57 =	vshll.u32 v36, $0x5  }
0x186: {  	vm15 =	vlt.u32 v37, $0x14;
	v1 =	vadd.s32 v56, v57  }
0x187: {  	[tilespmem:$0x1FFA0] =	vst v58;
	v1 =	vnsel vm15, $0x2B5, v1  }
0x188: {  	v58 =	vld [tilespmem:$0x9D70];
	[tilespmem:$0x9FD0] =	vst v1  }
0x189: {  	v38 =	vld.idx.msk [tilespmem:v39+s4+$0x0], $0xffff  }
0x18a: {  	v59 =	vld.idx.msk [tilespmem:v39+s9+$0x0], $0xffff;
	_ =	sdelay $0x2  }
0x18b: {  	v41 =	vshra.s32 v58, $0x5  }
0x18c: {  	[tilespmem:$0x1FFB0] =	vst v60;
	v39 =	vand.u32 $0x1F, v55;
	v60 =	vshll.u32 v38, $0x5  }
0x18d: {  	vm4 =	vlt.u32 v39, $0x14;
	v0 =	vadd.s32 v59, v60  }
0x18e: {  	v0 =	vnsel vm4, $0x2B5, v0  }
0x18f: {  	v61 =	vld [tilespmem:$0x9D80];
	[tilespmem:$0x9FE0] =	vst v0  }
0x190: {  	v40 =	vld.idx.msk [tilespmem:v41+s4+$0x0], $0xffff  }
0x191: {  	v62 =	vld.idx.msk [tilespmem:v41+s9+$0x0], $0xffff;
	_ =	sdelay $0x2  }
0x192: {  	v43 =	vshra.s32 v61, $0x5  }
0x193: {  	[tilespmem:$0x1FFC0] =	vst v63;
	v41 =	vand.u32 $0x1F, v58;
	v63 =	vshll.u32 v40, $0x5  }
0x194: {  	vm5 =	vlt.u32 v41, $0x14;
	v1 =	vadd.s32 v62, v63  }
0x195: {  	[tilespmem:$0x1FF50] =	vst v4;
	v1 =	vnsel vm5, $0x2B5, v1  }
0x196: {  	v4 =	vld [tilespmem:$0x9D90];
	[tilespmem:$0x9FF0] =	vst v1  }
0x197: {  	v42 =	vld.idx.msk [tilespmem:v43+s9+$0x0], $0xffff  }
0x198: {  	v5 =	vld.idx.msk [tilespmem:v43+s4+$0x0], $0xffff;
	_ =	sdelay $0x2  }
0x199: {  	v45 =	vshra.s32 v4, $0x5  }
0x19a: {  	v43 =	vand.u32 $0x1F, v61;
	v6 =	vshll.u32 v42, $0x5  }
0x19b: {  	vm6 =	vlt.u32 v43, $0x14;
	v0 =	vadd.s32 v5, v6  }
0x19c: {  	v0 =	vnsel vm6, $0x2B5, v0  }
0x19d: {  	v7 =	vld [tilespmem:$0x9DA0];
	[tilespmem:$0xA000] =	vst v0  }
0x19e: {  	v44 =	vld.idx.msk [tilespmem:v45+s9+$0x0], $0xffff  }
0x19f: {  	v8 =	vld.idx.msk [tilespmem:v45+s4+$0x0], $0xffff;
	_ =	sdelay $0x2  }
0x1a0: {  	v47 =	vshra.s32 v7, $0x5  }
0x1a1: {  	[tilespmem:$0x1FFD0] =	vst v9;
	v45 =	vand.u32 $0x1F, v4;
	v9 =	vshll.u32 v44, $0x5  }
0x1a2: {  	vm7 =	vlt.u32 v45, $0x14;
	v1 =	vadd.s32 v8, v9  }
0x1a3: {  	v1 =	vnsel vm7, $0x2B5, v1  }
0x1a4: {  	v10 =	vld [tilespmem:$0x9DB0];
	[tilespmem:$0xA010] =	vst v1  }
0x1a5: {  	v46 =	vld.idx.msk [tilespmem:v47+s9+$0x0], $0xffff  }
0x1a6: {  	v11 =	vld.idx.msk [tilespmem:v47+s4+$0x0], $0xffff;
	_ =	sdelay $0x2  }
0x1a7: {  	v49 =	vshra.s32 v10, $0x5  }
0x1a8: {  	v47 =	vand.u32 $0x1F, v7;
	v12 =	vshll.u32 v46, $0x5  }
0x1a9: {  	vm8 =	vlt.u32 v47, $0x14;
	v0 =	vadd.s32 v11, v12  }
0x1aa: {  	v0 =	vnsel vm8, $0x2B5, v0  }
0x1ab: {  	v13 =	vld [tilespmem:$0x9DC0];
	[tilespmem:$0xA020] =	vst v0  }
0x1ac: {  	v48 =	vld.idx.msk [tilespmem:v49+s9+$0x0], $0xffff  }
0x1ad: {  	v56 =	vld.idx.msk [tilespmem:v49+s4+$0x0], $0xffff;
	_ =	sdelay $0x2  }
0x1ae: {  	v51 =	vshra.s32 v13, $0x5  }
0x1af: {  	v49 =	vand.u32 $0x1F, v10;
	v57 =	vshll.u32 v48, $0x5  }
0x1b0: {  	vm9 =	vlt.u32 v49, $0x14;
	v1 =	vadd.s32 v56, v57  }
0x1b1: {  	v1 =	vnsel vm9, $0x2B5, v1  }
0x1b2: {  	v58 =	vld [tilespmem:$0x9DD0];
	[tilespmem:$0xA030] =	vst v1  }
0x1b3: {  	v50 =	vld.idx.msk [tilespmem:v51+s9+$0x0], $0xffff  }
0x1b4: {  	v59 =	vld.idx.msk [tilespmem:v51+s4+$0x0], $0xffff;
	_ =	sdelay $0x2  }
0x1b5: {  	v53 =	vshra.s32 v58, $0x5  }
0x1b6: {  	v51 =	vand.u32 $0x1F, v13;
	v60 =	vshll.u32 v50, $0x5  }
0x1b7: {  	vm10 =	vlt.u32 v51, $0x14;
	v0 =	vadd.s32 v59, v60  }
0x1b8: {  	v0 =	vnsel vm10, $0x2B5, v0  }
0x1b9: {  	v61 =	vld [tilespmem:$0x9DE0];
	[tilespmem:$0xA040] =	vst v0  }
0x1ba: {  	v52 =	vld.idx.msk [tilespmem:v53+s9+$0x0], $0xffff  }
0x1bb: {  	v62 =	vld.idx.msk [tilespmem:v53+s4+$0x0], $0xffff;
	_ =	sdelay $0x2  }
0x1bc: {  	v55 =	vshra.s32 v61, $0x5  }
0x1bd: {  	v53 =	vand.u32 $0x1F, v58;
	v63 =	vshll.u32 v52, $0x5  }
0x1be: {  	vm11 =	vlt.u32 v53, $0x14;
	v1 =	vadd.s32 v62, v63  }
0x1bf: {  	v1 =	vnsel vm11, $0x2B5, v1  }
0x1c0: {  	v4 =	vld [tilespmem:$0x9DF0];
	[tilespmem:$0xA050] =	vst v1  }
0x1c1: {  	v54 =	vld.idx.msk [tilespmem:v55+s9+$0x0], $0xffff  }
0x1c2: {  	v5 =	vld.idx.msk [tilespmem:v55+s4+$0x0], $0xffff;
	_ =	sdelay $0x2  }
0x1c3: {  	v57 =	vshra.s32 v4, $0x5  }
0x1c4: {  	v55 =	vand.u32 $0x1F, v61;
	v6 =	vshll.u32 v54, $0x5  }
0x1c5: {  	vm12 =	vlt.u32 v55, $0x14;
	v0 =	vadd.s32 v5, v6  }
0x1c6: {  	v0 =	vnsel vm12, $0x2B5, v0  }
0x1c7: {  	v7 =	vld [tilespmem:$0x9E00];
	[tilespmem:$0xA060] =	vst v0  }
0x1c8: {  	v56 =	vld.idx.msk [tilespmem:v57+s9+$0x0], $0xffff  }
0x1c9: {  	v8 =	vld.idx.msk [tilespmem:v57+s4+$0x0], $0xffff;
	_ =	sdelay $0x2  }
0x1ca: {  	v59 =	vshra.s32 v7, $0x5  }
0x1cb: {  	v57 =	vand.u32 $0x1F, v4;
	v9 =	vshll.u32 v56, $0x5  }
0x1cc: {  	vm13 =	vlt.u32 v57, $0x14;
	v1 =	vadd.s32 v8, v9  }
0x1cd: {  	v1 =	vnsel vm13, $0x2B5, v1  }
0x1ce: {  	v10 =	vld [tilespmem:$0x9E10];
	[tilespmem:$0xA070] =	vst v1  }
0x1cf: {  	v58 =	vld.idx.msk [tilespmem:v59+s9+$0x0], $0xffff  }
0x1d0: {  	v11 =	vld.idx.msk [tilespmem:v59+s4+$0x0], $0xffff;
	_ =	sdelay $0x2  }
0x1d1: {  	v61 =	vshra.s32 v10, $0x5  }
0x1d2: {  	v59 =	vand.u32 $0x1F, v7;
	v12 =	vshll.u32 v58, $0x5  }
0x1d3: {  	vm14 =	vlt.u32 v59, $0x14;
	v0 =	vadd.s32 v11, v12  }
0x1d4: {  	v0 =	vnsel vm14, $0x2B5, v0  }
0x1d5: {  	v13 =	vld [tilespmem:$0x9E20];
	[tilespmem:$0xA080] =	vst v0  }
0x1d6: {  	v60 =	vld.idx.msk [tilespmem:v61+s9+$0x0], $0xffff  }
0x1d7: {  	v0 =	vld.idx.msk [tilespmem:v61+s4+$0x0], $0xffff;
	_ =	sdelay $0x2  }
0x1d8: {  	v63 =	vshra.s32 v13, $0x5  }
0x1d9: {  	v61 =	vand.u32 $0x1F, v10;
	v5 =	vshll.u32 v60, $0x5  }
0x1da: {  	vm15 =	vlt.u32 v61, $0x14;
	v1 =	vadd.s32 v0, v5  }
0x1db: {  	v1 =	vnsel vm15, $0x2B5, v1  }
0x1dc: {  	[tilespmem:$0xA090] =	vst v1;
	v1 =	vld [tilespmem:$0x9E30]  }
0x1dd: {  	v62 =	vld.idx.msk [tilespmem:v63+s9+$0x0], $0xffff  }
0x1de: {  	v6 =	vld.idx.msk [tilespmem:v63+s4+$0x0], $0xffff;
	_ =	sdelay $0x2  }
0x1df: {  	v7 =	vshra.s32 v1, $0x5  }
0x1e0: {  	v63 =	vand.u32 $0x1F, v13;
	v11 =	vshll.u32 v62, $0x5  }
0x1e1: {  	vm4 =	vlt.u32 v63, $0x14;
	v2 =	vadd.s32 v6, v11  }
0x1e2: {  	v2 =	vnsel vm4, $0x2B5, v2  }
0x1e3: {  	v12 =	vld [tilespmem:$0x9E40];
	[tilespmem:$0xA0A0] =	vst v2  }
0x1e4: {  	v10 =	vld.idx.msk [tilespmem:v7+s9+$0x0], $0xffff  }
0x1e5: {  	v2 =	vld.idx.msk [tilespmem:v7+s4+$0x0], $0xffff;
	_ =	sdelay $0x2  }
0x1e6: {  	v13 =	vshra.s32 v12, $0x5  }
0x1e7: {  	v6 =	vand.u32 $0x1F, v1;
	v8 =	vshll.u32 v10, $0x5  }
0x1e8: {  	vm5 =	vlt.u32 v6, $0x14;
	v2 =	vadd.s32 v2, v8  }
0x1e9: {  	v2 =	vnsel vm5, $0x2B5, v2  }
0x1ea: {  	v5 =	vld [tilespmem:$0x9E50];
	[tilespmem:$0xA0B0] =	vst v2  }
0x1eb: {  	v8 =	vld.idx.msk [tilespmem:v13+s9+$0x0], $0xffff  }
0x1ec: {  	v9 =	vld.idx.msk [tilespmem:v13+s4+$0x0], $0xffff;
	_ =	sdelay $0x2  }
0x1ed: {  	v11 =	vshra.s32 v5, $0x5  }
0x1ee: {  	v4 =	vand.u32 $0x1F, v12;
	v12 =	vshll.u32 v8, $0x5  }
0x1ef: {  	vm6 =	vlt.u32 v4, $0x14;
	v1 =	vadd.s32 v9, v12  }
0x1f0: {  	v1 =	vnsel vm6, $0x2B5, v1  }
0x1f1: {  	[tilespmem:$0xA0C0] =	vst v1  }
0x1f2: {  	v7 =	vld.idx.msk [tilespmem:v11+s9+$0x0], $0xffff  }
0x1f3: {  	v2 =	vld.idx.msk [tilespmem:v11+s4+$0x0], $0xffff;
	_ =	sdelay $0x2  }
0x1f4: {  	[tilespmem:$0x1FF40] =	vst v3;
	v1 =	vld [tilespmem:$0x9E60]  }
0x1f5: {  	v11 =	vld [tilespmem:$0x1FF40];
	v12 =	vshll.u32 v7, $0x5  }
0x1f6: {  	v2 =	vadd.s32 v2, v12;
	v12 =	vld [tilespmem:$0x1FF50];
	_ =	sdelay $0x3  }
0x1f7: {  	v13 =	vshra.s32 v1, $0x5  }
0x1f8: {  	v5 =	vand.u32 $0x1F, v5;
	vm9 =	vlt.s32 v12, v11;
	v11 =	vld [tilespmem:$0x1FF60]  }
0x1f9: {  	vm7 =	vlt.u32 v5, $0x14;
	v12 =	vld [tilespmem:$0x1FF70]  }
0x1fa: {  	v2 =	vnsel vm7, $0x2B5, v2  }
0x1fb: {  	[tilespmem:$0xA0D0] =	vst v2  }
0x1fc: {  	v9 =	vld.idx.msk [tilespmem:v13+s9+$0x0], $0xffff  }
0x1fd: {  	v2 =	vld.idx.msk [tilespmem:v13+s4+$0x0], $0xffff  }
0x1fe: {  	vm1 =	vlt.s32 v12, v11;
	v11 =	vld [tilespmem:$0x1FF80]  }
0x1ff: {  	v12 =	vld [tilespmem:$0x1FF90];
	_ =	sdelay $0x2  }
0x200: {  	v13 =	vshll.u32 v9, $0x5  }
0x201: {  	v2 =	vadd.s32 v2, v13;
	v13 =	vld [tilespmem:$0x1FFB0]  }
0x202: {  	vm2 =	vlt.s32 v12, v11;
	v12 =	vld [tilespmem:$0x1FFA0];
	_ =	sdelay $0x2  }
0x203: {  	v3 =	vld [tilespmem:$0x9E70];
	_ =	sdelay $0x1  }
0x204: {  	vm10 =	vlt.s32 v13, v12;
	v12 =	vld [tilespmem:$0x1FFC0]  }
0x205: {  	v13 =	vld [tilespmem:$0x1FFD0]  }
0x206: {  	v1 =	vand.u32 $0x1F, v1  }
0x207: {  	v0 =	vshra.s32 v3, $0x5;
	vm8 =	vlt.u32 v1, $0x14  }
0x208: {  	v2 =	vnsel vm8, $0x2B5, v2  }
0x209: {  	[tilespmem:$0xA0E0] =	vst v2;
	v2 =	vld [tilespmem:$0x9E80]  }
0x20a: {  	vm11 =	vlt.s32 v13, v12;
	v12 =	vld [tilespmem:$0x1FFE0]  }
0x20b: {  	v13 =	vld [tilespmem:$0x1FFF0]  }
0x20c: {  	v11 =	vld.idx.msk [tilespmem:v0+s9+$0x0], $0xffff  }
0x20d: {  	v0 =	vld.idx.msk [tilespmem:v0+s4+$0x0], $0xffff;
	_ =	sdelay $0x1  }
0x20e: {  	vm14 =	vlt.s32 v17, v16  }
0x20f: {  	vm0 =	vmor vm9, vm1;
	vm12 =	vlt.s32 v13, v12;
	v12 =	vshra.s32 v2, $0x5  }
0x210: {  	v3 =	vand.u32 $0x1F, v3;
	vm0 =	vmor vm0, vm2;
	v17 =	vshll.u32 v11, $0x5  }
0x211: {  	vm15 =	vlt.u32 v3, $0x14;
	vm0 =	vmor vm0, vm10;
	v0 =	vadd.s32 v0, v17  }
0x212: {  	v0 =	vnsel vm15, $0x2B5, v0;
	vm0 =	vmor vm0, vm11  }
0x213: {  	vm13 =	vlt.s32 v15, v14;
	vm5 =	vlt.s32 v21, v20;
	v21 =	vld [tilespmem:$0x9E90];
	[tilespmem:$0xA0F0] =	vst v0;
	vm0 =	vmor vm0, vm12  }
0x214: {  	vm6 =	vlt.s32 v23, v22;
	vm0 =	vmor vm0, vm13;
	v23 =	vld.idx.msk [tilespmem:v12+s9+$0x0], $0xffff  }
0x215: {  	vm4 =	vlt.s32 v19, v18;
	vm0 =	vmor vm0, vm14;
	v12 =	vld.idx.msk [tilespmem:v12+s4+$0x0], $0xffff  }
0x216: {  	vm7 =	vlt.s32 v25, v24;
	vm8 =	vlt.s32 v27, v26;
	vm0 =	vmor vm0, vm4  }
0x217: {  	vm9 =	vlt.s32 v29, v28;
	vm10 =	vlt.s32 v31, v30;
	vm0 =	vmor vm0, vm5  }
0x218: {  	v31 =	vshra.s32 v21, $0x5;
	vm11 =	vlt.s32 v33, v32;
	vm0 =	vmor vm0, vm6  }
0x219: {  	v2 =	vand.u32 $0x1F, v2;
	vm0 =	vmor vm0, vm7;
	v33 =	vshll.u32 v23, $0x5  }
0x21a: {  	vm12 =	vlt.u32 v2, $0x14;
	vm0 =	vmor vm0, vm8;
	v12 =	vadd.s32 v12, v33  }
0x21b: {  	vm0 =	vmor vm0, vm9;
	v12 =	vnsel vm12, $0x2B5, v12  }
0x21c: {  	vm14 =	vlt.s32 v37, v36;
	v37 =	vld [tilespmem:$0x9EA0];
	vm0 =	vmor vm0, vm10;
	[tilespmem:$0xA100] =	vst v12  }
0x21d: {  	vm15 =	vlt.s32 v39, v38;
	vm13 =	vlt.s32 v35, v34;
	vm0 =	vmor vm0, vm11;
	v39 =	vld.idx.msk [tilespmem:v31+s9+$0x0], $0xffff  }
0x21e: {  	vm0 =	vmor vm0, vm13;
	v14 =	vld.idx.msk [tilespmem:v31+s4+$0x0], $0xffff  }
0x21f: {  	v0 =	vand.u32 $0x1F, v21;
	vm4 =	vlt.s32 v41, v40;
	vm0 =	vmor vm0, vm14  }
0x220: {  	vm5 =	vlt.s32 v43, v42;
	vm6 =	vlt.s32 v45, v44;
	vm0 =	vmor vm0, vm15  }
0x221: {  	vm7 =	vlt.s32 v47, v46;
	v47 =	vshra.s32 v37, $0x5;
	vm0 =	vmor vm0, vm4  }
0x222: {  	vm8 =	vlt.s32 v49, v48;
	vm0 =	vmor vm0, vm5;
	v49 =	vshll.u32 v39, $0x5  }
0x223: {  	vm9 =	vlt.u32 v0, $0x14;
	vm0 =	vmor vm0, vm6;
	v14 =	vadd.s32 v14, v49  }
0x224: {  	vm0 =	vmor vm0, vm7;
	v14 =	vnsel vm9, $0x2B5, v14  }
0x225: {  	vm10 =	vlt.s32 v51, v50;
	vm11 =	vlt.s32 v53, v52;
	v53 =	vld [tilespmem:$0x9EB0];
	vm0 =	vmor vm0, vm8;
	[tilespmem:$0xA110] =	vst v14  }
0x226: {  	vm12 =	vlt.s32 v55, v54;
	vm0 =	vmor vm0, vm10;
	v54 =	vld.idx.msk [tilespmem:v47+s9+$0x0], $0xffff  }
0x227: {  	vm0 =	vmor vm0, vm11;
	v16 =	vld.idx.msk [tilespmem:v47+s4+$0x0], $0xffff  }
0x228: {  	vm13 =	vlt.s32 v57, v56;
	v56 =	vand.u32 $0x1F, v37;
	vm0 =	vmor vm0, vm12  }
0x229: {  	vm14 =	vlt.s32 v59, v58;
	vm15 =	vlt.s32 v61, v60;
	vm0 =	vmor vm0, vm13  }
0x22a: {  	vm4 =	vlt.s32 v63, v62;
	v55 =	vshra.s32 v53, $0x5;
	vm0 =	vmor vm0, vm14  }
0x22b: {  	vm5 =	vlt.s32 v6, v10;
	vm0 =	vmor vm0, vm15;
	v57 =	vshll.u32 v54, $0x5  }
0x22c: {  	vm6 =	vlt.u32 v56, $0x14;
	vm0 =	vmor vm0, vm4;
	v10 =	vadd.s32 v16, v57  }
0x22d: {  	vm7 =	vlt.s32 v4, v8;
	vm0 =	vmor vm0, vm5;
	v10 =	vnsel vm6, $0x2B5, v10  }
0x22e: {  	vm8 =	vlt.s32 v5, v7;
	vm0 =	vmor vm0, vm7;
	[tilespmem:$0xA120] =	vst v10  }
0x22f: {  	vm9 =	vlt.s32 v1, v9;
	vm0 =	vmor vm0, vm8;
	v58 =	vld.idx.msk [tilespmem:v55+s9+$0x0], $0xffff  }
0x230: {  	vm10 =	vlt.s32 v3, v11;
	vm0 =	vmor vm0, vm9  }
0x231: {  	vm11 =	vlt.s32 v2, v23;
	vm0 =	vmor vm0, vm10  }
0x232: {  	vm12 =	vlt.s32 v0, v39;
	vm0 =	vmor vm0, vm11  }
0x233: {  	v60 =	vand.u32 $0x1F, v53;
	vm13 =	vlt.s32 v56, v54;
	vm0 =	vmor vm0, vm12  }
0x234: {  	vm0 =	vmor vm0, vm13;
	vm14 =	vlt.s32 v60, v58  }
0x235: {  	v59 =	vimm.f32 $0.0e+00;
	vm0 =	vmor vm0, vm14  }
0x236: {  	v61 =	vsel vm0, $0x3F800000, v59  }
0x237: {  	(xrf0) =	vmax.scan.msk.f32 $0xffff, v61;
	_ =	sdelay $0x5  }
0x238: {  	v2, _, _ =	vpop (xrf0)  }
0x239: {  	(v2sf) =	vpush v2, $0xF;
	_ =	sdelay $0xd  }
0x23a: {  	v62 =	vld.idx.msk [tilespmem:v55+s4+$0x0], $0xffff  }
0x23b: {  	s14 =	spop (v2sf)  }
0x23c: {  	p0 =	sgt.f32 s14, $0.0e+00  }
.Ltmp1:
0x23d: {  	_ = 	snop;
	(pc) =	sbr.rel @p0 .LBB2_5-.Ltmp1, $4  }
0x23e: {  	v1 =	vshll.u32 v58, $0x5  }
0x23f: {  	vm15 =	vlt.u32 v60, $0x14;
	v63 =	vadd.s32 v62, v1  }
0x240: {  	v0 =	vnsel vm15, $0x2B5, v63  }
0x241: {  	[tilespmem:$0xA130] =	vst v0  }
0x242: {  	v0 =	vld [tilespmem:$0x9C40];
	_ =	sdelay $0x4  }
0x243: {  	v0 =	vshra.s32 v0, $0x5;
	_ =	sdelay $0x3  }
0x244: {  	v1 =	vimm.s32 $0x14  }
0x245: {  	[tilespmem:v0+s4+$0x0] =	vst.idx.msk $0xffff, v1  }
0x246: {  	v0 =	vld [tilespmem:$0x9C50];
	_ =	sdelay $0x4  }
0x247: {  	v0 =	vshra.s32 v0, $0x5;
	_ =	sdelay $0x4  }
0x248: {  	[tilespmem:v0+s4+$0x0] =	vst.idx.msk $0xffff, v1  }
0x249: {  	v0 =	vld [tilespmem:$0x9C60];
	_ =	sdelay $0x4  }
0x24a: {  	v0 =	vshra.s32 v0, $0x5;
	_ =	sdelay $0x4  }
0x24b: {  	[tilespmem:v0+s4+$0x0] =	vst.idx.msk $0xffff, v1  }
0x24c: {  	v0 =	vld [tilespmem:$0x9C70];
	_ =	sdelay $0x4  }
0x24d: {  	v0 =	vshra.s32 v0, $0x5;
	_ =	sdelay $0x4  }
0x24e: {  	[tilespmem:v0+s4+$0x0] =	vst.idx.msk $0xffff, v1  }
0x24f: {  	v0 =	vld [tilespmem:$0x9C80];
	_ =	sdelay $0x4  }
0x250: {  	v0 =	vshra.s32 v0, $0x5;
	_ =	sdelay $0x4  }
0x251: {  	[tilespmem:v0+s4+$0x0] =	vst.idx.msk $0xffff, v1  }
0x252: {  	v0 =	vld [tilespmem:$0x9C90];
	_ =	sdelay $0x4  }
0x253: {  	v0 =	vshra.s32 v0, $0x5;
	_ =	sdelay $0x4  }
0x254: {  	[tilespmem:v0+s4+$0x0] =	vst.idx.msk $0xffff, v1  }
0x255: {  	v0 =	vld [tilespmem:$0x9CA0];
	_ =	sdelay $0x4  }
0x256: {  	v0 =	vshra.s32 v0, $0x5;
	_ =	sdelay $0x4  }
0x257: {  	[tilespmem:v0+s4+$0x0] =	vst.idx.msk $0xffff, v1  }
0x258: {  	v0 =	vld [tilespmem:$0x9CB0];
	_ =	sdelay $0x4  }
0x259: {  	v0 =	vshra.s32 v0, $0x5;
	_ =	sdelay $0x4  }
0x25a: {  	[tilespmem:v0+s4+$0x0] =	vst.idx.msk $0xffff, v1  }
0x25b: {  	v0 =	vld [tilespmem:$0x9CC0];
	_ =	sdelay $0x4  }
0x25c: {  	v0 =	vshra.s32 v0, $0x5;
	_ =	sdelay $0x4  }
0x25d: {  	[tilespmem:v0+s4+$0x0] =	vst.idx.msk $0xffff, v1  }
0x25e: {  	v0 =	vld [tilespmem:$0x9CD0];
	_ =	sdelay $0x4  }
0x25f: {  	v0 =	vshra.s32 v0, $0x5;
	_ =	sdelay $0x4  }
0x260: {  	[tilespmem:v0+s4+$0x0] =	vst.idx.msk $0xffff, v1  }
0x261: {  	v0 =	vld [tilespmem:$0x9CE0];
	_ =	sdelay $0x4  }
0x262: {  	v0 =	vshra.s32 v0, $0x5;
	_ =	sdelay $0x4  }
0x263: {  	[tilespmem:v0+s4+$0x0] =	vst.idx.msk $0xffff, v1  }
0x264: {  	v0 =	vld [tilespmem:$0x9CF0];
	_ =	sdelay $0x4  }
0x265: {  	v0 =	vshra.s32 v0, $0x5;
	_ =	sdelay $0x4  }
0x266: {  	[tilespmem:v0+s4+$0x0] =	vst.idx.msk $0xffff, v1  }
0x267: {  	v0 =	vld [tilespmem:$0x9D00];
	_ =	sdelay $0x4  }
0x268: {  	v0 =	vshra.s32 v0, $0x5;
	_ =	sdelay $0x4  }
0x269: {  	[tilespmem:v0+s4+$0x0] =	vst.idx.msk $0xffff, v1  }
0x26a: {  	v0 =	vld [tilespmem:$0x9D10];
	_ =	sdelay $0x4  }
0x26b: {  	v0 =	vshra.s32 v0, $0x5;
	_ =	sdelay $0x4  }
0x26c: {  	[tilespmem:v0+s4+$0x0] =	vst.idx.msk $0xffff, v1  }
0x26d: {  	v0 =	vld [tilespmem:$0x9D20];
	_ =	sdelay $0x4  }
0x26e: {  	v0 =	vshra.s32 v0, $0x5;
	_ =	sdelay $0x4  }
0x26f: {  	[tilespmem:v0+s4+$0x0] =	vst.idx.msk $0xffff, v1  }
0x270: {  	v0 =	vld [tilespmem:$0x9D30];
	_ =	sdelay $0x4  }
0x271: {  	v0 =	vshra.s32 v0, $0x5;
	_ =	sdelay $0x4  }
0x272: {  	[tilespmem:v0+s4+$0x0] =	vst.idx.msk $0xffff, v1  }
0x273: {  	v0 =	vld [tilespmem:$0x9D40];
	_ =	sdelay $0x4  }
0x274: {  	v0 =	vshra.s32 v0, $0x5;
	_ =	sdelay $0x4  }
0x275: {  	[tilespmem:v0+s4+$0x0] =	vst.idx.msk $0xffff, v1  }
0x276: {  	v0 =	vld [tilespmem:$0x9D50];
	_ =	sdelay $0x4  }
0x277: {  	v0 =	vshra.s32 v0, $0x5;
	_ =	sdelay $0x4  }
0x278: {  	[tilespmem:v0+s4+$0x0] =	vst.idx.msk $0xffff, v1  }
0x279: {  	v0 =	vld [tilespmem:$0x9D60];
	_ =	sdelay $0x4  }
0x27a: {  	v0 =	vshra.s32 v0, $0x5;
	_ =	sdelay $0x4  }
0x27b: {  	[tilespmem:v0+s4+$0x0] =	vst.idx.msk $0xffff, v1  }
0x27c: {  	v0 =	vld [tilespmem:$0x9D70];
	_ =	sdelay $0x4  }
0x27d: {  	v0 =	vshra.s32 v0, $0x5;
	_ =	sdelay $0x4  }
0x27e: {  	[tilespmem:v0+s4+$0x0] =	vst.idx.msk $0xffff, v1  }
0x27f: {  	v0 =	vld [tilespmem:$0x9D80];
	_ =	sdelay $0x4  }
0x280: {  	v0 =	vshra.s32 v0, $0x5;
	_ =	sdelay $0x4  }
0x281: {  	[tilespmem:v0+s9+$0x0] =	vst.idx.msk $0xffff, v1  }
0x282: {  	v0 =	vld [tilespmem:$0x9D90];
	_ =	sdelay $0x4  }
0x283: {  	v0 =	vshra.s32 v0, $0x5;
	_ =	sdelay $0x4  }
0x284: {  	[tilespmem:v0+s9+$0x0] =	vst.idx.msk $0xffff, v1  }
0x285: {  	v0 =	vld [tilespmem:$0x9DA0];
	_ =	sdelay $0x4  }
0x286: {  	v0 =	vshra.s32 v0, $0x5;
	_ =	sdelay $0x4  }
0x287: {  	[tilespmem:v0+s9+$0x0] =	vst.idx.msk $0xffff, v1  }
0x288: {  	v0 =	vld [tilespmem:$0x9DB0];
	_ =	sdelay $0x4  }
0x289: {  	v0 =	vshra.s32 v0, $0x5;
	_ =	sdelay $0x4  }
0x28a: {  	[tilespmem:v0+s9+$0x0] =	vst.idx.msk $0xffff, v1  }
0x28b: {  	v0 =	vld [tilespmem:$0x9DC0];
	_ =	sdelay $0x4  }
0x28c: {  	v0 =	vshra.s32 v0, $0x5;
	_ =	sdelay $0x4  }
0x28d: {  	[tilespmem:v0+s9+$0x0] =	vst.idx.msk $0xffff, v1  }
0x28e: {  	v0 =	vld [tilespmem:$0x9DD0];
	_ =	sdelay $0x4  }
0x28f: {  	v0 =	vshra.s32 v0, $0x5;
	_ =	sdelay $0x4  }
0x290: {  	[tilespmem:v0+s9+$0x0] =	vst.idx.msk $0xffff, v1  }
0x291: {  	v0 =	vld [tilespmem:$0x9DE0];
	_ =	sdelay $0x4  }
0x292: {  	v0 =	vshra.s32 v0, $0x5;
	_ =	sdelay $0x4  }
0x293: {  	[tilespmem:v0+s9+$0x0] =	vst.idx.msk $0xffff, v1  }
0x294: {  	v0 =	vld [tilespmem:$0x9DF0];
	_ =	sdelay $0x4  }
0x295: {  	v0 =	vshra.s32 v0, $0x5;
	_ =	sdelay $0x4  }
0x296: {  	[tilespmem:v0+s9+$0x0] =	vst.idx.msk $0xffff, v1  }
0x297: {  	v0 =	vld [tilespmem:$0x9E00];
	_ =	sdelay $0x4  }
0x298: {  	v0 =	vshra.s32 v0, $0x5;
	_ =	sdelay $0x4  }
0x299: {  	[tilespmem:v0+s9+$0x0] =	vst.idx.msk $0xffff, v1  }
0x29a: {  	v0 =	vld [tilespmem:$0x9E10];
	_ =	sdelay $0x4  }
0x29b: {  	v0 =	vshra.s32 v0, $0x5;
	_ =	sdelay $0x4  }
0x29c: {  	[tilespmem:v0+s9+$0x0] =	vst.idx.msk $0xffff, v1  }
0x29d: {  	v0 =	vld [tilespmem:$0x9E20];
	_ =	sdelay $0x4  }
0x29e: {  	v0 =	vshra.s32 v0, $0x5;
	_ =	sdelay $0x4  }
0x29f: {  	[tilespmem:v0+s9+$0x0] =	vst.idx.msk $0xffff, v1  }
0x2a0: {  	v0 =	vld [tilespmem:$0x9E30];
	_ =	sdelay $0x4  }
0x2a1: {  	v0 =	vshra.s32 v0, $0x5;
	_ =	sdelay $0x4  }
0x2a2: {  	[tilespmem:v0+s9+$0x0] =	vst.idx.msk $0xffff, v1  }
0x2a3: {  	v0 =	vld [tilespmem:$0x9E40];
	_ =	sdelay $0x4  }
0x2a4: {  	v0 =	vshra.s32 v0, $0x5;
	_ =	sdelay $0x4  }
0x2a5: {  	[tilespmem:v0+s9+$0x0] =	vst.idx.msk $0xffff, v1  }
0x2a6: {  	v0 =	vld [tilespmem:$0x9E50];
	_ =	sdelay $0x4  }
0x2a7: {  	v0 =	vshra.s32 v0, $0x5;
	_ =	sdelay $0x4  }
0x2a8: {  	[tilespmem:v0+s9+$0x0] =	vst.idx.msk $0xffff, v1  }
0x2a9: {  	v0 =	vld [tilespmem:$0x9E60];
	_ =	sdelay $0x4  }
0x2aa: {  	v0 =	vshra.s32 v0, $0x5;
	_ =	sdelay $0x4  }
0x2ab: {  	[tilespmem:v0+s9+$0x0] =	vst.idx.msk $0xffff, v1  }
0x2ac: {  	v0 =	vld [tilespmem:$0x9E70];
	_ =	sdelay $0x4  }
0x2ad: {  	v0 =	vshra.s32 v0, $0x5;
	_ =	sdelay $0x4  }
0x2ae: {  	[tilespmem:v0+s9+$0x0] =	vst.idx.msk $0xffff, v1  }
0x2af: {  	v0 =	vld [tilespmem:$0x9E80];
	_ =	sdelay $0x4  }
0x2b0: {  	v0 =	vshra.s32 v0, $0x5;
	_ =	sdelay $0x4  }
0x2b1: {  	[tilespmem:v0+s9+$0x0] =	vst.idx.msk $0xffff, v1  }
0x2b2: {  	v0 =	vld [tilespmem:$0x9E90];
	_ =	sdelay $0x4  }
0x2b3: {  	v0 =	vshra.s32 v0, $0x5;
	_ =	sdelay $0x4  }
0x2b4: {  	[tilespmem:v0+s9+$0x0] =	vst.idx.msk $0xffff, v1  }
0x2b5: {  	v0 =	vld [tilespmem:$0x9EA0];
	_ =	sdelay $0x4  }
0x2b6: {  	v0 =	vshra.s32 v0, $0x5;
	_ =	sdelay $0x4  }
0x2b7: {  	[tilespmem:v0+s9+$0x0] =	vst.idx.msk $0xffff, v1  }
0x2b8: {  	v0 =	vld [tilespmem:$0x9EB0];
	_ =	sdelay $0x4  }
0x2b9: {  	v0 =	vshra.s32 v0, $0x5;
	_ =	sdelay $0x2  }
0x2ba: {  	s12 =	sadd.s32 $0x1, s12  }
0x2bb: {  	p0 =	sne.s32 s12, $0x20  }
.Ltmp2:
0x2bc: {  	s13 =	sadd.s32 s2, s13;
	[tilespmem:v0+s9+$0x0] =	vst.idx.msk $0xffff, v1;
	(pc) =	sbr.rel @p0 .LBB2_4-.Ltmp2, $4  }
0x2bd: {  	[hbm4b:s13+s4] =	stream.linear.scatter [tilespmem:s10], [sflag:$0x1], $0x280, $0x38;
	[tilespmem:$0xA140] =	vst v63  }
0x2be: {  	_ =	swait.ge [sflag:s8], $0x280  }
0x2bf: {  	[sflag:s8] =	ssyncset.done $0x0  }
0x2c0: {  	[sflag:s8] =	ssyncadd.s32 $0xFFFFFD80  }
0x2c1: {  	s11 =	sadd.s32 $0x1, s11  }
0x2c2: {  	p0 =	sne.s32 s11, s6  }
.Ltmp3:
0x2c3: {  	_ = 	snop;
	(pc) =	sbr.rel @p0 .LBB2_1-.Ltmp3, $1  }
0x2c4: {  	_ =	sdelay $0x3  }
0x2c5: {  	_ =	sfence.sel $0x180000  }
0x2c6: {  	[bflag:$0x0] =	sbarrier.arrive $0xFFFF  }
0x2c7: {  	p0 =	sne.s32 s3, $0x0;
	_ =	strace $0x90000047  }
0x2c8: {  	s0 =	sadd.s32 @!p0 $0x100000, s0;
	[bflag:$0x2] =	sbarrier.arrive $0xFFFF  }
0x2c9: {  	[sflag:s0] =	ssyncadd.tile.s32 @!p0 $0x1;
	_ =	shalt  }
.Lfunc_end2:
_tile_overlayer_lowered:
.L_overlay_start_2:
0x2ca: {  	(tag) =	ssettag $0x2  }
0x2cb: {  	s0 =	rddreg [dreg:$0x0];
	s2 =	stileid.u32  }
0x2cc: {  	s1 =	rddreg [dreg:$0x1];
	p0 =	sne.s32 s2, $0x0  }
0x2cd: {  	s3 =	rddreg [dreg:$0x2];
	[bflag:$0x3] =	sbarrier.arrive $0xFFFF;
	s2 =	simm.s32 @!p0 $0x1C01  }
0x2ce: {  	[timem:s3], [sflag:s2] =	dma.local @!p0 [hbm:s0], s1  }
0x2cf: {  	s0 =	simm.s32 @!p0 $0x1  }
0x2d0: {  	_ =	swait.ge @!p0 [sflag:s0], s1  }
0x2d1: {  	s1 =	ssub.s32 @!p0 $0x0, s1;
	[sflag:s0] =	ssyncset.done @!p0 $0x0  }
0x2d2: {  	[sflag:s0] =	ssyncadd.s32 @!p0 s1  }
0x2d3: {  	[bflag:$0x3] =	sbarrier.arrive $0xFFFF  }
0x2d4: {  	_ =	shalt  }

</sc_bundles>
